<compile_context>
chip_gen: v7x
topology: tpu7x:2x2x1
jax: 0.10.2.dev20260603
libtpu: 0.0.44.dev20260713+nightly
codegen_flags: <defaults>
</compile_context>

<pallas_src>
import functools

import jax
import jax.numpy as jnp
from jax import lax
from jax.experimental import pallas as pl
from jax.experimental.pallas import tpu as pltpu
from jax.experimental.pallas import tpu_sc as plsc

_BATCH = 16384
_FEAT = 512
_LANES = 16
_CHUNK = 16
_NBUF = 4
_FVEC = _FEAT // _LANES


def _make_sc_partials():
    info = plsc.get_sparse_core_info()
    nc, ns = info.num_cores, info.num_subcores
    nw = nc * ns
    rows_per_w = _BATCH // nw
    nchunk = rows_per_w // _CHUNK

    mesh = plsc.VectorSubcoreMesh(core_axis_name="c", subcore_axis_name="s")

    @functools.partial(
        pl.kernel,
        mesh=mesh,
        compiler_params=pltpu.CompilerParams(needs_layout_passes=False),
        out_type=jax.ShapeDtypeStruct((nw, _LANES), jnp.float32),
        scratch_types=(
            [pltpu.VMEM((nchunk, _CHUNK), jnp.int32)]
            + [pltpu.VMEM((_CHUNK, _FEAT), jnp.float32)] * (2 * _NBUF)
            + [pltpu.VMEM((_LANES,), jnp.float32)]
            + [pltpu.SemaphoreType.DMA] * (2 * _NBUF)
        ),
    )
    def sc_kernel(x_hbm, lab_hbm, cen_hbm, out_hbm, idx_v, *rest):
        x_bufs = rest[:_NBUF]
        c_bufs = rest[_NBUF:2 * _NBUF]
        part_v = rest[2 * _NBUF]
        sem_x = rest[2 * _NBUF + 1:3 * _NBUF + 1]
        sem_c = rest[3 * _NBUF + 1:4 * _NBUF + 1]
        wid = lax.axis_index("s") * nc + lax.axis_index("c")
        base = wid * rows_per_w

        def issue_x(ci, b):
            pltpu.async_copy(
                x_hbm.at[pl.ds(base + ci * _CHUNK, _CHUNK)], x_bufs[b],
                sem_x[b])

        def issue_c(ci, b):
            pltpu.async_copy(
                cen_hbm.at[idx_v.at[ci]], c_bufs[b], sem_c[b])

        def issue(ci, b):
            issue_x(ci, b)
            issue_c(ci, b)

        for p in range(_NBUF - 1):
            issue_x(p, p)
        pltpu.sync_copy(lab_hbm.at[wid], idx_v)
        for p in range(_NBUF - 1):
            issue_c(p, p)

        def drain(b):
            pltpu.make_async_copy(
                x_hbm.at[pl.ds(0, _CHUNK)], x_bufs[b], sem_x[b]).wait()
            pltpu.make_async_copy(
                x_hbm.at[pl.ds(0, _CHUNK)], c_bufs[b], sem_c[b]).wait()

        def row_body(x_v, c_v):
            def body(row, accs):
                a0, a1, a2, a3 = accs
                for j in range(0, _FVEC, 4):
                    d0 = x_v[row, pl.ds(j * _LANES, _LANES)] \
                        - c_v[row, pl.ds(j * _LANES, _LANES)]
                    a0 = a0 + d0 * d0
                    d1 = x_v[row, pl.ds((j + 1) * _LANES, _LANES)] \
                        - c_v[row, pl.ds((j + 1) * _LANES, _LANES)]
                    a1 = a1 + d1 * d1
                    d2 = x_v[row, pl.ds((j + 2) * _LANES, _LANES)] \
                        - c_v[row, pl.ds((j + 2) * _LANES, _LANES)]
                    a2 = a2 + d2 * d2
                    d3 = x_v[row, pl.ds((j + 3) * _LANES, _LANES)] \
                        - c_v[row, pl.ds((j + 3) * _LANES, _LANES)]
                    a3 = a3 + d3 * d3
                return (a0, a1, a2, a3)
            return body

        zero = jnp.zeros((_LANES,), jnp.float32)

        def ring_body(g, accs):
            for b in range(_NBUF):
                ci = _NBUF * g + b

                @pl.when(ci + _NBUF - 1 < nchunk)
                def _():
                    issue(ci + _NBUF - 1, (b + _NBUF - 1) % _NBUF)

                drain(b)
                accs = lax.fori_loop(
                    0, _CHUNK, row_body(x_bufs[b], c_bufs[b]), accs)
            return accs

        a0, a1, a2, a3 = lax.fori_loop(
            0, nchunk // _NBUF, ring_body, (zero, zero, zero, zero))
        total = (a0 + a1) + (a2 + a3)

        part_v[...] = total
        pltpu.sync_copy(part_v, out_hbm.at[wid])

    return sc_kernel


_sc_partials = _make_sc_partials()


def _finish_body(p_ref, o_ref):
    m = jnp.sum(p_ref[...]) * (1.0 / _BATCH)
    o_ref[...] = jnp.minimum(jnp.maximum(m, 1e-12), 1e12).reshape(1, 1)


def kernel(x, labels, centers):
    labels = labels.astype(jnp.int32).reshape(
        32, _BATCH // (32 * _CHUNK), _CHUNK)
    partials = _sc_partials(x, labels, centers)
    loss = pl.pallas_call(
        _finish_body,
        out_shape=jax.ShapeDtypeStruct((1, 1), jnp.float32),
    )(partials)
    return loss[0, 0]

# --- scband reference (transcript-rebuilt; emitter-appended) ---
"""Pipeline reference for scband-center-loss-65498251264283 (READ-ONLY COPY).

The authoritative reference and input builder live on the scoring server;
editing this copy changes nothing except your own understanding.
"""

import jax, jax.numpy as jnp
import numpy as np

NUM_CLASSES = 10000
FEAT_DIM = 512
BATCH = 16384

def setup_inputs(seed: int = 0) -> dict:
    key = jax.random.key(seed)
    k1, k2, k3 = jax.random.split(key, 3)
    x = jax.random.normal(k1, (BATCH, FEAT_DIM), dtype=jnp.float32)
    labels = jax.random.randint(k2, (BATCH,), 0, NUM_CLASSES, dtype=jnp.int64)
    centers = jax.random.normal(k3, (NUM_CLASSES, FEAT_DIM), dtype=jnp.float32)
    return {"x": x, "labels": labels, "centers": centers}

def reference(x, labels, centers):
    # center = self.centers[labels]  -> gather rows of the centers table
    center = jnp.take(centers, labels, axis=0)
    # dist = (x - center).pow(2).sum(dim=-1)
    dist = jnp.sum((x - center) ** 2, axis=-1)
    # loss = clamp(dist, 1e-12, 1e12).mean(dim=-1)
    loss = jnp.mean(jnp.clip(dist, 1e-12, 1000000000000.0), axis=-1)
    return loss

if __name__ == "__main__":
    import jax
    _d = setup_inputs()
    print(jax.jit(kernel)(*tuple(_d.values())))

</pallas_src>

<mosaic_0001>
#map = affine_map<(d0, d1) -> (0, 0)>
#map1 = affine_map<(d0, d1) -> (0, 0, 0)>
module attributes {stable_mosaic.version = 14 : i64} {
  func.func @sc_kernel(%arg0: i32, %arg1: i32, %arg2: memref<16384x512xf32, #tpu.memory_space<hbm>>, %arg3: memref<32x32x16xi32, #tpu.memory_space<hbm>>, %arg4: memref<10000x512xf32, #tpu.memory_space<hbm>>, %arg5: memref<32x16xf32, #tpu.memory_space<hbm>>, %arg6: memref<32x16xi32, #tpu.memory_space<vmem>>, %arg7: memref<16x512xf32, #tpu.memory_space<vmem>>, %arg8: memref<16x512xf32, #tpu.memory_space<vmem>>, %arg9: memref<16x512xf32, #tpu.memory_space<vmem>>, %arg10: memref<16x512xf32, #tpu.memory_space<vmem>>, %arg11: memref<16x512xf32, #tpu.memory_space<vmem>>, %arg12: memref<16x512xf32, #tpu.memory_space<vmem>>, %arg13: memref<16x512xf32, #tpu.memory_space<vmem>>, %arg14: memref<16x512xf32, #tpu.memory_space<vmem>>, %arg15: memref<16xf32, #tpu.memory_space<vmem>>, %arg16: memref<!tpu.dma_semaphore, #tpu.memory_space<semaphore_mem>>, %arg17: memref<!tpu.dma_semaphore, #tpu.memory_space<semaphore_mem>>, %arg18: memref<!tpu.dma_semaphore, #tpu.memory_space<semaphore_mem>>, %arg19: memref<!tpu.dma_semaphore, #tpu.memory_space<semaphore_mem>>, %arg20: memref<!tpu.dma_semaphore, #tpu.memory_space<semaphore_mem>>, %arg21: memref<!tpu.dma_semaphore, #tpu.memory_space<semaphore_mem>>, %arg22: memref<!tpu.dma_semaphore, #tpu.memory_space<semaphore_mem>>, %arg23: memref<!tpu.dma_semaphore, #tpu.memory_space<semaphore_mem>>) attributes {dimension_semantics = [#tpu.dimension_semantics<core_parallel>, #tpu.dimension_semantics<subcore_parallel>], iteration_bounds = array<i64: 2, 16>, scalar_prefetch = 0 : i64, scratch_operands = 18 : i64, tpu.core_type = #tpu.core_type<sc_vector_subcore>, window_params = [{transform_indices = #map}, {transform_indices = #map1}, {transform_indices = #map}, {transform_indices = #map}]} {
    %mul3A = arith.constant 2 : i32
    %mul3A_0 = arith.muli %arg1, %mul3A : i32
    %add3A = arith.addi %mul3A_0, %arg0 : i32
    %mul3A_1 = arith.constant 512 : i32
    %mul3A_2 = arith.muli %add3A, %mul3A_1 : i32
    %add3A_3 = arith.constant 0 : i32
    %add3A_4 = arith.addi %mul3A_2, %add3A_3 : i32
    %dma_start3A = arith.constant 0 : i32
    %dma_start3A_5 = tpu.memref_slice %arg2[%add3A_4, %dma_start3A] : memref<16384x512xf32, #tpu.memory_space<hbm>> -> memref<16x512xf32, #tpu.memory_space<hbm>>
    %dma_start3A_6 = arith.constant 0 : i32
    %dma_start3A_7 = tpu.memref_slice %arg2[%add3A_4, %dma_start3A_6] : memref<16384x512xf32, #tpu.memory_space<hbm>> -> memref<16x512xf32, #tpu.memory_space<hbm>>
    tpu.enqueue_dma source(%dma_start3A_7 : memref<16x512xf32, #tpu.memory_space<hbm>>) target(%arg7 : memref<16x512xf32, #tpu.memory_space<vmem>>) target_semaphore(%arg16 : memref<!tpu.dma_semaphore, #tpu.memory_space<semaphore_mem>>)
    %add3A_8 = arith.constant 16 : i32
    %add3A_9 = arith.addi %mul3A_2, %add3A_8 : i32
    %dma_start3A_10 = arith.constant 0 : i32
    %dma_start3A_11 = tpu.memref_slice %arg2[%add3A_9, %dma_start3A_10] : memref<16384x512xf32, #tpu.memory_space<hbm>> -> memref<16x512xf32, #tpu.memory_space<hbm>>
    %dma_start3A_12 = arith.constant 0 : i32
    %dma_start3A_13 = tpu.memref_slice %arg2[%add3A_9, %dma_start3A_12] : memref<16384x512xf32, #tpu.memory_space<hbm>> -> memref<16x512xf32, #tpu.memory_space<hbm>>
    tpu.enqueue_dma source(%dma_start3A_13 : memref<16x512xf32, #tpu.memory_space<hbm>>) target(%arg8 : memref<16x512xf32, #tpu.memory_space<vmem>>) target_semaphore(%arg17 : memref<!tpu.dma_semaphore, #tpu.memory_space<semaphore_mem>>)
    %add3A_14 = arith.constant 32 : i32
    %add3A_15 = arith.addi %mul3A_2, %add3A_14 : i32
    %dma_start3A_16 = arith.constant 0 : i32
    %dma_start3A_17 = tpu.memref_slice %arg2[%add3A_15, %dma_start3A_16] : memref<16384x512xf32, #tpu.memory_space<hbm>> -> memref<16x512xf32, #tpu.memory_space<hbm>>
    %dma_start3A_18 = arith.constant 0 : i32
    %dma_start3A_19 = tpu.memref_slice %arg2[%add3A_15, %dma_start3A_18] : memref<16384x512xf32, #tpu.memory_space<hbm>> -> memref<16x512xf32, #tpu.memory_space<hbm>>
    tpu.enqueue_dma source(%dma_start3A_19 : memref<16x512xf32, #tpu.memory_space<hbm>>) target(%arg9 : memref<16x512xf32, #tpu.memory_space<vmem>>) target_semaphore(%arg18 : memref<!tpu.dma_semaphore, #tpu.memory_space<semaphore_mem>>)
    "tpu.region"() ({
      %run_scoped3A = tpu.sem_alloc : memref<!tpu.dma_semaphore, #tpu.memory_space<semaphore_mem>>
      %dma_start3A_51 = arith.constant 0 : i32
      %dma_start3A_52 = arith.constant 0 : i32
      %dma_start3A_53 = tpu.memref_slice %arg3[%add3A, %dma_start3A_51, %dma_start3A_52] : memref<32x32x16xi32, #tpu.memory_space<hbm>> -> memref<1x32x16xi32, #tpu.memory_space<hbm>>
      %dma_start3A_54 = tpu.memref_squeeze %dma_start3A_53 : memref<1x32x16xi32, #tpu.memory_space<hbm>> -> memref<32x16xi32, #tpu.memory_space<hbm>>
      %dma_start3A_55 = arith.constant 0 : i32
      %dma_start3A_56 = arith.constant 0 : i32
      %dma_start3A_57 = tpu.memref_slice %arg3[%add3A, %dma_start3A_55, %dma_start3A_56] : memref<32x32x16xi32, #tpu.memory_space<hbm>> -> memref<1x32x16xi32, #tpu.memory_space<hbm>>
      %dma_start3A_58 = tpu.memref_squeeze %dma_start3A_57 : memref<1x32x16xi32, #tpu.memory_space<hbm>> -> memref<32x16xi32, #tpu.memory_space<hbm>>
      tpu.enqueue_dma source(%dma_start3A_58 : memref<32x16xi32, #tpu.memory_space<hbm>>) target(%arg6 : memref<32x16xi32, #tpu.memory_space<vmem>>) target_semaphore(%run_scoped3A : memref<!tpu.dma_semaphore, #tpu.memory_space<semaphore_mem>>)
      %dma_wait3A = arith.constant 0 : i32
      %dma_wait3A_59 = arith.constant 0 : i32
      %dma_wait3A_60 = tpu.memref_slice %arg3[%add3A, %dma_wait3A, %dma_wait3A_59] : memref<32x32x16xi32, #tpu.memory_space<hbm>> -> memref<1x32x16xi32, #tpu.memory_space<hbm>>
      %dma_wait3A_61 = tpu.memref_squeeze %dma_wait3A_60 : memref<1x32x16xi32, #tpu.memory_space<hbm>> -> memref<32x16xi32, #tpu.memory_space<hbm>>
      %dma_wait3A_62 = arith.constant 0 : i32
      %dma_wait3A_63 = arith.constant 0 : i32
      %dma_wait3A_64 = tpu.memref_slice %arg3[%add3A, %dma_wait3A_62, %dma_wait3A_63] : memref<32x32x16xi32, #tpu.memory_space<hbm>> -> memref<1x32x16xi32, #tpu.memory_space<hbm>>
      %dma_wait3A_65 = tpu.memref_squeeze %dma_wait3A_64 : memref<1x32x16xi32, #tpu.memory_space<hbm>> -> memref<32x16xi32, #tpu.memory_space<hbm>>
      tpu.wait_dma2 semaphore(%run_scoped3A : memref<!tpu.dma_semaphore, #tpu.memory_space<semaphore_mem>>) src(%dma_wait3A_65 : memref<32x16xi32, #tpu.memory_space<hbm>>) dst(%arg6 : memref<32x16xi32, #tpu.memory_space<vmem>>)
      tpu.yield
    }) : () -> ()
    %dma_start3A_20 = arith.constant 0 : i32
    %dma_start3A_21 = arith.constant 0 : i32
    %dma_start3A_22 = tpu.memref_slice %arg6[%dma_start3A_20, %dma_start3A_21] : memref<32x16xi32, #tpu.memory_space<vmem>> -> memref<1x16xi32, #tpu.memory_space<vmem>>
    %dma_start3A_23 = tpu.memref_squeeze %dma_start3A_22 : memref<1x16xi32, #tpu.memory_space<vmem>> -> memref<16xi32, #tpu.memory_space<vmem>>
    %dma_start3A_24 = arith.constant 0 : i32
    %dma_start3A_25 = arith.constant 0 : i32
    %dma_start3A_26 = tpu.memref_slice %arg4[%dma_start3A_24, %dma_start3A_25] : memref<10000x512xf32, #tpu.memory_space<hbm>> -> memref<10000x512xf32, #tpu.memory_space<hbm>>
    tpu.enqueue_indirect_dma source(%dma_start3A_26 : memref<10000x512xf32, #tpu.memory_space<hbm>>) target(%arg11 : memref<16x512xf32, #tpu.memory_space<vmem>>) offsets(%dma_start3A_23 : memref<16xi32, #tpu.memory_space<vmem>>) semaphore(%arg20 : memref<!tpu.dma_semaphore, #tpu.memory_space<semaphore_mem>>)
    %dma_start3A_27 = arith.constant 1 : i32
    %dma_start3A_28 = arith.constant 0 : i32
    %dma_start3A_29 = tpu.memref_slice %arg6[%dma_start3A_27, %dma_start3A_28] : memref<32x16xi32, #tpu.memory_space<vmem>> -> memref<1x16xi32, #tpu.memory_space<vmem>>
    %dma_start3A_30 = tpu.memref_squeeze %dma_start3A_29 : memref<1x16xi32, #tpu.memory_space<vmem>> -> memref<16xi32, #tpu.memory_space<vmem>>
    %dma_start3A_31 = arith.constant 0 : i32
    %dma_start3A_32 = arith.constant 0 : i32
    %dma_start3A_33 = tpu.memref_slice %arg4[%dma_start3A_31, %dma_start3A_32] : memref<10000x512xf32, #tpu.memory_space<hbm>> -> memref<10000x512xf32, #tpu.memory_space<hbm>>
    tpu.enqueue_indirect_dma source(%dma_start3A_33 : memref<10000x512xf32, #tpu.memory_space<hbm>>) target(%arg12 : memref<16x512xf32, #tpu.memory_space<vmem>>) offsets(%dma_start3A_30 : memref<16xi32, #tpu.memory_space<vmem>>) semaphore(%arg21 : memref<!tpu.dma_semaphore, #tpu.memory_space<semaphore_mem>>)
    %dma_start3A_34 = arith.constant 2 : i32
    %dma_start3A_35 = arith.constant 0 : i32
    %dma_start3A_36 = tpu.memref_slice %arg6[%dma_start3A_34, %dma_start3A_35] : memref<32x16xi32, #tpu.memory_space<vmem>> -> memref<1x16xi32, #tpu.memory_space<vmem>>
    %dma_start3A_37 = tpu.memref_squeeze %dma_start3A_36 : memref<1x16xi32, #tpu.memory_space<vmem>> -> memref<16xi32, #tpu.memory_space<vmem>>
    %dma_start3A_38 = arith.constant 0 : i32
    %dma_start3A_39 = arith.constant 0 : i32
    %dma_start3A_40 = tpu.memref_slice %arg4[%dma_start3A_38, %dma_start3A_39] : memref<10000x512xf32, #tpu.memory_space<hbm>> -> memref<10000x512xf32, #tpu.memory_space<hbm>>
    tpu.enqueue_indirect_dma source(%dma_start3A_40 : memref<10000x512xf32, #tpu.memory_space<hbm>>) target(%arg13 : memref<16x512xf32, #tpu.memory_space<vmem>>) offsets(%dma_start3A_37 : memref<16xi32, #tpu.memory_space<vmem>>) semaphore(%arg22 : memref<!tpu.dma_semaphore, #tpu.memory_space<semaphore_mem>>)
    %broadcast_in_dim3A = arith.constant 0.000000e+00 : f32
    %broadcast_in_dim3A_41 = vector.broadcast %broadcast_in_dim3A : f32 to vector<16xf32>
    %scan3A = arith.constant 0 : i32
    %scan3A_42 = arith.constant 8 : i32
    %scan3A_43 = arith.addi %scan3A, %scan3A_42 : i32
    %scan3A_44 = arith.constant 1 : i32
    %scan3A_45:4 = scf.for %scan3A_51 = %scan3A to %scan3A_43 step %scan3A_44 iter_args(%scan3A_52 = %broadcast_in_dim3A_41, %scan3A_53 = %broadcast_in_dim3A_41, %scan3A_54 = %broadcast_in_dim3A_41, %scan3A_55 = %broadcast_in_dim3A_41) -> (vector<16xf32>, vector<16xf32>, vector<16xf32>, vector<16xf32>)  : i32 {
      %mul3A_56 = arith.constant 4 : i32
      %mul3A_57 = arith.muli %mul3A_56, %scan3A_51 : i32
      %add3A_58 = arith.constant 0 : i32
      %add3A_59 = arith.addi %mul3A_57, %add3A_58 : i32
      %add3A_60 = arith.constant 4 : i32
      %add3A_61 = arith.addi %add3A_59, %add3A_60 : i32
      %sub3A = arith.constant 1 : i32
      %sub3A_62 = arith.subi %add3A_61, %sub3A : i32
      %lt3A = arith.constant 32 : i32
      %lt3A_63 = arith.cmpi slt, %sub3A_62, %lt3A : i32
      %convert_element_type3A = arith.extui %lt3A_63 : i1 to i32
      %cond3A = arith.constant 0 : i32
      %cond3A_64 = arith.cmpi ne, %convert_element_type3A, %cond3A : i32
      scf.if %cond3A_64 {
        %add3A_175 = arith.constant 4 : i32
        %add3A_176 = arith.addi %add3A_59, %add3A_175 : i32
        %sub3A_177 = arith.constant 1 : i32
        %sub3A_178 = arith.subi %add3A_176, %sub3A_177 : i32
        %mul3A_179 = arith.constant 16 : i32
        %mul3A_180 = arith.muli %sub3A_178, %mul3A_179 : i32
        %add3A_181 = arith.addi %mul3A_2, %mul3A_180 : i32
        %dma_start3A_182 = arith.constant 0 : i32
        %dma_start3A_183 = tpu.memref_slice %arg2[%add3A_181, %dma_start3A_182] : memref<16384x512xf32, #tpu.memory_space<hbm>> -> memref<16x512xf32, #tpu.memory_space<hbm>>
        %dma_start3A_184 = arith.constant 0 : i32
        %dma_start3A_185 = tpu.memref_slice %arg2[%add3A_181, %dma_start3A_184] : memref<16384x512xf32, #tpu.memory_space<hbm>> -> memref<16x512xf32, #tpu.memory_space<hbm>>
        tpu.enqueue_dma source(%dma_start3A_185 : memref<16x512xf32, #tpu.memory_space<hbm>>) target(%arg10 : memref<16x512xf32, #tpu.memory_space<vmem>>) target_semaphore(%arg19 : memref<!tpu.dma_semaphore, #tpu.memory_space<semaphore_mem>>)
        %dma_start3A_186 = arith.constant 0 : i32
        %dma_start3A_187 = tpu.memref_slice %arg6[%sub3A_178, %dma_start3A_186] : memref<32x16xi32, #tpu.memory_space<vmem>> -> memref<1x16xi32, #tpu.memory_space<vmem>>
        %dma_start3A_188 = tpu.memref_squeeze %dma_start3A_187 : memref<1x16xi32, #tpu.memory_space<vmem>> -> memref<16xi32, #tpu.memory_space<vmem>>
        %dma_start3A_189 = arith.constant 0 : i32
        %dma_start3A_190 = arith.constant 0 : i32
        %dma_start3A_191 = tpu.memref_slice %arg4[%dma_start3A_189, %dma_start3A_190] : memref<10000x512xf32, #tpu.memory_space<hbm>> -> memref<10000x512xf32, #tpu.memory_space<hbm>>
        tpu.enqueue_indirect_dma source(%dma_start3A_191 : memref<10000x512xf32, #tpu.memory_space<hbm>>) target(%arg14 : memref<16x512xf32, #tpu.memory_space<vmem>>) offsets(%dma_start3A_188 : memref<16xi32, #tpu.memory_space<vmem>>) semaphore(%arg23 : memref<!tpu.dma_semaphore, #tpu.memory_space<semaphore_mem>>)
      } else {
      }
      %dma_wait3A = arith.constant 0 : i32
      %dma_wait3A_65 = arith.constant 0 : i32
      %dma_wait3A_66 = tpu.memref_slice %arg2[%dma_wait3A, %dma_wait3A_65] : memref<16384x512xf32, #tpu.memory_space<hbm>> -> memref<16x512xf32, #tpu.memory_space<hbm>>
      %dma_wait3A_67 = arith.constant 0 : i32
      %dma_wait3A_68 = arith.constant 0 : i32
      %dma_wait3A_69 = tpu.memref_slice %arg2[%dma_wait3A_67, %dma_wait3A_68] : memref<16384x512xf32, #tpu.memory_space<hbm>> -> memref<16x512xf32, #tpu.memory_space<hbm>>
      tpu.wait_dma2 semaphore(%arg16 : memref<!tpu.dma_semaphore, #tpu.memory_space<semaphore_mem>>) src(%dma_wait3A_69 : memref<16x512xf32, #tpu.memory_space<hbm>>) dst(%arg7 : memref<16x512xf32, #tpu.memory_space<vmem>>)
      %dma_wait3A_70 = arith.constant 0 : i32
      %dma_wait3A_71 = arith.constant 0 : i32
      %dma_wait3A_72 = tpu.memref_slice %arg2[%dma_wait3A_70, %dma_wait3A_71] : memref<16384x512xf32, #tpu.memory_space<hbm>> -> memref<16x512xf32, #tpu.memory_space<hbm>>
      %dma_wait3A_73 = arith.constant 0 : i32
      %dma_wait3A_74 = arith.constant 0 : i32
      %dma_wait3A_75 = tpu.memref_slice %arg2[%dma_wait3A_73, %dma_wait3A_74] : memref<16384x512xf32, #tpu.memory_space<hbm>> -> memref<16x512xf32, #tpu.memory_space<hbm>>
      tpu.wait_dma2 semaphore(%arg20 : memref<!tpu.dma_semaphore, #tpu.memory_space<semaphore_mem>>) src(%dma_wait3A_75 : memref<16x512xf32, #tpu.memory_space<hbm>>) dst(%arg11 : memref<16x512xf32, #tpu.memory_space<vmem>>)
      %scan3A_76 = arith.constant 0 : i32
      %scan3A_77 = arith.constant 16 : i32
      %scan3A_78 = arith.addi %scan3A_76, %scan3A_77 : i32
      %scan3A_79 = arith.constant 1 : i32
      %scan3A_80:4 = scf.for %scan3A_175 = %scan3A_76 to %scan3A_78 step %scan3A_79 iter_args(%scan3A_176 = %scan3A_52, %scan3A_177 = %scan3A_53, %scan3A_178 = %scan3A_54, %scan3A_179 = %scan3A_55) -> (vector<16xf32>, vector<16xf32>, vector<16xf32>, vector<16xf32>)  : i32 {
        %get3A = arith.index_cast %scan3A_175 : i32 to index
        %get3A_180 = arith.constant 0 : index
        %get3A_181 = tpu.vector_load %arg7[%get3A, %get3A_180] {strides = array<i32>} : memref<16x512xf32, #tpu.memory_space<vmem>>, vector<16xf32>,
        %get3A_182 = arith.index_cast %scan3A_175 : i32 to index
        %get3A_183 = arith.constant 0 : index
        %get3A_184 = tpu.vector_load %arg11[%get3A_182, %get3A_183] {strides = array<i32>} : memref<16x512xf32, #tpu.memory_space<vmem>>, vector<16xf32>,
        %sub3A_185 = arith.subf %get3A_181, %get3A_184 : vector<16xf32>
        %mul3A_186 = arith.mulf %sub3A_185, %sub3A_185 : vector<16xf32>
        %add3A_187 = arith.addf %scan3A_176, %mul3A_186 : vector<16xf32>
        %get3A_188 = arith.index_cast %scan3A_175 : i32 to index
        %get3A_189 = arith.constant 16 : index
        %get3A_190 = tpu.vector_load %arg7[%get3A_188, %get3A_189] {strides = array<i32>} : memref<16x512xf32, #tpu.memory_space<vmem>>, vector<16xf32>,
        %get3A_191 = arith.index_cast %scan3A_175 : i32 to index
        %get3A_192 = arith.constant 16 : index
        %get3A_193 = tpu.vector_load %arg11[%get3A_191, %get3A_192] {strides = array<i32>} : memref<16x512xf32, #tpu.memory_space<vmem>>, vector<16xf32>,
        %sub3A_194 = arith.subf %get3A_190, %get3A_193 : vector<16xf32>
        %mul3A_195 = arith.mulf %sub3A_194, %sub3A_194 : vector<16xf32>
        %add3A_196 = arith.addf %scan3A_177, %mul3A_195 : vector<16xf32>
        %get3A_197 = arith.index_cast %scan3A_175 : i32 to index
        %get3A_198 = arith.constant 32 : index
        %get3A_199 = tpu.vector_load %arg7[%get3A_197, %get3A_198] {strides = array<i32>} : memref<16x512xf32, #tpu.memory_space<vmem>>, vector<16xf32>,
        %get3A_200 = arith.index_cast %scan3A_175 : i32 to index
        %get3A_201 = arith.constant 32 : index
        %get3A_202 = tpu.vector_load %arg11[%get3A_200, %get3A_201] {strides = array<i32>} : memref<16x512xf32, #tpu.memory_space<vmem>>, vector<16xf32>,
        %sub3A_203 = arith.subf %get3A_199, %get3A_202 : vector<16xf32>
        %mul3A_204 = arith.mulf %sub3A_203, %sub3A_203 : vector<16xf32>
        %add3A_205 = arith.addf %scan3A_178, %mul3A_204 : vector<16xf32>
        %get3A_206 = arith.index_cast %scan3A_175 : i32 to index
        %get3A_207 = arith.constant 48 : index
        %get3A_208 = tpu.vector_load %arg7[%get3A_206, %get3A_207] {strides = array<i32>} : memref<16x512xf32, #tpu.memory_space<vmem>>, vector<16xf32>,
        %get3A_209 = arith.index_cast %scan3A_175 : i32 to index
        %get3A_210 = arith.constant 48 : index
        %get3A_211 = tpu.vector_load %arg11[%get3A_209, %get3A_210] {strides = array<i32>} : memref<16x512xf32, #tpu.memory_space<vmem>>, vector<16xf32>,
        %sub3A_212 = arith.subf %get3A_208, %get3A_211 : vector<16xf32>
        %mul3A_213 = arith.mulf %sub3A_212, %sub3A_212 : vector<16xf32>
        %add3A_214 = arith.addf %scan3A_179, %mul3A_213 : vector<16xf32>
        %get3A_215 = arith.index_cast %scan3A_175 : i32 to index
        %get3A_216 = arith.constant 64 : index
        %get3A_217 = tpu.vector_load %arg7[%get3A_215, %get3A_216] {strides = array<i32>} : memref<16x512xf32, #tpu.memory_space<vmem>>, vector<16xf32>,
        %get3A_218 = arith.index_cast %scan3A_175 : i32 to index
        %get3A_219 = arith.constant 64 : index
        %get3A_220 = tpu.vector_load %arg11[%get3A_218, %get3A_219] {strides = array<i32>} : memref<16x512xf32, #tpu.memory_space<vmem>>, vector<16xf32>,
        %sub3A_221 = arith.subf %get3A_217, %get3A_220 : vector<16xf32>
        %mul3A_222 = arith.mulf %sub3A_221, %sub3A_221 : vector<16xf32>
        %add3A_223 = arith.addf %add3A_187, %mul3A_222 : vector<16xf32>
        %get3A_224 = arith.index_cast %scan3A_175 : i32 to index
        %get3A_225 = arith.constant 80 : index
        %get3A_226 = tpu.vector_load %arg7[%get3A_224, %get3A_225] {strides = array<i32>} : memref<16x512xf32, #tpu.memory_space<vmem>>, vector<16xf32>,
        %get3A_227 = arith.index_cast %scan3A_175 : i32 to index
        %get3A_228 = arith.constant 80 : index
        %get3A_229 = tpu.vector_load %arg11[%get3A_227, %get3A_228] {strides = array<i32>} : memref<16x512xf32, #tpu.memory_space<vmem>>, vector<16xf32>,
        %sub3A_230 = arith.subf %get3A_226, %get3A_229 : vector<16xf32>
        %mul3A_231 = arith.mulf %sub3A_230, %sub3A_230 : vector<16xf32>
        %add3A_232 = arith.addf %add3A_196, %mul3A_231 : vector<16xf32>
        %get3A_233 = arith.index_cast %scan3A_175 : i32 to index
        %get3A_234 = arith.constant 96 : index
        %get3A_235 = tpu.vector_load %arg7[%get3A_233, %get3A_234] {strides = array<i32>} : memref<16x512xf32, #tpu.memory_space<vmem>>, vector<16xf32>,
        %get3A_236 = arith.index_cast %scan3A_175 : i32 to index
        %get3A_237 = arith.constant 96 : index
        %get3A_238 = tpu.vector_load %arg11[%get3A_236, %get3A_237] {strides = array<i32>} : memref<16x512xf32, #tpu.memory_space<vmem>>, vector<16xf32>,
        %sub3A_239 = arith.subf %get3A_235, %get3A_238 : vector<16xf32>
        %mul3A_240 = arith.mulf %sub3A_239, %sub3A_239 : vector<16xf32>
        %add3A_241 = arith.addf %add3A_205, %mul3A_240 : vector<16xf32>
        %get3A_242 = arith.index_cast %scan3A_175 : i32 to index
        %get3A_243 = arith.constant 112 : index
        %get3A_244 = tpu.vector_load %arg7[%get3A_242, %get3A_243] {strides = array<i32>} : memref<16x512xf32, #tpu.memory_space<vmem>>, vector<16xf32>,
        %get3A_245 = arith.index_cast %scan3A_175 : i32 to index
        %get3A_246 = arith.constant 112 : index
        %get3A_247 = tpu.vector_load %arg11[%get3A_245, %get3A_246] {strides = array<i32>} : memref<16x512xf32, #tpu.memory_space<vmem>>, vector<16xf32>,
        %sub3A_248 = arith.subf %get3A_244, %get3A_247 : vector<16xf32>
        %mul3A_249 = arith.mulf %sub3A_248, %sub3A_248 : vector<16xf32>
        %add3A_250 = arith.addf %add3A_214, %mul3A_249 : vector<16xf32>
        %get3A_251 = arith.index_cast %scan3A_175 : i32 to index
        %get3A_252 = arith.constant 128 : index
        %get3A_253 = tpu.vector_load %arg7[%get3A_251, %get3A_252] {strides = array<i32>} : memref<16x512xf32, #tpu.memory_space<vmem>>, vector<16xf32>,
        %get3A_254 = arith.index_cast %scan3A_175 : i32 to index
        %get3A_255 = arith.constant 128 : index
        %get3A_256 = tpu.vector_load %arg11[%get3A_254, %get3A_255] {strides = array<i32>} : memref<16x512xf32, #tpu.memory_space<vmem>>, vector<16xf32>,
        %sub3A_257 = arith.subf %get3A_253, %get3A_256 : vector<16xf32>
        %mul3A_258 = arith.mulf %sub3A_257, %sub3A_257 : vector<16xf32>
        %add3A_259 = arith.addf %add3A_223, %mul3A_258 : vector<16xf32>
        %get3A_260 = arith.index_cast %scan3A_175 : i32 to index
        %get3A_261 = arith.constant 144 : index
        %get3A_262 = tpu.vector_load %arg7[%get3A_260, %get3A_261] {strides = array<i32>} : memref<16x512xf32, #tpu.memory_space<vmem>>, vector<16xf32>,
        %get3A_263 = arith.index_cast %scan3A_175 : i32 to index
        %get3A_264 = arith.constant 144 : index
        %get3A_265 = tpu.vector_load %arg11[%get3A_263, %get3A_264] {strides = array<i32>} : memref<16x512xf32, #tpu.memory_space<vmem>>, vector<16xf32>,
        %sub3A_266 = arith.subf %get3A_262, %get3A_265 : vector<16xf32>
        %mul3A_267 = arith.mulf %sub3A_266, %sub3A_266 : vector<16xf32>
        %add3A_268 = arith.addf %add3A_232, %mul3A_267 : vector<16xf32>
        %get3A_269 = arith.index_cast %scan3A_175 : i32 to index
        %get3A_270 = arith.constant 160 : index
        %get3A_271 = tpu.vector_load %arg7[%get3A_269, %get3A_270] {strides = array<i32>} : memref<16x512xf32, #tpu.memory_space<vmem>>, vector<16xf32>,
        %get3A_272 = arith.index_cast %scan3A_175 : i32 to index
        %get3A_273 = arith.constant 160 : index
        %get3A_274 = tpu.vector_load %arg11[%get3A_272, %get3A_273] {strides = array<i32>} : memref<16x512xf32, #tpu.memory_space<vmem>>, vector<16xf32>,
        %sub3A_275 = arith.subf %get3A_271, %get3A_274 : vector<16xf32>
        %mul3A_276 = arith.mulf %sub3A_275, %sub3A_275 : vector<16xf32>
        %add3A_277 = arith.addf %add3A_241, %mul3A_276 : vector<16xf32>
        %get3A_278 = arith.index_cast %scan3A_175 : i32 to index
        %get3A_279 = arith.constant 176 : index
        %get3A_280 = tpu.vector_load %arg7[%get3A_278, %get3A_279] {strides = array<i32>} : memref<16x512xf32, #tpu.memory_space<vmem>>, vector<16xf32>,
        %get3A_281 = arith.index_cast %scan3A_175 : i32 to index
        %get3A_282 = arith.constant 176 : index
        %get3A_283 = tpu.vector_load %arg11[%get3A_281, %get3A_282] {strides = array<i32>} : memref<16x512xf32, #tpu.memory_space<vmem>>, vector<16xf32>,
        %sub3A_284 = arith.subf %get3A_280, %get3A_283 : vector<16xf32>
        %mul3A_285 = arith.mulf %sub3A_284, %sub3A_284 : vector<16xf32>
        %add3A_286 = arith.addf %add3A_250, %mul3A_285 : vector<16xf32>
        %get3A_287 = arith.index_cast %scan3A_175 : i32 to index
        %get3A_288 = arith.constant 192 : index
        %get3A_289 = tpu.vector_load %arg7[%get3A_287, %get3A_288] {strides = array<i32>} : memref<16x512xf32, #tpu.memory_space<vmem>>, vector<16xf32>,
        %get3A_290 = arith.index_cast %scan3A_175 : i32 to index
        %get3A_291 = arith.constant 192 : index
        %get3A_292 = tpu.vector_load %arg11[%get3A_290, %get3A_291] {strides = array<i32>} : memref<16x512xf32, #tpu.memory_space<vmem>>, vector<16xf32>,
        %sub3A_293 = arith.subf %get3A_289, %get3A_292 : vector<16xf32>
        %mul3A_294 = arith.mulf %sub3A_293, %sub3A_293 : vector<16xf32>
        %add3A_295 = arith.addf %add3A_259, %mul3A_294 : vector<16xf32>
        %get3A_296 = arith.index_cast %scan3A_175 : i32 to index
        %get3A_297 = arith.constant 208 : index
        %get3A_298 = tpu.vector_load %arg7[%get3A_296, %get3A_297] {strides = array<i32>} : memref<16x512xf32, #tpu.memory_space<vmem>>, vector<16xf32>,
        %get3A_299 = arith.index_cast %scan3A_175 : i32 to index
        %get3A_300 = arith.constant 208 : index
        %get3A_301 = tpu.vector_load %arg11[%get3A_299, %get3A_300] {strides = array<i32>} : memref<16x512xf32, #tpu.memory_space<vmem>>, vector<16xf32>,
        %sub3A_302 = arith.subf %get3A_298, %get3A_301 : vector<16xf32>
        %mul3A_303 = arith.mulf %sub3A_302, %sub3A_302 : vector<16xf32>
        %add3A_304 = arith.addf %add3A_268, %mul3A_303 : vector<16xf32>
        %get3A_305 = arith.index_cast %scan3A_175 : i32 to index
        %get3A_306 = arith.constant 224 : index
        %get3A_307 = tpu.vector_load %arg7[%get3A_305, %get3A_306] {strides = array<i32>} : memref<16x512xf32, #tpu.memory_space<vmem>>, vector<16xf32>,
        %get3A_308 = arith.index_cast %scan3A_175 : i32 to index
        %get3A_309 = arith.constant 224 : index
        %get3A_310 = tpu.vector_load %arg11[%get3A_308, %get3A_309] {strides = array<i32>} : memref<16x512xf32, #tpu.memory_space<vmem>>, vector<16xf32>,
        %sub3A_311 = arith.subf %get3A_307, %get3A_310 : vector<16xf32>
        %mul3A_312 = arith.mulf %sub3A_311, %sub3A_311 : vector<16xf32>
        %add3A_313 = arith.addf %add3A_277, %mul3A_312 : vector<16xf32>
        %get3A_314 = arith.index_cast %scan3A_175 : i32 to index
        %get3A_315 = arith.constant 240 : index
        %get3A_316 = tpu.vector_load %arg7[%get3A_314, %get3A_315] {strides = array<i32>} : memref<16x512xf32, #tpu.memory_space<vmem>>, vector<16xf32>,
        %get3A_317 = arith.index_cast %scan3A_175 : i32 to index
        %get3A_318 = arith.constant 240 : index
        %get3A_319 = tpu.vector_load %arg11[%get3A_317, %get3A_318] {strides = array<i32>} : memref<16x512xf32, #tpu.memory_space<vmem>>, vector<16xf32>,
        %sub3A_320 = arith.subf %get3A_316, %get3A_319 : vector<16xf32>
        %mul3A_321 = arith.mulf %sub3A_320, %sub3A_320 : vector<16xf32>
        %add3A_322 = arith.addf %add3A_286, %mul3A_321 : vector<16xf32>
        %get3A_323 = arith.index_cast %scan3A_175 : i32 to index
        %get3A_324 = arith.constant 256 : index
        %get3A_325 = tpu.vector_load %arg7[%get3A_323, %get3A_324] {strides = array<i32>} : memref<16x512xf32, #tpu.memory_space<vmem>>, vector<16xf32>,
        %get3A_326 = arith.index_cast %scan3A_175 : i32 to index
        %get3A_327 = arith.constant 256 : index
        %get3A_328 = tpu.vector_load %arg11[%get3A_326, %get3A_327] {strides = array<i32>} : memref<16x512xf32, #tpu.memory_space<vmem>>, vector<16xf32>,
        %sub3A_329 = arith.subf %get3A_325, %get3A_328 : vector<16xf32>
        %mul3A_330 = arith.mulf %sub3A_329, %sub3A_329 : vector<16xf32>
        %add3A_331 = arith.addf %add3A_295, %mul3A_330 : vector<16xf32>
        %get3A_332 = arith.index_cast %scan3A_175 : i32 to index
        %get3A_333 = arith.constant 272 : index
        %get3A_334 = tpu.vector_load %arg7[%get3A_332, %get3A_333] {strides = array<i32>} : memref<16x512xf32, #tpu.memory_space<vmem>>, vector<16xf32>,
        %get3A_335 = arith.index_cast %scan3A_175 : i32 to index
        %get3A_336 = arith.constant 272 : index
        %get3A_337 = tpu.vector_load %arg11[%get3A_335, %get3A_336] {strides = array<i32>} : memref<16x512xf32, #tpu.memory_space<vmem>>, vector<16xf32>,
        %sub3A_338 = arith.subf %get3A_334, %get3A_337 : vector<16xf32>
        %mul3A_339 = arith.mulf %sub3A_338, %sub3A_338 : vector<16xf32>
        %add3A_340 = arith.addf %add3A_304, %mul3A_339 : vector<16xf32>
        %get3A_341 = arith.index_cast %scan3A_175 : i32 to index
        %get3A_342 = arith.constant 288 : index
        %get3A_343 = tpu.vector_load %arg7[%get3A_341, %get3A_342] {strides = array<i32>} : memref<16x512xf32, #tpu.memory_space<vmem>>, vector<16xf32>,
        %get3A_344 = arith.index_cast %scan3A_175 : i32 to index
        %get3A_345 = arith.constant 288 : index
        %get3A_346 = tpu.vector_load %arg11[%get3A_344, %get3A_345] {strides = array<i32>} : memref<16x512xf32, #tpu.memory_space<vmem>>, vector<16xf32>,
        %sub3A_347 = arith.subf %get3A_343, %get3A_346 : vector<16xf32>
        %mul3A_348 = arith.mulf %sub3A_347, %sub3A_347 : vector<16xf32>
        %add3A_349 = arith.addf %add3A_313, %mul3A_348 : vector<16xf32>
        %get3A_350 = arith.index_cast %scan3A_175 : i32 to index
        %get3A_351 = arith.constant 304 : index
        %get3A_352 = tpu.vector_load %arg7[%get3A_350, %get3A_351] {strides = array<i32>} : memref<16x512xf32, #tpu.memory_space<vmem>>, vector<16xf32>,
        %get3A_353 = arith.index_cast %scan3A_175 : i32 to index
        %get3A_354 = arith.constant 304 : index
        %get3A_355 = tpu.vector_load %arg11[%get3A_353, %get3A_354] {strides = array<i32>} : memref<16x512xf32, #tpu.memory_space<vmem>>, vector<16xf32>,
        %sub3A_356 = arith.subf %get3A_352, %get3A_355 : vector<16xf32>
        %mul3A_357 = arith.mulf %sub3A_356, %sub3A_356 : vector<16xf32>
        %add3A_358 = arith.addf %add3A_322, %mul3A_357 : vector<16xf32>
        %get3A_359 = arith.index_cast %scan3A_175 : i32 to index
        %get3A_360 = arith.constant 320 : index
        %get3A_361 = tpu.vector_load %arg7[%get3A_359, %get3A_360] {strides = array<i32>} : memref<16x512xf32, #tpu.memory_space<vmem>>, vector<16xf32>,
        %get3A_362 = arith.index_cast %scan3A_175 : i32 to index
        %get3A_363 = arith.constant 320 : index
        %get3A_364 = tpu.vector_load %arg11[%get3A_362, %get3A_363] {strides = array<i32>} : memref<16x512xf32, #tpu.memory_space<vmem>>, vector<16xf32>,
        %sub3A_365 = arith.subf %get3A_361, %get3A_364 : vector<16xf32>
        %mul3A_366 = arith.mulf %sub3A_365, %sub3A_365 : vector<16xf32>
        %add3A_367 = arith.addf %add3A_331, %mul3A_366 : vector<16xf32>
        %get3A_368 = arith.index_cast %scan3A_175 : i32 to index
        %get3A_369 = arith.constant 336 : index
        %get3A_370 = tpu.vector_load %arg7[%get3A_368, %get3A_369] {strides = array<i32>} : memref<16x512xf32, #tpu.memory_space<vmem>>, vector<16xf32>,
        %get3A_371 = arith.index_cast %scan3A_175 : i32 to index
        %get3A_372 = arith.constant 336 : index
        %get3A_373 = tpu.vector_load %arg11[%get3A_371, %get3A_372] {strides = array<i32>} : memref<16x512xf32, #tpu.memory_space<vmem>>, vector<16xf32>,
        %sub3A_374 = arith.subf %get3A_370, %get3A_373 : vector<16xf32>
        %mul3A_375 = arith.mulf %sub3A_374, %sub3A_374 : vector<16xf32>
        %add3A_376 = arith.addf %add3A_340, %mul3A_375 : vector<16xf32>
        %get3A_377 = arith.index_cast %scan3A_175 : i32 to index
        %get3A_378 = arith.constant 352 : index
        %get3A_379 = tpu.vector_load %arg7[%get3A_377, %get3A_378] {strides = array<i32>} : memref<16x512xf32, #tpu.memory_space<vmem>>, vector<16xf32>,
        %get3A_380 = arith.index_cast %scan3A_175 : i32 to index
        %get3A_381 = arith.constant 352 : index
        %get3A_382 = tpu.vector_load %arg11[%get3A_380, %get3A_381] {strides = array<i32>} : memref<16x512xf32, #tpu.memory_space<vmem>>, vector<16xf32>,
        %sub3A_383 = arith.subf %get3A_379, %get3A_382 : vector<16xf32>
        %mul3A_384 = arith.mulf %sub3A_383, %sub3A_383 : vector<16xf32>
        %add3A_385 = arith.addf %add3A_349, %mul3A_384 : vector<16xf32>
        %get3A_386 = arith.index_cast %scan3A_175 : i32 to index
        %get3A_387 = arith.constant 368 : index
        %get3A_388 = tpu.vector_load %arg7[%get3A_386, %get3A_387] {strides = array<i32>} : memref<16x512xf32, #tpu.memory_space<vmem>>, vector<16xf32>,
        %get3A_389 = arith.index_cast %scan3A_175 : i32 to index
        %get3A_390 = arith.constant 368 : index
        %get3A_391 = tpu.vector_load %arg11[%get3A_389, %get3A_390] {strides = array<i32>} : memref<16x512xf32, #tpu.memory_space<vmem>>, vector<16xf32>,
        %sub3A_392 = arith.subf %get3A_388, %get3A_391 : vector<16xf32>
        %mul3A_393 = arith.mulf %sub3A_392, %sub3A_392 : vector<16xf32>
        %add3A_394 = arith.addf %add3A_358, %mul3A_393 : vector<16xf32>
        %get3A_395 = arith.index_cast %scan3A_175 : i32 to index
        %get3A_396 = arith.constant 384 : index
        %get3A_397 = tpu.vector_load %arg7[%get3A_395, %get3A_396] {strides = array<i32>} : memref<16x512xf32, #tpu.memory_space<vmem>>, vector<16xf32>,
        %get3A_398 = arith.index_cast %scan3A_175 : i32 to index
        %get3A_399 = arith.constant 384 : index
        %get3A_400 = tpu.vector_load %arg11[%get3A_398, %get3A_399] {strides = array<i32>} : memref<16x512xf32, #tpu.memory_space<vmem>>, vector<16xf32>,
        %sub3A_401 = arith.subf %get3A_397, %get3A_400 : vector<16xf32>
        %mul3A_402 = arith.mulf %sub3A_401, %sub3A_401 : vector<16xf32>
        %add3A_403 = arith.addf %add3A_367, %mul3A_402 : vector<16xf32>
        %get3A_404 = arith.index_cast %scan3A_175 : i32 to index
        %get3A_405 = arith.constant 400 : index
        %get3A_406 = tpu.vector_load %arg7[%get3A_404, %get3A_405] {strides = array<i32>} : memref<16x512xf32, #tpu.memory_space<vmem>>, vector<16xf32>,
        %get3A_407 = arith.index_cast %scan3A_175 : i32 to index
        %get3A_408 = arith.constant 400 : index
        %get3A_409 = tpu.vector_load %arg11[%get3A_407, %get3A_408] {strides = array<i32>} : memref<16x512xf32, #tpu.memory_space<vmem>>, vector<16xf32>,
        %sub3A_410 = arith.subf %get3A_406, %get3A_409 : vector<16xf32>
        %mul3A_411 = arith.mulf %sub3A_410, %sub3A_410 : vector<16xf32>
        %add3A_412 = arith.addf %add3A_376, %mul3A_411 : vector<16xf32>
        %get3A_413 = arith.index_cast %scan3A_175 : i32 to index
        %get3A_414 = arith.constant 416 : index
        %get3A_415 = tpu.vector_load %arg7[%get3A_413, %get3A_414] {strides = array<i32>} : memref<16x512xf32, #tpu.memory_space<vmem>>, vector<16xf32>,
        %get3A_416 = arith.index_cast %scan3A_175 : i32 to index
        %get3A_417 = arith.constant 416 : index
        %get3A_418 = tpu.vector_load %arg11[%get3A_416, %get3A_417] {strides = array<i32>} : memref<16x512xf32, #tpu.memory_space<vmem>>, vector<16xf32>,
        %sub3A_419 = arith.subf %get3A_415, %get3A_418 : vector<16xf32>
        %mul3A_420 = arith.mulf %sub3A_419, %sub3A_419 : vector<16xf32>
        %add3A_421 = arith.addf %add3A_385, %mul3A_420 : vector<16xf32>
        %get3A_422 = arith.index_cast %scan3A_175 : i32 to index
        %get3A_423 = arith.constant 432 : index
        %get3A_424 = tpu.vector_load %arg7[%get3A_422, %get3A_423] {strides = array<i32>} : memref<16x512xf32, #tpu.memory_space<vmem>>, vector<16xf32>,
        %get3A_425 = arith.index_cast %scan3A_175 : i32 to index
        %get3A_426 = arith.constant 432 : index
        %get3A_427 = tpu.vector_load %arg11[%get3A_425, %get3A_426] {strides = array<i32>} : memref<16x512xf32, #tpu.memory_space<vmem>>, vector<16xf32>,
        %sub3A_428 = arith.subf %get3A_424, %get3A_427 : vector<16xf32>
        %mul3A_429 = arith.mulf %sub3A_428, %sub3A_428 : vector<16xf32>
        %add3A_430 = arith.addf %add3A_394, %mul3A_429 : vector<16xf32>
        %get3A_431 = arith.index_cast %scan3A_175 : i32 to index
        %get3A_432 = arith.constant 448 : index
        %get3A_433 = tpu.vector_load %arg7[%get3A_431, %get3A_432] {strides = array<i32>} : memref<16x512xf32, #tpu.memory_space<vmem>>, vector<16xf32>,
        %get3A_434 = arith.index_cast %scan3A_175 : i32 to index
        %get3A_435 = arith.constant 448 : index
        %get3A_436 = tpu.vector_load %arg11[%get3A_434, %get3A_435] {strides = array<i32>} : memref<16x512xf32, #tpu.memory_space<vmem>>, vector<16xf32>,
        %sub3A_437 = arith.subf %get3A_433, %get3A_436 : vector<16xf32>
        %mul3A_438 = arith.mulf %sub3A_437, %sub3A_437 : vector<16xf32>
        %add3A_439 = arith.addf %add3A_403, %mul3A_438 : vector<16xf32>
        %get3A_440 = arith.index_cast %scan3A_175 : i32 to index
        %get3A_441 = arith.constant 464 : index
        %get3A_442 = tpu.vector_load %arg7[%get3A_440, %get3A_441] {strides = array<i32>} : memref<16x512xf32, #tpu.memory_space<vmem>>, vector<16xf32>,
        %get3A_443 = arith.index_cast %scan3A_175 : i32 to index
        %get3A_444 = arith.constant 464 : index
        %get3A_445 = tpu.vector_load %arg11[%get3A_443, %get3A_444] {strides = array<i32>} : memref<16x512xf32, #tpu.memory_space<vmem>>, vector<16xf32>,
        %sub3A_446 = arith.subf %get3A_442, %get3A_445 : vector<16xf32>
        %mul3A_447 = arith.mulf %sub3A_446, %sub3A_446 : vector<16xf32>
        %add3A_448 = arith.addf %add3A_412, %mul3A_447 : vector<16xf32>
        %get3A_449 = arith.index_cast %scan3A_175 : i32 to index
        %get3A_450 = arith.constant 480 : index
        %get3A_451 = tpu.vector_load %arg7[%get3A_449, %get3A_450] {strides = array<i32>} : memref<16x512xf32, #tpu.memory_space<vmem>>, vector<16xf32>,
        %get3A_452 = arith.index_cast %scan3A_175 : i32 to index
        %get3A_453 = arith.constant 480 : index
        %get3A_454 = tpu.vector_load %arg11[%get3A_452, %get3A_453] {strides = array<i32>} : memref<16x512xf32, #tpu.memory_space<vmem>>, vector<16xf32>,
        %sub3A_455 = arith.subf %get3A_451, %get3A_454 : vector<16xf32>
        %mul3A_456 = arith.mulf %sub3A_455, %sub3A_455 : vector<16xf32>
        %add3A_457 = arith.addf %add3A_421, %mul3A_456 : vector<16xf32>
        %get3A_458 = arith.index_cast %scan3A_175 : i32 to index
        %get3A_459 = arith.constant 496 : index
        %get3A_460 = tpu.vector_load %arg7[%get3A_458, %get3A_459] {strides = array<i32>} : memref<16x512xf32, #tpu.memory_space<vmem>>, vector<16xf32>,
        %get3A_461 = arith.index_cast %scan3A_175 : i32 to index
        %get3A_462 = arith.constant 496 : index
        %get3A_463 = tpu.vector_load %arg11[%get3A_461, %get3A_462] {strides = array<i32>} : memref<16x512xf32, #tpu.memory_space<vmem>>, vector<16xf32>,
        %sub3A_464 = arith.subf %get3A_460, %get3A_463 : vector<16xf32>
        %mul3A_465 = arith.mulf %sub3A_464, %sub3A_464 : vector<16xf32>
        %add3A_466 = arith.addf %add3A_430, %mul3A_465 : vector<16xf32>
        scf.yield %add3A_439, %add3A_448, %add3A_457, %add3A_466 : vector<16xf32>, vector<16xf32>, vector<16xf32>, vector<16xf32>
      }
      %scan3A_81 = arith.constant 16 : i32
      %mul3A_82 = arith.constant 4 : i32
      %mul3A_83 = arith.muli %mul3A_82, %scan3A_51 : i32
      %add3A_84 = arith.constant 1 : i32
      %add3A_85 = arith.addi %mul3A_83, %add3A_84 : i32
      %add3A_86 = arith.constant 4 : i32
      %add3A_87 = arith.addi %add3A_85, %add3A_86 : i32
      %sub3A_88 = arith.constant 1 : i32
      %sub3A_89 = arith.subi %add3A_87, %sub3A_88 : i32
      %lt3A_90 = arith.constant 32 : i32
      %lt3A_91 = arith.cmpi slt, %sub3A_89, %lt3A_90 : i32
      %convert_element_type3A_92 = arith.extui %lt3A_91 : i1 to i32
      %cond3A_93 = arith.constant 0 : i32
      %cond3A_94 = arith.cmpi ne, %convert_element_type3A_92, %cond3A_93 : i32
      scf.if %cond3A_94 {
        %add3A_175 = arith.constant 4 : i32
        %add3A_176 = arith.addi %add3A_85, %add3A_175 : i32
        %sub3A_177 = arith.constant 1 : i32
        %sub3A_178 = arith.subi %add3A_176, %sub3A_177 : i32
        %mul3A_179 = arith.constant 16 : i32
        %mul3A_180 = arith.muli %sub3A_178, %mul3A_179 : i32
        %add3A_181 = arith.addi %mul3A_2, %mul3A_180 : i32
        %dma_start3A_182 = arith.constant 0 : i32
        %dma_start3A_183 = tpu.memref_slice %arg2[%add3A_181, %dma_start3A_182] : memref<16384x512xf32, #tpu.memory_space<hbm>> -> memref<16x512xf32, #tpu.memory_space<hbm>>
        %dma_start3A_184 = arith.constant 0 : i32
        %dma_start3A_185 = tpu.memref_slice %arg2[%add3A_181, %dma_start3A_184] : memref<16384x512xf32, #tpu.memory_space<hbm>> -> memref<16x512xf32, #tpu.memory_space<hbm>>
        tpu.enqueue_dma source(%dma_start3A_185 : memref<16x512xf32, #tpu.memory_space<hbm>>) target(%arg7 : memref<16x512xf32, #tpu.memory_space<vmem>>) target_semaphore(%arg16 : memref<!tpu.dma_semaphore, #tpu.memory_space<semaphore_mem>>)
        %dma_start3A_186 = arith.constant 0 : i32
        %dma_start3A_187 = tpu.memref_slice %arg6[%sub3A_178, %dma_start3A_186] : memref<32x16xi32, #tpu.memory_space<vmem>> -> memref<1x16xi32, #tpu.memory_space<vmem>>
        %dma_start3A_188 = tpu.memref_squeeze %dma_start3A_187 : memref<1x16xi32, #tpu.memory_space<vmem>> -> memref<16xi32, #tpu.memory_space<vmem>>
        %dma_start3A_189 = arith.constant 0 : i32
        %dma_start3A_190 = arith.constant 0 : i32
        %dma_start3A_191 = tpu.memref_slice %arg4[%dma_start3A_189, %dma_start3A_190] : memref<10000x512xf32, #tpu.memory_space<hbm>> -> memref<10000x512xf32, #tpu.memory_space<hbm>>
        tpu.enqueue_indirect_dma source(%dma_start3A_191 : memref<10000x512xf32, #tpu.memory_space<hbm>>) target(%arg11 : memref<16x512xf32, #tpu.memory_space<vmem>>) offsets(%dma_start3A_188 : memref<16xi32, #tpu.memory_space<vmem>>) semaphore(%arg20 : memref<!tpu.dma_semaphore, #tpu.memory_space<semaphore_mem>>)
      } else {
      }
      %dma_wait3A_95 = arith.constant 0 : i32
      %dma_wait3A_96 = arith.constant 0 : i32
      %dma_wait3A_97 = tpu.memref_slice %arg2[%dma_wait3A_95, %dma_wait3A_96] : memref<16384x512xf32, #tpu.memory_space<hbm>> -> memref<16x512xf32, #tpu.memory_space<hbm>>
      %dma_wait3A_98 = arith.constant 0 : i32
      %dma_wait3A_99 = arith.constant 0 : i32
      %dma_wait3A_100 = tpu.memref_slice %arg2[%dma_wait3A_98, %dma_wait3A_99] : memref<16384x512xf32, #tpu.memory_space<hbm>> -> memref<16x512xf32, #tpu.memory_space<hbm>>
      tpu.wait_dma2 semaphore(%arg17 : memref<!tpu.dma_semaphore, #tpu.memory_space<semaphore_mem>>) src(%dma_wait3A_100 : memref<16x512xf32, #tpu.memory_space<hbm>>) dst(%arg8 : memref<16x512xf32, #tpu.memory_space<vmem>>)
      %dma_wait3A_101 = arith.constant 0 : i32
      %dma_wait3A_102 = arith.constant 0 : i32
      %dma_wait3A_103 = tpu.memref_slice %arg2[%dma_wait3A_101, %dma_wait3A_102] : memref<16384x512xf32, #tpu.memory_space<hbm>> -> memref<16x512xf32, #tpu.memory_space<hbm>>
      %dma_wait3A_104 = arith.constant 0 : i32
      %dma_wait3A_105 = arith.constant 0 : i32
      %dma_wait3A_106 = tpu.memref_slice %arg2[%dma_wait3A_104, %dma_wait3A_105] : memref<16384x512xf32, #tpu.memory_space<hbm>> -> memref<16x512xf32, #tpu.memory_space<hbm>>
      tpu.wait_dma2 semaphore(%arg21 : memref<!tpu.dma_semaphore, #tpu.memory_space<semaphore_mem>>) src(%dma_wait3A_106 : memref<16x512xf32, #tpu.memory_space<hbm>>) dst(%arg12 : memref<16x512xf32, #tpu.memory_space<vmem>>)
      %scan3A_107 = arith.constant 0 : i32
      %scan3A_108 = arith.constant 16 : i32
      %scan3A_109 = arith.addi %scan3A_107, %scan3A_108 : i32
      %scan3A_110 = arith.constant 1 : i32
      %scan3A_111:4 = scf.for %scan3A_175 = %scan3A_107 to %scan3A_109 step %scan3A_110 iter_args(%scan3A_176 = %scan3A_80#0, %scan3A_177 = %scan3A_80#1, %scan3A_178 = %scan3A_80#2, %scan3A_179 = %scan3A_80#3) -> (vector<16xf32>, vector<16xf32>, vector<16xf32>, vector<16xf32>)  : i32 {
        %get3A = arith.index_cast %scan3A_175 : i32 to index
        %get3A_180 = arith.constant 0 : index
        %get3A_181 = tpu.vector_load %arg8[%get3A, %get3A_180] {strides = array<i32>} : memref<16x512xf32, #tpu.memory_space<vmem>>, vector<16xf32>,
        %get3A_182 = arith.index_cast %scan3A_175 : i32 to index
        %get3A_183 = arith.constant 0 : index
        %get3A_184 = tpu.vector_load %arg12[%get3A_182, %get3A_183] {strides = array<i32>} : memref<16x512xf32, #tpu.memory_space<vmem>>, vector<16xf32>,
        %sub3A_185 = arith.subf %get3A_181, %get3A_184 : vector<16xf32>
        %mul3A_186 = arith.mulf %sub3A_185, %sub3A_185 : vector<16xf32>
        %add3A_187 = arith.addf %scan3A_176, %mul3A_186 : vector<16xf32>
        %get3A_188 = arith.index_cast %scan3A_175 : i32 to index
        %get3A_189 = arith.constant 16 : index
        %get3A_190 = tpu.vector_load %arg8[%get3A_188, %get3A_189] {strides = array<i32>} : memref<16x512xf32, #tpu.memory_space<vmem>>, vector<16xf32>,
        %get3A_191 = arith.index_cast %scan3A_175 : i32 to index
        %get3A_192 = arith.constant 16 : index
        %get3A_193 = tpu.vector_load %arg12[%get3A_191, %get3A_192] {strides = array<i32>} : memref<16x512xf32, #tpu.memory_space<vmem>>, vector<16xf32>,
        %sub3A_194 = arith.subf %get3A_190, %get3A_193 : vector<16xf32>
        %mul3A_195 = arith.mulf %sub3A_194, %sub3A_194 : vector<16xf32>
        %add3A_196 = arith.addf %scan3A_177, %mul3A_195 : vector<16xf32>
        %get3A_197 = arith.index_cast %scan3A_175 : i32 to index
        %get3A_198 = arith.constant 32 : index
        %get3A_199 = tpu.vector_load %arg8[%get3A_197, %get3A_198] {strides = array<i32>} : memref<16x512xf32, #tpu.memory_space<vmem>>, vector<16xf32>,
        %get3A_200 = arith.index_cast %scan3A_175 : i32 to index
        %get3A_201 = arith.constant 32 : index
        %get3A_202 = tpu.vector_load %arg12[%get3A_200, %get3A_201] {strides = array<i32>} : memref<16x512xf32, #tpu.memory_space<vmem>>, vector<16xf32>,
        %sub3A_203 = arith.subf %get3A_199, %get3A_202 : vector<16xf32>
        %mul3A_204 = arith.mulf %sub3A_203, %sub3A_203 : vector<16xf32>
        %add3A_205 = arith.addf %scan3A_178, %mul3A_204 : vector<16xf32>
        %get3A_206 = arith.index_cast %scan3A_175 : i32 to index
        %get3A_207 = arith.constant 48 : index
        %get3A_208 = tpu.vector_load %arg8[%get3A_206, %get3A_207] {strides = array<i32>} : memref<16x512xf32, #tpu.memory_space<vmem>>, vector<16xf32>,
        %get3A_209 = arith.index_cast %scan3A_175 : i32 to index
        %get3A_210 = arith.constant 48 : index
        %get3A_211 = tpu.vector_load %arg12[%get3A_209, %get3A_210] {strides = array<i32>} : memref<16x512xf32, #tpu.memory_space<vmem>>, vector<16xf32>,
        %sub3A_212 = arith.subf %get3A_208, %get3A_211 : vector<16xf32>
        %mul3A_213 = arith.mulf %sub3A_212, %sub3A_212 : vector<16xf32>
        %add3A_214 = arith.addf %scan3A_179, %mul3A_213 : vector<16xf32>
        %get3A_215 = arith.index_cast %scan3A_175 : i32 to index
        %get3A_216 = arith.constant 64 : index
        %get3A_217 = tpu.vector_load %arg8[%get3A_215, %get3A_216] {strides = array<i32>} : memref<16x512xf32, #tpu.memory_space<vmem>>, vector<16xf32>,
        %get3A_218 = arith.index_cast %scan3A_175 : i32 to index
        %get3A_219 = arith.constant 64 : index
        %get3A_220 = tpu.vector_load %arg12[%get3A_218, %get3A_219] {strides = array<i32>} : memref<16x512xf32, #tpu.memory_space<vmem>>, vector<16xf32>,
        %sub3A_221 = arith.subf %get3A_217, %get3A_220 : vector<16xf32>
        %mul3A_222 = arith.mulf %sub3A_221, %sub3A_221 : vector<16xf32>
        %add3A_223 = arith.addf %add3A_187, %mul3A_222 : vector<16xf32>
        %get3A_224 = arith.index_cast %scan3A_175 : i32 to index
        %get3A_225 = arith.constant 80 : index
        %get3A_226 = tpu.vector_load %arg8[%get3A_224, %get3A_225] {strides = array<i32>} : memref<16x512xf32, #tpu.memory_space<vmem>>, vector<16xf32>,
        %get3A_227 = arith.index_cast %scan3A_175 : i32 to index
        %get3A_228 = arith.constant 80 : index
        %get3A_229 = tpu.vector_load %arg12[%get3A_227, %get3A_228] {strides = array<i32>} : memref<16x512xf32, #tpu.memory_space<vmem>>, vector<16xf32>,
        %sub3A_230 = arith.subf %get3A_226, %get3A_229 : vector<16xf32>
        %mul3A_231 = arith.mulf %sub3A_230, %sub3A_230 : vector<16xf32>
        %add3A_232 = arith.addf %add3A_196, %mul3A_231 : vector<16xf32>
        %get3A_233 = arith.index_cast %scan3A_175 : i32 to index
        %get3A_234 = arith.constant 96 : index
        %get3A_235 = tpu.vector_load %arg8[%get3A_233, %get3A_234] {strides = array<i32>} : memref<16x512xf32, #tpu.memory_space<vmem>>, vector<16xf32>,
        %get3A_236 = arith.index_cast %scan3A_175 : i32 to index
        %get3A_237 = arith.constant 96 : index
        %get3A_238 = tpu.vector_load %arg12[%get3A_236, %get3A_237] {strides = array<i32>} : memref<16x512xf32, #tpu.memory_space<vmem>>, vector<16xf32>,
        %sub3A_239 = arith.subf %get3A_235, %get3A_238 : vector<16xf32>
        %mul3A_240 = arith.mulf %sub3A_239, %sub3A_239 : vector<16xf32>
        %add3A_241 = arith.addf %add3A_205, %mul3A_240 : vector<16xf32>
        %get3A_242 = arith.index_cast %scan3A_175 : i32 to index
        %get3A_243 = arith.constant 112 : index
        %get3A_244 = tpu.vector_load %arg8[%get3A_242, %get3A_243] {strides = array<i32>} : memref<16x512xf32, #tpu.memory_space<vmem>>, vector<16xf32>,
        %get3A_245 = arith.index_cast %scan3A_175 : i32 to index
        %get3A_246 = arith.constant 112 : index
        %get3A_247 = tpu.vector_load %arg12[%get3A_245, %get3A_246] {strides = array<i32>} : memref<16x512xf32, #tpu.memory_space<vmem>>, vector<16xf32>,
        %sub3A_248 = arith.subf %get3A_244, %get3A_247 : vector<16xf32>
        %mul3A_249 = arith.mulf %sub3A_248, %sub3A_248 : vector<16xf32>
        %add3A_250 = arith.addf %add3A_214, %mul3A_249 : vector<16xf32>
        %get3A_251 = arith.index_cast %scan3A_175 : i32 to index
        %get3A_252 = arith.constant 128 : index
        %get3A_253 = tpu.vector_load %arg8[%get3A_251, %get3A_252] {strides = array<i32>} : memref<16x512xf32, #tpu.memory_space<vmem>>, vector<16xf32>,
        %get3A_254 = arith.index_cast %scan3A_175 : i32 to index
        %get3A_255 = arith.constant 128 : index
        %get3A_256 = tpu.vector_load %arg12[%get3A_254, %get3A_255] {strides = array<i32>} : memref<16x512xf32, #tpu.memory_space<vmem>>, vector<16xf32>,
        %sub3A_257 = arith.subf %get3A_253, %get3A_256 : vector<16xf32>
        %mul3A_258 = arith.mulf %sub3A_257, %sub3A_257 : vector<16xf32>
        %add3A_259 = arith.addf %add3A_223, %mul3A_258 : vector<16xf32>
        %get3A_260 = arith.index_cast %scan3A_175 : i32 to index
        %get3A_261 = arith.constant 144 : index
        %get3A_262 = tpu.vector_load %arg8[%get3A_260, %get3A_261] {strides = array<i32>} : memref<16x512xf32, #tpu.memory_space<vmem>>, vector<16xf32>,
        %get3A_263 = arith.index_cast %scan3A_175 : i32 to index
        %get3A_264 = arith.constant 144 : index
        %get3A_265 = tpu.vector_load %arg12[%get3A_263, %get3A_264] {strides = array<i32>} : memref<16x512xf32, #tpu.memory_space<vmem>>, vector<16xf32>,
        %sub3A_266 = arith.subf %get3A_262, %get3A_265 : vector<16xf32>
        %mul3A_267 = arith.mulf %sub3A_266, %sub3A_266 : vector<16xf32>
        %add3A_268 = arith.addf %add3A_232, %mul3A_267 : vector<16xf32>
        %get3A_269 = arith.index_cast %scan3A_175 : i32 to index
        %get3A_270 = arith.constant 160 : index
        %get3A_271 = tpu.vector_load %arg8[%get3A_269, %get3A_270] {strides = array<i32>} : memref<16x512xf32, #tpu.memory_space<vmem>>, vector<16xf32>,
        %get3A_272 = arith.index_cast %scan3A_175 : i32 to index
        %get3A_273 = arith.constant 160 : index
        %get3A_274 = tpu.vector_load %arg12[%get3A_272, %get3A_273] {strides = array<i32>} : memref<16x512xf32, #tpu.memory_space<vmem>>, vector<16xf32>,
        %sub3A_275 = arith.subf %get3A_271, %get3A_274 : vector<16xf32>
        %mul3A_276 = arith.mulf %sub3A_275, %sub3A_275 : vector<16xf32>
        %add3A_277 = arith.addf %add3A_241, %mul3A_276 : vector<16xf32>
        %get3A_278 = arith.index_cast %scan3A_175 : i32 to index
        %get3A_279 = arith.constant 176 : index
        %get3A_280 = tpu.vector_load %arg8[%get3A_278, %get3A_279] {strides = array<i32>} : memref<16x512xf32, #tpu.memory_space<vmem>>, vector<16xf32>,
        %get3A_281 = arith.index_cast %scan3A_175 : i32 to index
        %get3A_282 = arith.constant 176 : index
        %get3A_283 = tpu.vector_load %arg12[%get3A_281, %get3A_282] {strides = array<i32>} : memref<16x512xf32, #tpu.memory_space<vmem>>, vector<16xf32>,
        %sub3A_284 = arith.subf %get3A_280, %get3A_283 : vector<16xf32>
        %mul3A_285 = arith.mulf %sub3A_284, %sub3A_284 : vector<16xf32>
        %add3A_286 = arith.addf %add3A_250, %mul3A_285 : vector<16xf32>
        %get3A_287 = arith.index_cast %scan3A_175 : i32 to index
        %get3A_288 = arith.constant 192 : index
        %get3A_289 = tpu.vector_load %arg8[%get3A_287, %get3A_288] {strides = array<i32>} : memref<16x512xf32, #tpu.memory_space<vmem>>, vector<16xf32>,
        %get3A_290 = arith.index_cast %scan3A_175 : i32 to index
        %get3A_291 = arith.constant 192 : index
        %get3A_292 = tpu.vector_load %arg12[%get3A_290, %get3A_291] {strides = array<i32>} : memref<16x512xf32, #tpu.memory_space<vmem>>, vector<16xf32>,
        %sub3A_293 = arith.subf %get3A_289, %get3A_292 : vector<16xf32>
        %mul3A_294 = arith.mulf %sub3A_293, %sub3A_293 : vector<16xf32>
        %add3A_295 = arith.addf %add3A_259, %mul3A_294 : vector<16xf32>
        %get3A_296 = arith.index_cast %scan3A_175 : i32 to index
        %get3A_297 = arith.constant 208 : index
        %get3A_298 = tpu.vector_load %arg8[%get3A_296, %get3A_297] {strides = array<i32>} : memref<16x512xf32, #tpu.memory_space<vmem>>, vector<16xf32>,
        %get3A_299 = arith.index_cast %scan3A_175 : i32 to index
        %get3A_300 = arith.constant 208 : index
        %get3A_301 = tpu.vector_load %arg12[%get3A_299, %get3A_300] {strides = array<i32>} : memref<16x512xf32, #tpu.memory_space<vmem>>, vector<16xf32>,
        %sub3A_302 = arith.subf %get3A_298, %get3A_301 : vector<16xf32>
        %mul3A_303 = arith.mulf %sub3A_302, %sub3A_302 : vector<16xf32>
        %add3A_304 = arith.addf %add3A_268, %mul3A_303 : vector<16xf32>
        %get3A_305 = arith.index_cast %scan3A_175 : i32 to index
        %get3A_306 = arith.constant 224 : index
        %get3A_307 = tpu.vector_load %arg8[%get3A_305, %get3A_306] {strides = array<i32>} : memref<16x512xf32, #tpu.memory_space<vmem>>, vector<16xf32>,
        %get3A_308 = arith.index_cast %scan3A_175 : i32 to index
        %get3A_309 = arith.constant 224 : index
        %get3A_310 = tpu.vector_load %arg12[%get3A_308, %get3A_309] {strides = array<i32>} : memref<16x512xf32, #tpu.memory_space<vmem>>, vector<16xf32>,
        %sub3A_311 = arith.subf %get3A_307, %get3A_310 : vector<16xf32>
        %mul3A_312 = arith.mulf %sub3A_311, %sub3A_311 : vector<16xf32>
        %add3A_313 = arith.addf %add3A_277, %mul3A_312 : vector<16xf32>
        %get3A_314 = arith.index_cast %scan3A_175 : i32 to index
        %get3A_315 = arith.constant 240 : index
        %get3A_316 = tpu.vector_load %arg8[%get3A_314, %get3A_315] {strides = array<i32>} : memref<16x512xf32, #tpu.memory_space<vmem>>, vector<16xf32>,
        %get3A_317 = arith.index_cast %scan3A_175 : i32 to index
        %get3A_318 = arith.constant 240 : index
        %get3A_319 = tpu.vector_load %arg12[%get3A_317, %get3A_318] {strides = array<i32>} : memref<16x512xf32, #tpu.memory_space<vmem>>, vector<16xf32>,
        %sub3A_320 = arith.subf %get3A_316, %get3A_319 : vector<16xf32>
        %mul3A_321 = arith.mulf %sub3A_320, %sub3A_320 : vector<16xf32>
        %add3A_322 = arith.addf %add3A_286, %mul3A_321 : vector<16xf32>
        %get3A_323 = arith.index_cast %scan3A_175 : i32 to index
        %get3A_324 = arith.constant 256 : index
        %get3A_325 = tpu.vector_load %arg8[%get3A_323, %get3A_324] {strides = array<i32>} : memref<16x512xf32, #tpu.memory_space<vmem>>, vector<16xf32>,
        %get3A_326 = arith.index_cast %scan3A_175 : i32 to index
        %get3A_327 = arith.constant 256 : index
        %get3A_328 = tpu.vector_load %arg12[%get3A_326, %get3A_327] {strides = array<i32>} : memref<16x512xf32, #tpu.memory_space<vmem>>, vector<16xf32>,
        %sub3A_329 = arith.subf %get3A_325, %get3A_328 : vector<16xf32>
        %mul3A_330 = arith.mulf %sub3A_329, %sub3A_329 : vector<16xf32>
        %add3A_331 = arith.addf %add3A_295, %mul3A_330 : vector<16xf32>
        %get3A_332 = arith.index_cast %scan3A_175 : i32 to index
        %get3A_333 = arith.constant 272 : index
        %get3A_334 = tpu.vector_load %arg8[%get3A_332, %get3A_333] {strides = array<i32>} : memref<16x512xf32, #tpu.memory_space<vmem>>, vector<16xf32>,
        %get3A_335 = arith.index_cast %scan3A_175 : i32 to index
        %get3A_336 = arith.constant 272 : index
        %get3A_337 = tpu.vector_load %arg12[%get3A_335, %get3A_336] {strides = array<i32>} : memref<16x512xf32, #tpu.memory_space<vmem>>, vector<16xf32>,
        %sub3A_338 = arith.subf %get3A_334, %get3A_337 : vector<16xf32>
        %mul3A_339 = arith.mulf %sub3A_338, %sub3A_338 : vector<16xf32>
        %add3A_340 = arith.addf %add3A_304, %mul3A_339 : vector<16xf32>
        %get3A_341 = arith.index_cast %scan3A_175 : i32 to index
        %get3A_342 = arith.constant 288 : index
        %get3A_343 = tpu.vector_load %arg8[%get3A_341, %get3A_342] {strides = array<i32>} : memref<16x512xf32, #tpu.memory_space<vmem>>, vector<16xf32>,
        %get3A_344 = arith.index_cast %scan3A_175 : i32 to index
        %get3A_345 = arith.constant 288 : index
        %get3A_346 = tpu.vector_load %arg12[%get3A_344, %get3A_345] {strides = array<i32>} : memref<16x512xf32, #tpu.memory_space<vmem>>, vector<16xf32>,
        %sub3A_347 = arith.subf %get3A_343, %get3A_346 : vector<16xf32>
        %mul3A_348 = arith.mulf %sub3A_347, %sub3A_347 : vector<16xf32>
        %add3A_349 = arith.addf %add3A_313, %mul3A_348 : vector<16xf32>
        %get3A_350 = arith.index_cast %scan3A_175 : i32 to index
        %get3A_351 = arith.constant 304 : index
        %get3A_352 = tpu.vector_load %arg8[%get3A_350, %get3A_351] {strides = array<i32>} : memref<16x512xf32, #tpu.memory_space<vmem>>, vector<16xf32>,
        %get3A_353 = arith.index_cast %scan3A_175 : i32 to index
        %get3A_354 = arith.constant 304 : index
        %get3A_355 = tpu.vector_load %arg12[%get3A_353, %get3A_354] {strides = array<i32>} : memref<16x512xf32, #tpu.memory_space<vmem>>, vector<16xf32>,
        %sub3A_356 = arith.subf %get3A_352, %get3A_355 : vector<16xf32>
        %mul3A_357 = arith.mulf %sub3A_356, %sub3A_356 : vector<16xf32>
        %add3A_358 = arith.addf %add3A_322, %mul3A_357 : vector<16xf32>
        %get3A_359 = arith.index_cast %scan3A_175 : i32 to index
        %get3A_360 = arith.constant 320 : index
        %get3A_361 = tpu.vector_load %arg8[%get3A_359, %get3A_360] {strides = array<i32>} : memref<16x512xf32, #tpu.memory_space<vmem>>, vector<16xf32>,
        %get3A_362 = arith.index_cast %scan3A_175 : i32 to index
        %get3A_363 = arith.constant 320 : index
        %get3A_364 = tpu.vector_load %arg12[%get3A_362, %get3A_363] {strides = array<i32>} : memref<16x512xf32, #tpu.memory_space<vmem>>, vector<16xf32>,
        %sub3A_365 = arith.subf %get3A_361, %get3A_364 : vector<16xf32>
        %mul3A_366 = arith.mulf %sub3A_365, %sub3A_365 : vector<16xf32>
        %add3A_367 = arith.addf %add3A_331, %mul3A_366 : vector<16xf32>
        %get3A_368 = arith.index_cast %scan3A_175 : i32 to index
        %get3A_369 = arith.constant 336 : index
        %get3A_370 = tpu.vector_load %arg8[%get3A_368, %get3A_369] {strides = array<i32>} : memref<16x512xf32, #tpu.memory_space<vmem>>, vector<16xf32>,
        %get3A_371 = arith.index_cast %scan3A_175 : i32 to index
        %get3A_372 = arith.constant 336 : index
        %get3A_373 = tpu.vector_load %arg12[%get3A_371, %get3A_372] {strides = array<i32>} : memref<16x512xf32, #tpu.memory_space<vmem>>, vector<16xf32>,
        %sub3A_374 = arith.subf %get3A_370, %get3A_373 : vector<16xf32>
        %mul3A_375 = arith.mulf %sub3A_374, %sub3A_374 : vector<16xf32>
        %add3A_376 = arith.addf %add3A_340, %mul3A_375 : vector<16xf32>
        %get3A_377 = arith.index_cast %scan3A_175 : i32 to index
        %get3A_378 = arith.constant 352 : index
        %get3A_379 = tpu.vector_load %arg8[%get3A_377, %get3A_378] {strides = array<i32>} : memref<16x512xf32, #tpu.memory_space<vmem>>, vector<16xf32>,
        %get3A_380 = arith.index_cast %scan3A_175 : i32 to index
        %get3A_381 = arith.constant 352 : index
        %get3A_382 = tpu.vector_load %arg12[%get3A_380, %get3A_381] {strides = array<i32>} : memref<16x512xf32, #tpu.memory_space<vmem>>, vector<16xf32>,
        %sub3A_383 = arith.subf %get3A_379, %get3A_382 : vector<16xf32>
        %mul3A_384 = arith.mulf %sub3A_383, %sub3A_383 : vector<16xf32>
        %add3A_385 = arith.addf %add3A_349, %mul3A_384 : vector<16xf32>
        %get3A_386 = arith.index_cast %scan3A_175 : i32 to index
        %get3A_387 = arith.constant 368 : index
        %get3A_388 = tpu.vector_load %arg8[%get3A_386, %get3A_387] {strides = array<i32>} : memref<16x512xf32, #tpu.memory_space<vmem>>, vector<16xf32>,
        %get3A_389 = arith.index_cast %scan3A_175 : i32 to index
        %get3A_390 = arith.constant 368 : index
        %get3A_391 = tpu.vector_load %arg12[%get3A_389, %get3A_390] {strides = array<i32>} : memref<16x512xf32, #tpu.memory_space<vmem>>, vector<16xf32>,
        %sub3A_392 = arith.subf %get3A_388, %get3A_391 : vector<16xf32>
        %mul3A_393 = arith.mulf %sub3A_392, %sub3A_392 : vector<16xf32>
        %add3A_394 = arith.addf %add3A_358, %mul3A_393 : vector<16xf32>
        %get3A_395 = arith.index_cast %scan3A_175 : i32 to index
        %get3A_396 = arith.constant 384 : index
        %get3A_397 = tpu.vector_load %arg8[%get3A_395, %get3A_396] {strides = array<i32>} : memref<16x512xf32, #tpu.memory_space<vmem>>, vector<16xf32>,
        %get3A_398 = arith.index_cast %scan3A_175 : i32 to index
        %get3A_399 = arith.constant 384 : index
        %get3A_400 = tpu.vector_load %arg12[%get3A_398, %get3A_399] {strides = array<i32>} : memref<16x512xf32, #tpu.memory_space<vmem>>, vector<16xf32>,
        %sub3A_401 = arith.subf %get3A_397, %get3A_400 : vector<16xf32>
        %mul3A_402 = arith.mulf %sub3A_401, %sub3A_401 : vector<16xf32>
        %add3A_403 = arith.addf %add3A_367, %mul3A_402 : vector<16xf32>
        %get3A_404 = arith.index_cast %scan3A_175 : i32 to index
        %get3A_405 = arith.constant 400 : index
        %get3A_406 = tpu.vector_load %arg8[%get3A_404, %get3A_405] {strides = array<i32>} : memref<16x512xf32, #tpu.memory_space<vmem>>, vector<16xf32>,
        %get3A_407 = arith.index_cast %scan3A_175 : i32 to index
        %get3A_408 = arith.constant 400 : index
        %get3A_409 = tpu.vector_load %arg12[%get3A_407, %get3A_408] {strides = array<i32>} : memref<16x512xf32, #tpu.memory_space<vmem>>, vector<16xf32>,
        %sub3A_410 = arith.subf %get3A_406, %get3A_409 : vector<16xf32>
        %mul3A_411 = arith.mulf %sub3A_410, %sub3A_410 : vector<16xf32>
        %add3A_412 = arith.addf %add3A_376, %mul3A_411 : vector<16xf32>
        %get3A_413 = arith.index_cast %scan3A_175 : i32 to index
        %get3A_414 = arith.constant 416 : index
        %get3A_415 = tpu.vector_load %arg8[%get3A_413, %get3A_414] {strides = array<i32>} : memref<16x512xf32, #tpu.memory_space<vmem>>, vector<16xf32>,
        %get3A_416 = arith.index_cast %scan3A_175 : i32 to index
        %get3A_417 = arith.constant 416 : index
        %get3A_418 = tpu.vector_load %arg12[%get3A_416, %get3A_417] {strides = array<i32>} : memref<16x512xf32, #tpu.memory_space<vmem>>, vector<16xf32>,
        %sub3A_419 = arith.subf %get3A_415, %get3A_418 : vector<16xf32>
        %mul3A_420 = arith.mulf %sub3A_419, %sub3A_419 : vector<16xf32>
        %add3A_421 = arith.addf %add3A_385, %mul3A_420 : vector<16xf32>
        %get3A_422 = arith.index_cast %scan3A_175 : i32 to index
        %get3A_423 = arith.constant 432 : index
        %get3A_424 = tpu.vector_load %arg8[%get3A_422, %get3A_423] {strides = array<i32>} : memref<16x512xf32, #tpu.memory_space<vmem>>, vector<16xf32>,
        %get3A_425 = arith.index_cast %scan3A_175 : i32 to index
        %get3A_426 = arith.constant 432 : index
        %get3A_427 = tpu.vector_load %arg12[%get3A_425, %get3A_426] {strides = array<i32>} : memref<16x512xf32, #tpu.memory_space<vmem>>, vector<16xf32>,
        %sub3A_428 = arith.subf %get3A_424, %get3A_427 : vector<16xf32>
        %mul3A_429 = arith.mulf %sub3A_428, %sub3A_428 : vector<16xf32>
        %add3A_430 = arith.addf %add3A_394, %mul3A_429 : vector<16xf32>
        %get3A_431 = arith.index_cast %scan3A_175 : i32 to index
        %get3A_432 = arith.constant 448 : index
        %get3A_433 = tpu.vector_load %arg8[%get3A_431, %get3A_432] {strides = array<i32>} : memref<16x512xf32, #tpu.memory_space<vmem>>, vector<16xf32>,
        %get3A_434 = arith.index_cast %scan3A_175 : i32 to index
        %get3A_435 = arith.constant 448 : index
        %get3A_436 = tpu.vector_load %arg12[%get3A_434, %get3A_435] {strides = array<i32>} : memref<16x512xf32, #tpu.memory_space<vmem>>, vector<16xf32>,
        %sub3A_437 = arith.subf %get3A_433, %get3A_436 : vector<16xf32>
        %mul3A_438 = arith.mulf %sub3A_437, %sub3A_437 : vector<16xf32>
        %add3A_439 = arith.addf %add3A_403, %mul3A_438 : vector<16xf32>
        %get3A_440 = arith.index_cast %scan3A_175 : i32 to index
        %get3A_441 = arith.constant 464 : index
        %get3A_442 = tpu.vector_load %arg8[%get3A_440, %get3A_441] {strides = array<i32>} : memref<16x512xf32, #tpu.memory_space<vmem>>, vector<16xf32>,
        %get3A_443 = arith.index_cast %scan3A_175 : i32 to index
        %get3A_444 = arith.constant 464 : index
        %get3A_445 = tpu.vector_load %arg12[%get3A_443, %get3A_444] {strides = array<i32>} : memref<16x512xf32, #tpu.memory_space<vmem>>, vector<16xf32>,
        %sub3A_446 = arith.subf %get3A_442, %get3A_445 : vector<16xf32>
        %mul3A_447 = arith.mulf %sub3A_446, %sub3A_446 : vector<16xf32>
        %add3A_448 = arith.addf %add3A_412, %mul3A_447 : vector<16xf32>
        %get3A_449 = arith.index_cast %scan3A_175 : i32 to index
        %get3A_450 = arith.constant 480 : index
        %get3A_451 = tpu.vector_load %arg8[%get3A_449, %get3A_450] {strides = array<i32>} : memref<16x512xf32, #tpu.memory_space<vmem>>, vector<16xf32>,
        %get3A_452 = arith.index_cast %scan3A_175 : i32 to index
        %get3A_453 = arith.constant 480 : index
        %get3A_454 = tpu.vector_load %arg12[%get3A_452, %get3A_453] {strides = array<i32>} : memref<16x512xf32, #tpu.memory_space<vmem>>, vector<16xf32>,
        %sub3A_455 = arith.subf %get3A_451, %get3A_454 : vector<16xf32>
        %mul3A_456 = arith.mulf %sub3A_455, %sub3A_455 : vector<16xf32>
        %add3A_457 = arith.addf %add3A_421, %mul3A_456 : vector<16xf32>
        %get3A_458 = arith.index_cast %scan3A_175 : i32 to index
        %get3A_459 = arith.constant 496 : index
        %get3A_460 = tpu.vector_load %arg8[%get3A_458, %get3A_459] {strides = array<i32>} : memref<16x512xf32, #tpu.memory_space<vmem>>, vector<16xf32>,
        %get3A_461 = arith.index_cast %scan3A_175 : i32 to index
        %get3A_462 = arith.constant 496 : index
        %get3A_463 = tpu.vector_load %arg12[%get3A_461, %get3A_462] {strides = array<i32>} : memref<16x512xf32, #tpu.memory_space<vmem>>, vector<16xf32>,
        %sub3A_464 = arith.subf %get3A_460, %get3A_463 : vector<16xf32>
        %mul3A_465 = arith.mulf %sub3A_464, %sub3A_464 : vector<16xf32>
        %add3A_466 = arith.addf %add3A_430, %mul3A_465 : vector<16xf32>
        scf.yield %add3A_439, %add3A_448, %add3A_457, %add3A_466 : vector<16xf32>, vector<16xf32>, vector<16xf32>, vector<16xf32>
      }
      %scan3A_112 = arith.constant 16 : i32
      %mul3A_113 = arith.constant 4 : i32
      %mul3A_114 = arith.muli %mul3A_113, %scan3A_51 : i32
      %add3A_115 = arith.constant 2 : i32
      %add3A_116 = arith.addi %mul3A_114, %add3A_115 : i32
      %add3A_117 = arith.constant 4 : i32
      %add3A_118 = arith.addi %add3A_116, %add3A_117 : i32
      %sub3A_119 = arith.constant 1 : i32
      %sub3A_120 = arith.subi %add3A_118, %sub3A_119 : i32
      %lt3A_121 = arith.constant 32 : i32
      %lt3A_122 = arith.cmpi slt, %sub3A_120, %lt3A_121 : i32
      %convert_element_type3A_123 = arith.extui %lt3A_122 : i1 to i32
      %cond3A_124 = arith.constant 0 : i32
      %cond3A_125 = arith.cmpi ne, %convert_element_type3A_123, %cond3A_124 : i32
      scf.if %cond3A_125 {
        %add3A_175 = arith.constant 4 : i32
        %add3A_176 = arith.addi %add3A_116, %add3A_175 : i32
        %sub3A_177 = arith.constant 1 : i32
        %sub3A_178 = arith.subi %add3A_176, %sub3A_177 : i32
        %mul3A_179 = arith.constant 16 : i32
        %mul3A_180 = arith.muli %sub3A_178, %mul3A_179 : i32
        %add3A_181 = arith.addi %mul3A_2, %mul3A_180 : i32
        %dma_start3A_182 = arith.constant 0 : i32
        %dma_start3A_183 = tpu.memref_slice %arg2[%add3A_181, %dma_start3A_182] : memref<16384x512xf32, #tpu.memory_space<hbm>> -> memref<16x512xf32, #tpu.memory_space<hbm>>
        %dma_start3A_184 = arith.constant 0 : i32
        %dma_start3A_185 = tpu.memref_slice %arg2[%add3A_181, %dma_start3A_184] : memref<16384x512xf32, #tpu.memory_space<hbm>> -> memref<16x512xf32, #tpu.memory_space<hbm>>
        tpu.enqueue_dma source(%dma_start3A_185 : memref<16x512xf32, #tpu.memory_space<hbm>>) target(%arg8 : memref<16x512xf32, #tpu.memory_space<vmem>>) target_semaphore(%arg17 : memref<!tpu.dma_semaphore, #tpu.memory_space<semaphore_mem>>)
        %dma_start3A_186 = arith.constant 0 : i32
        %dma_start3A_187 = tpu.memref_slice %arg6[%sub3A_178, %dma_start3A_186] : memref<32x16xi32, #tpu.memory_space<vmem>> -> memref<1x16xi32, #tpu.memory_space<vmem>>
        %dma_start3A_188 = tpu.memref_squeeze %dma_start3A_187 : memref<1x16xi32, #tpu.memory_space<vmem>> -> memref<16xi32, #tpu.memory_space<vmem>>
        %dma_start3A_189 = arith.constant 0 : i32
        %dma_start3A_190 = arith.constant 0 : i32
        %dma_start3A_191 = tpu.memref_slice %arg4[%dma_start3A_189, %dma_start3A_190] : memref<10000x512xf32, #tpu.memory_space<hbm>> -> memref<10000x512xf32, #tpu.memory_space<hbm>>
        tpu.enqueue_indirect_dma source(%dma_start3A_191 : memref<10000x512xf32, #tpu.memory_space<hbm>>) target(%arg12 : memref<16x512xf32, #tpu.memory_space<vmem>>) offsets(%dma_start3A_188 : memref<16xi32, #tpu.memory_space<vmem>>) semaphore(%arg21 : memref<!tpu.dma_semaphore, #tpu.memory_space<semaphore_mem>>)
      } else {
      }
      %dma_wait3A_126 = arith.constant 0 : i32
      %dma_wait3A_127 = arith.constant 0 : i32
      %dma_wait3A_128 = tpu.memref_slice %arg2[%dma_wait3A_126, %dma_wait3A_127] : memref<16384x512xf32, #tpu.memory_space<hbm>> -> memref<16x512xf32, #tpu.memory_space<hbm>>
      %dma_wait3A_129 = arith.constant 0 : i32
      %dma_wait3A_130 = arith.constant 0 : i32
      %dma_wait3A_131 = tpu.memref_slice %arg2[%dma_wait3A_129, %dma_wait3A_130] : memref<16384x512xf32, #tpu.memory_space<hbm>> -> memref<16x512xf32, #tpu.memory_space<hbm>>
      tpu.wait_dma2 semaphore(%arg18 : memref<!tpu.dma_semaphore, #tpu.memory_space<semaphore_mem>>) src(%dma_wait3A_131 : memref<16x512xf32, #tpu.memory_space<hbm>>) dst(%arg9 : memref<16x512xf32, #tpu.memory_space<vmem>>)
      %dma_wait3A_132 = arith.constant 0 : i32
      %dma_wait3A_133 = arith.constant 0 : i32
      %dma_wait3A_134 = tpu.memref_slice %arg2[%dma_wait3A_132, %dma_wait3A_133] : memref<16384x512xf32, #tpu.memory_space<hbm>> -> memref<16x512xf32, #tpu.memory_space<hbm>>
      %dma_wait3A_135 = arith.constant 0 : i32
      %dma_wait3A_136 = arith.constant 0 : i32
      %dma_wait3A_137 = tpu.memref_slice %arg2[%dma_wait3A_135, %dma_wait3A_136] : memref<16384x512xf32, #tpu.memory_space<hbm>> -> memref<16x512xf32, #tpu.memory_space<hbm>>
      tpu.wait_dma2 semaphore(%arg22 : memref<!tpu.dma_semaphore, #tpu.memory_space<semaphore_mem>>) src(%dma_wait3A_137 : memref<16x512xf32, #tpu.memory_space<hbm>>) dst(%arg13 : memref<16x512xf32, #tpu.memory_space<vmem>>)
      %scan3A_138 = arith.constant 0 : i32
      %scan3A_139 = arith.constant 16 : i32
      %scan3A_140 = arith.addi %scan3A_138, %scan3A_139 : i32
      %scan3A_141 = arith.constant 1 : i32
      %scan3A_142:4 = scf.for %scan3A_175 = %scan3A_138 to %scan3A_140 step %scan3A_141 iter_args(%scan3A_176 = %scan3A_111#0, %scan3A_177 = %scan3A_111#1, %scan3A_178 = %scan3A_111#2, %scan3A_179 = %scan3A_111#3) -> (vector<16xf32>, vector<16xf32>, vector<16xf32>, vector<16xf32>)  : i32 {
        %get3A = arith.index_cast %scan3A_175 : i32 to index
        %get3A_180 = arith.constant 0 : index
        %get3A_181 = tpu.vector_load %arg9[%get3A, %get3A_180] {strides = array<i32>} : memref<16x512xf32, #tpu.memory_space<vmem>>, vector<16xf32>,
        %get3A_182 = arith.index_cast %scan3A_175 : i32 to index
        %get3A_183 = arith.constant 0 : index
        %get3A_184 = tpu.vector_load %arg13[%get3A_182, %get3A_183] {strides = array<i32>} : memref<16x512xf32, #tpu.memory_space<vmem>>, vector<16xf32>,
        %sub3A_185 = arith.subf %get3A_181, %get3A_184 : vector<16xf32>
        %mul3A_186 = arith.mulf %sub3A_185, %sub3A_185 : vector<16xf32>
        %add3A_187 = arith.addf %scan3A_176, %mul3A_186 : vector<16xf32>
        %get3A_188 = arith.index_cast %scan3A_175 : i32 to index
        %get3A_189 = arith.constant 16 : index
        %get3A_190 = tpu.vector_load %arg9[%get3A_188, %get3A_189] {strides = array<i32>} : memref<16x512xf32, #tpu.memory_space<vmem>>, vector<16xf32>,
        %get3A_191 = arith.index_cast %scan3A_175 : i32 to index
        %get3A_192 = arith.constant 16 : index
        %get3A_193 = tpu.vector_load %arg13[%get3A_191, %get3A_192] {strides = array<i32>} : memref<16x512xf32, #tpu.memory_space<vmem>>, vector<16xf32>,
        %sub3A_194 = arith.subf %get3A_190, %get3A_193 : vector<16xf32>
        %mul3A_195 = arith.mulf %sub3A_194, %sub3A_194 : vector<16xf32>
        %add3A_196 = arith.addf %scan3A_177, %mul3A_195 : vector<16xf32>
        %get3A_197 = arith.index_cast %scan3A_175 : i32 to index
        %get3A_198 = arith.constant 32 : index
        %get3A_199 = tpu.vector_load %arg9[%get3A_197, %get3A_198] {strides = array<i32>} : memref<16x512xf32, #tpu.memory_space<vmem>>, vector<16xf32>,
        %get3A_200 = arith.index_cast %scan3A_175 : i32 to index
        %get3A_201 = arith.constant 32 : index
        %get3A_202 = tpu.vector_load %arg13[%get3A_200, %get3A_201] {strides = array<i32>} : memref<16x512xf32, #tpu.memory_space<vmem>>, vector<16xf32>,
        %sub3A_203 = arith.subf %get3A_199, %get3A_202 : vector<16xf32>
        %mul3A_204 = arith.mulf %sub3A_203, %sub3A_203 : vector<16xf32>
        %add3A_205 = arith.addf %scan3A_178, %mul3A_204 : vector<16xf32>
        %get3A_206 = arith.index_cast %scan3A_175 : i32 to index
        %get3A_207 = arith.constant 48 : index
        %get3A_208 = tpu.vector_load %arg9[%get3A_206, %get3A_207] {strides = array<i32>} : memref<16x512xf32, #tpu.memory_space<vmem>>, vector<16xf32>,
        %get3A_209 = arith.index_cast %scan3A_175 : i32 to index
        %get3A_210 = arith.constant 48 : index
        %get3A_211 = tpu.vector_load %arg13[%get3A_209, %get3A_210] {strides = array<i32>} : memref<16x512xf32, #tpu.memory_space<vmem>>, vector<16xf32>,
        %sub3A_212 = arith.subf %get3A_208, %get3A_211 : vector<16xf32>
        %mul3A_213 = arith.mulf %sub3A_212, %sub3A_212 : vector<16xf32>
        %add3A_214 = arith.addf %scan3A_179, %mul3A_213 : vector<16xf32>
        %get3A_215 = arith.index_cast %scan3A_175 : i32 to index
        %get3A_216 = arith.constant 64 : index
        %get3A_217 = tpu.vector_load %arg9[%get3A_215, %get3A_216] {strides = array<i32>} : memref<16x512xf32, #tpu.memory_space<vmem>>, vector<16xf32>,
        %get3A_218 = arith.index_cast %scan3A_175 : i32 to index
        %get3A_219 = arith.constant 64 : index
        %get3A_220 = tpu.vector_load %arg13[%get3A_218, %get3A_219] {strides = array<i32>} : memref<16x512xf32, #tpu.memory_space<vmem>>, vector<16xf32>,
        %sub3A_221 = arith.subf %get3A_217, %get3A_220 : vector<16xf32>
        %mul3A_222 = arith.mulf %sub3A_221, %sub3A_221 : vector<16xf32>
        %add3A_223 = arith.addf %add3A_187, %mul3A_222 : vector<16xf32>
        %get3A_224 = arith.index_cast %scan3A_175 : i32 to index
        %get3A_225 = arith.constant 80 : index
        %get3A_226 = tpu.vector_load %arg9[%get3A_224, %get3A_225] {strides = array<i32>} : memref<16x512xf32, #tpu.memory_space<vmem>>, vector<16xf32>,
        %get3A_227 = arith.index_cast %scan3A_175 : i32 to index
        %get3A_228 = arith.constant 80 : index
        %get3A_229 = tpu.vector_load %arg13[%get3A_227, %get3A_228] {strides = array<i32>} : memref<16x512xf32, #tpu.memory_space<vmem>>, vector<16xf32>,
        %sub3A_230 = arith.subf %get3A_226, %get3A_229 : vector<16xf32>
        %mul3A_231 = arith.mulf %sub3A_230, %sub3A_230 : vector<16xf32>
        %add3A_232 = arith.addf %add3A_196, %mul3A_231 : vector<16xf32>
        %get3A_233 = arith.index_cast %scan3A_175 : i32 to index
        %get3A_234 = arith.constant 96 : index
        %get3A_235 = tpu.vector_load %arg9[%get3A_233, %get3A_234] {strides = array<i32>} : memref<16x512xf32, #tpu.memory_space<vmem>>, vector<16xf32>,
        %get3A_236 = arith.index_cast %scan3A_175 : i32 to index
        %get3A_237 = arith.constant 96 : index
        %get3A_238 = tpu.vector_load %arg13[%get3A_236, %get3A_237] {strides = array<i32>} : memref<16x512xf32, #tpu.memory_space<vmem>>, vector<16xf32>,
        %sub3A_239 = arith.subf %get3A_235, %get3A_238 : vector<16xf32>
        %mul3A_240 = arith.mulf %sub3A_239, %sub3A_239 : vector<16xf32>
        %add3A_241 = arith.addf %add3A_205, %mul3A_240 : vector<16xf32>
        %get3A_242 = arith.index_cast %scan3A_175 : i32 to index
        %get3A_243 = arith.constant 112 : index
        %get3A_244 = tpu.vector_load %arg9[%get3A_242, %get3A_243] {strides = array<i32>} : memref<16x512xf32, #tpu.memory_space<vmem>>, vector<16xf32>,
        %get3A_245 = arith.index_cast %scan3A_175 : i32 to index
        %get3A_246 = arith.constant 112 : index
        %get3A_247 = tpu.vector_load %arg13[%get3A_245, %get3A_246] {strides = array<i32>} : memref<16x512xf32, #tpu.memory_space<vmem>>, vector<16xf32>,
        %sub3A_248 = arith.subf %get3A_244, %get3A_247 : vector<16xf32>
        %mul3A_249 = arith.mulf %sub3A_248, %sub3A_248 : vector<16xf32>
        %add3A_250 = arith.addf %add3A_214, %mul3A_249 : vector<16xf32>
        %get3A_251 = arith.index_cast %scan3A_175 : i32 to index
        %get3A_252 = arith.constant 128 : index
        %get3A_253 = tpu.vector_load %arg9[%get3A_251, %get3A_252] {strides = array<i32>} : memref<16x512xf32, #tpu.memory_space<vmem>>, vector<16xf32>,
        %get3A_254 = arith.index_cast %scan3A_175 : i32 to index
        %get3A_255 = arith.constant 128 : index
        %get3A_256 = tpu.vector_load %arg13[%get3A_254, %get3A_255] {strides = array<i32>} : memref<16x512xf32, #tpu.memory_space<vmem>>, vector<16xf32>,
        %sub3A_257 = arith.subf %get3A_253, %get3A_256 : vector<16xf32>
        %mul3A_258 = arith.mulf %sub3A_257, %sub3A_257 : vector<16xf32>
        %add3A_259 = arith.addf %add3A_223, %mul3A_258 : vector<16xf32>
        %get3A_260 = arith.index_cast %scan3A_175 : i32 to index
        %get3A_261 = arith.constant 144 : index
        %get3A_262 = tpu.vector_load %arg9[%get3A_260, %get3A_261] {strides = array<i32>} : memref<16x512xf32, #tpu.memory_space<vmem>>, vector<16xf32>,
        %get3A_263 = arith.index_cast %scan3A_175 : i32 to index
        %get3A_264 = arith.constant 144 : index
        %get3A_265 = tpu.vector_load %arg13[%get3A_263, %get3A_264] {strides = array<i32>} : memref<16x512xf32, #tpu.memory_space<vmem>>, vector<16xf32>,
        %sub3A_266 = arith.subf %get3A_262, %get3A_265 : vector<16xf32>
        %mul3A_267 = arith.mulf %sub3A_266, %sub3A_266 : vector<16xf32>
        %add3A_268 = arith.addf %add3A_232, %mul3A_267 : vector<16xf32>
        %get3A_269 = arith.index_cast %scan3A_175 : i32 to index
        %get3A_270 = arith.constant 160 : index
        %get3A_271 = tpu.vector_load %arg9[%get3A_269, %get3A_270] {strides = array<i32>} : memref<16x512xf32, #tpu.memory_space<vmem>>, vector<16xf32>,
        %get3A_272 = arith.index_cast %scan3A_175 : i32 to index
        %get3A_273 = arith.constant 160 : index
        %get3A_274 = tpu.vector_load %arg13[%get3A_272, %get3A_273] {strides = array<i32>} : memref<16x512xf32, #tpu.memory_space<vmem>>, vector<16xf32>,
        %sub3A_275 = arith.subf %get3A_271, %get3A_274 : vector<16xf32>
        %mul3A_276 = arith.mulf %sub3A_275, %sub3A_275 : vector<16xf32>
        %add3A_277 = arith.addf %add3A_241, %mul3A_276 : vector<16xf32>
        %get3A_278 = arith.index_cast %scan3A_175 : i32 to index
        %get3A_279 = arith.constant 176 : index
        %get3A_280 = tpu.vector_load %arg9[%get3A_278, %get3A_279] {strides = array<i32>} : memref<16x512xf32, #tpu.memory_space<vmem>>, vector<16xf32>,
        %get3A_281 = arith.index_cast %scan3A_175 : i32 to index
        %get3A_282 = arith.constant 176 : index
        %get3A_283 = tpu.vector_load %arg13[%get3A_281, %get3A_282] {strides = array<i32>} : memref<16x512xf32, #tpu.memory_space<vmem>>, vector<16xf32>,
        %sub3A_284 = arith.subf %get3A_280, %get3A_283 : vector<16xf32>
        %mul3A_285 = arith.mulf %sub3A_284, %sub3A_284 : vector<16xf32>
        %add3A_286 = arith.addf %add3A_250, %mul3A_285 : vector<16xf32>
        %get3A_287 = arith.index_cast %scan3A_175 : i32 to index
        %get3A_288 = arith.constant 192 : index
        %get3A_289 = tpu.vector_load %arg9[%get3A_287, %get3A_288] {strides = array<i32>} : memref<16x512xf32, #tpu.memory_space<vmem>>, vector<16xf32>,
        %get3A_290 = arith.index_cast %scan3A_175 : i32 to index
        %get3A_291 = arith.constant 192 : index
        %get3A_292 = tpu.vector_load %arg13[%get3A_290, %get3A_291] {strides = array<i32>} : memref<16x512xf32, #tpu.memory_space<vmem>>, vector<16xf32>,
        %sub3A_293 = arith.subf %get3A_289, %get3A_292 : vector<16xf32>
        %mul3A_294 = arith.mulf %sub3A_293, %sub3A_293 : vector<16xf32>
        %add3A_295 = arith.addf %add3A_259, %mul3A_294 : vector<16xf32>
        %get3A_296 = arith.index_cast %scan3A_175 : i32 to index
        %get3A_297 = arith.constant 208 : index
        %get3A_298 = tpu.vector_load %arg9[%get3A_296, %get3A_297] {strides = array<i32>} : memref<16x512xf32, #tpu.memory_space<vmem>>, vector<16xf32>,
        %get3A_299 = arith.index_cast %scan3A_175 : i32 to index
        %get3A_300 = arith.constant 208 : index
        %get3A_301 = tpu.vector_load %arg13[%get3A_299, %get3A_300] {strides = array<i32>} : memref<16x512xf32, #tpu.memory_space<vmem>>, vector<16xf32>,
        %sub3A_302 = arith.subf %get3A_298, %get3A_301 : vector<16xf32>
        %mul3A_303 = arith.mulf %sub3A_302, %sub3A_302 : vector<16xf32>
        %add3A_304 = arith.addf %add3A_268, %mul3A_303 : vector<16xf32>
        %get3A_305 = arith.index_cast %scan3A_175 : i32 to index
        %get3A_306 = arith.constant 224 : index
        %get3A_307 = tpu.vector_load %arg9[%get3A_305, %get3A_306] {strides = array<i32>} : memref<16x512xf32, #tpu.memory_space<vmem>>, vector<16xf32>,
        %get3A_308 = arith.index_cast %scan3A_175 : i32 to index
        %get3A_309 = arith.constant 224 : index
        %get3A_310 = tpu.vector_load %arg13[%get3A_308, %get3A_309] {strides = array<i32>} : memref<16x512xf32, #tpu.memory_space<vmem>>, vector<16xf32>,
        %sub3A_311 = arith.subf %get3A_307, %get3A_310 : vector<16xf32>
        %mul3A_312 = arith.mulf %sub3A_311, %sub3A_311 : vector<16xf32>
        %add3A_313 = arith.addf %add3A_277, %mul3A_312 : vector<16xf32>
        %get3A_314 = arith.index_cast %scan3A_175 : i32 to index
        %get3A_315 = arith.constant 240 : index
        %get3A_316 = tpu.vector_load %arg9[%get3A_314, %get3A_315] {strides = array<i32>} : memref<16x512xf32, #tpu.memory_space<vmem>>, vector<16xf32>,
        %get3A_317 = arith.index_cast %scan3A_175 : i32 to index
        %get3A_318 = arith.constant 240 : index
        %get3A_319 = tpu.vector_load %arg13[%get3A_317, %get3A_318] {strides = array<i32>} : memref<16x512xf32, #tpu.memory_space<vmem>>, vector<16xf32>,
        %sub3A_320 = arith.subf %get3A_316, %get3A_319 : vector<16xf32>
        %mul3A_321 = arith.mulf %sub3A_320, %sub3A_320 : vector<16xf32>
        %add3A_322 = arith.addf %add3A_286, %mul3A_321 : vector<16xf32>
        %get3A_323 = arith.index_cast %scan3A_175 : i32 to index
        %get3A_324 = arith.constant 256 : index
        %get3A_325 = tpu.vector_load %arg9[%get3A_323, %get3A_324] {strides = array<i32>} : memref<16x512xf32, #tpu.memory_space<vmem>>, vector<16xf32>,
        %get3A_326 = arith.index_cast %scan3A_175 : i32 to index
        %get3A_327 = arith.constant 256 : index
        %get3A_328 = tpu.vector_load %arg13[%get3A_326, %get3A_327] {strides = array<i32>} : memref<16x512xf32, #tpu.memory_space<vmem>>, vector<16xf32>,
        %sub3A_329 = arith.subf %get3A_325, %get3A_328 : vector<16xf32>
        %mul3A_330 = arith.mulf %sub3A_329, %sub3A_329 : vector<16xf32>
        %add3A_331 = arith.addf %add3A_295, %mul3A_330 : vector<16xf32>
        %get3A_332 = arith.index_cast %scan3A_175 : i32 to index
        %get3A_333 = arith.constant 272 : index
        %get3A_334 = tpu.vector_load %arg9[%get3A_332, %get3A_333] {strides = array<i32>} : memref<16x512xf32, #tpu.memory_space<vmem>>, vector<16xf32>,
        %get3A_335 = arith.index_cast %scan3A_175 : i32 to index
        %get3A_336 = arith.constant 272 : index
        %get3A_337 = tpu.vector_load %arg13[%get3A_335, %get3A_336] {strides = array<i32>} : memref<16x512xf32, #tpu.memory_space<vmem>>, vector<16xf32>,
        %sub3A_338 = arith.subf %get3A_334, %get3A_337 : vector<16xf32>
        %mul3A_339 = arith.mulf %sub3A_338, %sub3A_338 : vector<16xf32>
        %add3A_340 = arith.addf %add3A_304, %mul3A_339 : vector<16xf32>
        %get3A_341 = arith.index_cast %scan3A_175 : i32 to index
        %get3A_342 = arith.constant 288 : index
        %get3A_343 = tpu.vector_load %arg9[%get3A_341, %get3A_342] {strides = array<i32>} : memref<16x512xf32, #tpu.memory_space<vmem>>, vector<16xf32>,
        %get3A_344 = arith.index_cast %scan3A_175 : i32 to index
        %get3A_345 = arith.constant 288 : index
        %get3A_346 = tpu.vector_load %arg13[%get3A_344, %get3A_345] {strides = array<i32>} : memref<16x512xf32, #tpu.memory_space<vmem>>, vector<16xf32>,
        %sub3A_347 = arith.subf %get3A_343, %get3A_346 : vector<16xf32>
        %mul3A_348 = arith.mulf %sub3A_347, %sub3A_347 : vector<16xf32>
        %add3A_349 = arith.addf %add3A_313, %mul3A_348 : vector<16xf32>
        %get3A_350 = arith.index_cast %scan3A_175 : i32 to index
        %get3A_351 = arith.constant 304 : index
        %get3A_352 = tpu.vector_load %arg9[%get3A_350, %get3A_351] {strides = array<i32>} : memref<16x512xf32, #tpu.memory_space<vmem>>, vector<16xf32>,
        %get3A_353 = arith.index_cast %scan3A_175 : i32 to index
        %get3A_354 = arith.constant 304 : index
        %get3A_355 = tpu.vector_load %arg13[%get3A_353, %get3A_354] {strides = array<i32>} : memref<16x512xf32, #tpu.memory_space<vmem>>, vector<16xf32>,
        %sub3A_356 = arith.subf %get3A_352, %get3A_355 : vector<16xf32>
        %mul3A_357 = arith.mulf %sub3A_356, %sub3A_356 : vector<16xf32>
        %add3A_358 = arith.addf %add3A_322, %mul3A_357 : vector<16xf32>
        %get3A_359 = arith.index_cast %scan3A_175 : i32 to index
        %get3A_360 = arith.constant 320 : index
        %get3A_361 = tpu.vector_load %arg9[%get3A_359, %get3A_360] {strides = array<i32>} : memref<16x512xf32, #tpu.memory_space<vmem>>, vector<16xf32>,
        %get3A_362 = arith.index_cast %scan3A_175 : i32 to index
        %get3A_363 = arith.constant 320 : index
        %get3A_364 = tpu.vector_load %arg13[%get3A_362, %get3A_363] {strides = array<i32>} : memref<16x512xf32, #tpu.memory_space<vmem>>, vector<16xf32>,
        %sub3A_365 = arith.subf %get3A_361, %get3A_364 : vector<16xf32>
        %mul3A_366 = arith.mulf %sub3A_365, %sub3A_365 : vector<16xf32>
        %add3A_367 = arith.addf %add3A_331, %mul3A_366 : vector<16xf32>
        %get3A_368 = arith.index_cast %scan3A_175 : i32 to index
        %get3A_369 = arith.constant 336 : index
        %get3A_370 = tpu.vector_load %arg9[%get3A_368, %get3A_369] {strides = array<i32>} : memref<16x512xf32, #tpu.memory_space<vmem>>, vector<16xf32>,
        %get3A_371 = arith.index_cast %scan3A_175 : i32 to index
        %get3A_372 = arith.constant 336 : index
        %get3A_373 = tpu.vector_load %arg13[%get3A_371, %get3A_372] {strides = array<i32>} : memref<16x512xf32, #tpu.memory_space<vmem>>, vector<16xf32>,
        %sub3A_374 = arith.subf %get3A_370, %get3A_373 : vector<16xf32>
        %mul3A_375 = arith.mulf %sub3A_374, %sub3A_374 : vector<16xf32>
        %add3A_376 = arith.addf %add3A_340, %mul3A_375 : vector<16xf32>
        %get3A_377 = arith.index_cast %scan3A_175 : i32 to index
        %get3A_378 = arith.constant 352 : index
        %get3A_379 = tpu.vector_load %arg9[%get3A_377, %get3A_378] {strides = array<i32>} : memref<16x512xf32, #tpu.memory_space<vmem>>, vector<16xf32>,
        %get3A_380 = arith.index_cast %scan3A_175 : i32 to index
        %get3A_381 = arith.constant 352 : index
        %get3A_382 = tpu.vector_load %arg13[%get3A_380, %get3A_381] {strides = array<i32>} : memref<16x512xf32, #tpu.memory_space<vmem>>, vector<16xf32>,
        %sub3A_383 = arith.subf %get3A_379, %get3A_382 : vector<16xf32>
        %mul3A_384 = arith.mulf %sub3A_383, %sub3A_383 : vector<16xf32>
        %add3A_385 = arith.addf %add3A_349, %mul3A_384 : vector<16xf32>
        %get3A_386 = arith.index_cast %scan3A_175 : i32 to index
        %get3A_387 = arith.constant 368 : index
        %get3A_388 = tpu.vector_load %arg9[%get3A_386, %get3A_387] {strides = array<i32>} : memref<16x512xf32, #tpu.memory_space<vmem>>, vector<16xf32>,
        %get3A_389 = arith.index_cast %scan3A_175 : i32 to index
        %get3A_390 = arith.constant 368 : index
        %get3A_391 = tpu.vector_load %arg13[%get3A_389, %get3A_390] {strides = array<i32>} : memref<16x512xf32, #tpu.memory_space<vmem>>, vector<16xf32>,
        %sub3A_392 = arith.subf %get3A_388, %get3A_391 : vector<16xf32>
        %mul3A_393 = arith.mulf %sub3A_392, %sub3A_392 : vector<16xf32>
        %add3A_394 = arith.addf %add3A_358, %mul3A_393 : vector<16xf32>
        %get3A_395 = arith.index_cast %scan3A_175 : i32 to index
        %get3A_396 = arith.constant 384 : index
        %get3A_397 = tpu.vector_load %arg9[%get3A_395, %get3A_396] {strides = array<i32>} : memref<16x512xf32, #tpu.memory_space<vmem>>, vector<16xf32>,
        %get3A_398 = arith.index_cast %scan3A_175 : i32 to index
        %get3A_399 = arith.constant 384 : index
        %get3A_400 = tpu.vector_load %arg13[%get3A_398, %get3A_399] {strides = array<i32>} : memref<16x512xf32, #tpu.memory_space<vmem>>, vector<16xf32>,
        %sub3A_401 = arith.subf %get3A_397, %get3A_400 : vector<16xf32>
        %mul3A_402 = arith.mulf %sub3A_401, %sub3A_401 : vector<16xf32>
        %add3A_403 = arith.addf %add3A_367, %mul3A_402 : vector<16xf32>
        %get3A_404 = arith.index_cast %scan3A_175 : i32 to index
        %get3A_405 = arith.constant 400 : index
        %get3A_406 = tpu.vector_load %arg9[%get3A_404, %get3A_405] {strides = array<i32>} : memref<16x512xf32, #tpu.memory_space<vmem>>, vector<16xf32>,
        %get3A_407 = arith.index_cast %scan3A_175 : i32 to index
        %get3A_408 = arith.constant 400 : index
        %get3A_409 = tpu.vector_load %arg13[%get3A_407, %get3A_408] {strides = array<i32>} : memref<16x512xf32, #tpu.memory_space<vmem>>, vector<16xf32>,
        %sub3A_410 = arith.subf %get3A_406, %get3A_409 : vector<16xf32>
        %mul3A_411 = arith.mulf %sub3A_410, %sub3A_410 : vector<16xf32>
        %add3A_412 = arith.addf %add3A_376, %mul3A_411 : vector<16xf32>
        %get3A_413 = arith.index_cast %scan3A_175 : i32 to index
        %get3A_414 = arith.constant 416 : index
        %get3A_415 = tpu.vector_load %arg9[%get3A_413, %get3A_414] {strides = array<i32>} : memref<16x512xf32, #tpu.memory_space<vmem>>, vector<16xf32>,
        %get3A_416 = arith.index_cast %scan3A_175 : i32 to index
        %get3A_417 = arith.constant 416 : index
        %get3A_418 = tpu.vector_load %arg13[%get3A_416, %get3A_417] {strides = array<i32>} : memref<16x512xf32, #tpu.memory_space<vmem>>, vector<16xf32>,
        %sub3A_419 = arith.subf %get3A_415, %get3A_418 : vector<16xf32>
        %mul3A_420 = arith.mulf %sub3A_419, %sub3A_419 : vector<16xf32>
        %add3A_421 = arith.addf %add3A_385, %mul3A_420 : vector<16xf32>
        %get3A_422 = arith.index_cast %scan3A_175 : i32 to index
        %get3A_423 = arith.constant 432 : index
        %get3A_424 = tpu.vector_load %arg9[%get3A_422, %get3A_423] {strides = array<i32>} : memref<16x512xf32, #tpu.memory_space<vmem>>, vector<16xf32>,
        %get3A_425 = arith.index_cast %scan3A_175 : i32 to index
        %get3A_426 = arith.constant 432 : index
        %get3A_427 = tpu.vector_load %arg13[%get3A_425, %get3A_426] {strides = array<i32>} : memref<16x512xf32, #tpu.memory_space<vmem>>, vector<16xf32>,
        %sub3A_428 = arith.subf %get3A_424, %get3A_427 : vector<16xf32>
        %mul3A_429 = arith.mulf %sub3A_428, %sub3A_428 : vector<16xf32>
        %add3A_430 = arith.addf %add3A_394, %mul3A_429 : vector<16xf32>
        %get3A_431 = arith.index_cast %scan3A_175 : i32 to index
        %get3A_432 = arith.constant 448 : index
        %get3A_433 = tpu.vector_load %arg9[%get3A_431, %get3A_432] {strides = array<i32>} : memref<16x512xf32, #tpu.memory_space<vmem>>, vector<16xf32>,
        %get3A_434 = arith.index_cast %scan3A_175 : i32 to index
        %get3A_435 = arith.constant 448 : index
        %get3A_436 = tpu.vector_load %arg13[%get3A_434, %get3A_435] {strides = array<i32>} : memref<16x512xf32, #tpu.memory_space<vmem>>, vector<16xf32>,
        %sub3A_437 = arith.subf %get3A_433, %get3A_436 : vector<16xf32>
        %mul3A_438 = arith.mulf %sub3A_437, %sub3A_437 : vector<16xf32>
        %add3A_439 = arith.addf %add3A_403, %mul3A_438 : vector<16xf32>
        %get3A_440 = arith.index_cast %scan3A_175 : i32 to index
        %get3A_441 = arith.constant 464 : index
        %get3A_442 = tpu.vector_load %arg9[%get3A_440, %get3A_441] {strides = array<i32>} : memref<16x512xf32, #tpu.memory_space<vmem>>, vector<16xf32>,
        %get3A_443 = arith.index_cast %scan3A_175 : i32 to index
        %get3A_444 = arith.constant 464 : index
        %get3A_445 = tpu.vector_load %arg13[%get3A_443, %get3A_444] {strides = array<i32>} : memref<16x512xf32, #tpu.memory_space<vmem>>, vector<16xf32>,
        %sub3A_446 = arith.subf %get3A_442, %get3A_445 : vector<16xf32>
        %mul3A_447 = arith.mulf %sub3A_446, %sub3A_446 : vector<16xf32>
        %add3A_448 = arith.addf %add3A_412, %mul3A_447 : vector<16xf32>
        %get3A_449 = arith.index_cast %scan3A_175 : i32 to index
        %get3A_450 = arith.constant 480 : index
        %get3A_451 = tpu.vector_load %arg9[%get3A_449, %get3A_450] {strides = array<i32>} : memref<16x512xf32, #tpu.memory_space<vmem>>, vector<16xf32>,
        %get3A_452 = arith.index_cast %scan3A_175 : i32 to index
        %get3A_453 = arith.constant 480 : index
        %get3A_454 = tpu.vector_load %arg13[%get3A_452, %get3A_453] {strides = array<i32>} : memref<16x512xf32, #tpu.memory_space<vmem>>, vector<16xf32>,
        %sub3A_455 = arith.subf %get3A_451, %get3A_454 : vector<16xf32>
        %mul3A_456 = arith.mulf %sub3A_455, %sub3A_455 : vector<16xf32>
        %add3A_457 = arith.addf %add3A_421, %mul3A_456 : vector<16xf32>
        %get3A_458 = arith.index_cast %scan3A_175 : i32 to index
        %get3A_459 = arith.constant 496 : index
        %get3A_460 = tpu.vector_load %arg9[%get3A_458, %get3A_459] {strides = array<i32>} : memref<16x512xf32, #tpu.memory_space<vmem>>, vector<16xf32>,
        %get3A_461 = arith.index_cast %scan3A_175 : i32 to index
        %get3A_462 = arith.constant 496 : index
        %get3A_463 = tpu.vector_load %arg13[%get3A_461, %get3A_462] {strides = array<i32>} : memref<16x512xf32, #tpu.memory_space<vmem>>, vector<16xf32>,
        %sub3A_464 = arith.subf %get3A_460, %get3A_463 : vector<16xf32>
        %mul3A_465 = arith.mulf %sub3A_464, %sub3A_464 : vector<16xf32>
        %add3A_466 = arith.addf %add3A_430, %mul3A_465 : vector<16xf32>
        scf.yield %add3A_439, %add3A_448, %add3A_457, %add3A_466 : vector<16xf32>, vector<16xf32>, vector<16xf32>, vector<16xf32>
      }
      %scan3A_143 = arith.constant 16 : i32
      %mul3A_144 = arith.constant 4 : i32
      %mul3A_145 = arith.muli %mul3A_144, %scan3A_51 : i32
      %add3A_146 = arith.constant 3 : i32
      %add3A_147 = arith.addi %mul3A_145, %add3A_146 : i32
      %add3A_148 = arith.constant 4 : i32
      %add3A_149 = arith.addi %add3A_147, %add3A_148 : i32
      %sub3A_150 = arith.constant 1 : i32
      %sub3A_151 = arith.subi %add3A_149, %sub3A_150 : i32
      %lt3A_152 = arith.constant 32 : i32
      %lt3A_153 = arith.cmpi slt, %sub3A_151, %lt3A_152 : i32
      %convert_element_type3A_154 = arith.extui %lt3A_153 : i1 to i32
      %cond3A_155 = arith.constant 0 : i32
      %cond3A_156 = arith.cmpi ne, %convert_element_type3A_154, %cond3A_155 : i32
      scf.if %cond3A_156 {
        %add3A_175 = arith.constant 4 : i32
        %add3A_176 = arith.addi %add3A_147, %add3A_175 : i32
        %sub3A_177 = arith.constant 1 : i32
        %sub3A_178 = arith.subi %add3A_176, %sub3A_177 : i32
        %mul3A_179 = arith.constant 16 : i32
        %mul3A_180 = arith.muli %sub3A_178, %mul3A_179 : i32
        %add3A_181 = arith.addi %mul3A_2, %mul3A_180 : i32
        %dma_start3A_182 = arith.constant 0 : i32
        %dma_start3A_183 = tpu.memref_slice %arg2[%add3A_181, %dma_start3A_182] : memref<16384x512xf32, #tpu.memory_space<hbm>> -> memref<16x512xf32, #tpu.memory_space<hbm>>
        %dma_start3A_184 = arith.constant 0 : i32
        %dma_start3A_185 = tpu.memref_slice %arg2[%add3A_181, %dma_start3A_184] : memref<16384x512xf32, #tpu.memory_space<hbm>> -> memref<16x512xf32, #tpu.memory_space<hbm>>
        tpu.enqueue_dma source(%dma_start3A_185 : memref<16x512xf32, #tpu.memory_space<hbm>>) target(%arg9 : memref<16x512xf32, #tpu.memory_space<vmem>>) target_semaphore(%arg18 : memref<!tpu.dma_semaphore, #tpu.memory_space<semaphore_mem>>)
        %dma_start3A_186 = arith.constant 0 : i32
        %dma_start3A_187 = tpu.memref_slice %arg6[%sub3A_178, %dma_start3A_186] : memref<32x16xi32, #tpu.memory_space<vmem>> -> memref<1x16xi32, #tpu.memory_space<vmem>>
        %dma_start3A_188 = tpu.memref_squeeze %dma_start3A_187 : memref<1x16xi32, #tpu.memory_space<vmem>> -> memref<16xi32, #tpu.memory_space<vmem>>
        %dma_start3A_189 = arith.constant 0 : i32
        %dma_start3A_190 = arith.constant 0 : i32
        %dma_start3A_191 = tpu.memref_slice %arg4[%dma_start3A_189, %dma_start3A_190] : memref<10000x512xf32, #tpu.memory_space<hbm>> -> memref<10000x512xf32, #tpu.memory_space<hbm>>
        tpu.enqueue_indirect_dma source(%dma_start3A_191 : memref<10000x512xf32, #tpu.memory_space<hbm>>) target(%arg13 : memref<16x512xf32, #tpu.memory_space<vmem>>) offsets(%dma_start3A_188 : memref<16xi32, #tpu.memory_space<vmem>>) semaphore(%arg22 : memref<!tpu.dma_semaphore, #tpu.memory_space<semaphore_mem>>)
      } else {
      }
      %dma_wait3A_157 = arith.constant 0 : i32
      %dma_wait3A_158 = arith.constant 0 : i32
      %dma_wait3A_159 = tpu.memref_slice %arg2[%dma_wait3A_157, %dma_wait3A_158] : memref<16384x512xf32, #tpu.memory_space<hbm>> -> memref<16x512xf32, #tpu.memory_space<hbm>>
      %dma_wait3A_160 = arith.constant 0 : i32
      %dma_wait3A_161 = arith.constant 0 : i32
      %dma_wait3A_162 = tpu.memref_slice %arg2[%dma_wait3A_160, %dma_wait3A_161] : memref<16384x512xf32, #tpu.memory_space<hbm>> -> memref<16x512xf32, #tpu.memory_space<hbm>>
      tpu.wait_dma2 semaphore(%arg19 : memref<!tpu.dma_semaphore, #tpu.memory_space<semaphore_mem>>) src(%dma_wait3A_162 : memref<16x512xf32, #tpu.memory_space<hbm>>) dst(%arg10 : memref<16x512xf32, #tpu.memory_space<vmem>>)
      %dma_wait3A_163 = arith.constant 0 : i32
      %dma_wait3A_164 = arith.constant 0 : i32
      %dma_wait3A_165 = tpu.memref_slice %arg2[%dma_wait3A_163, %dma_wait3A_164] : memref<16384x512xf32, #tpu.memory_space<hbm>> -> memref<16x512xf32, #tpu.memory_space<hbm>>
      %dma_wait3A_166 = arith.constant 0 : i32
      %dma_wait3A_167 = arith.constant 0 : i32
      %dma_wait3A_168 = tpu.memref_slice %arg2[%dma_wait3A_166, %dma_wait3A_167] : memref<16384x512xf32, #tpu.memory_space<hbm>> -> memref<16x512xf32, #tpu.memory_space<hbm>>
      tpu.wait_dma2 semaphore(%arg23 : memref<!tpu.dma_semaphore, #tpu.memory_space<semaphore_mem>>) src(%dma_wait3A_168 : memref<16x512xf32, #tpu.memory_space<hbm>>) dst(%arg14 : memref<16x512xf32, #tpu.memory_space<vmem>>)
      %scan3A_169 = arith.constant 0 : i32
      %scan3A_170 = arith.constant 16 : i32
      %scan3A_171 = arith.addi %scan3A_169, %scan3A_170 : i32
      %scan3A_172 = arith.constant 1 : i32
      %scan3A_173:4 = scf.for %scan3A_175 = %scan3A_169 to %scan3A_171 step %scan3A_172 iter_args(%scan3A_176 = %scan3A_142#0, %scan3A_177 = %scan3A_142#1, %scan3A_178 = %scan3A_142#2, %scan3A_179 = %scan3A_142#3) -> (vector<16xf32>, vector<16xf32>, vector<16xf32>, vector<16xf32>)  : i32 {
        %get3A = arith.index_cast %scan3A_175 : i32 to index
        %get3A_180 = arith.constant 0 : index
        %get3A_181 = tpu.vector_load %arg10[%get3A, %get3A_180] {strides = array<i32>} : memref<16x512xf32, #tpu.memory_space<vmem>>, vector<16xf32>,
        %get3A_182 = arith.index_cast %scan3A_175 : i32 to index
        %get3A_183 = arith.constant 0 : index
        %get3A_184 = tpu.vector_load %arg14[%get3A_182, %get3A_183] {strides = array<i32>} : memref<16x512xf32, #tpu.memory_space<vmem>>, vector<16xf32>,
        %sub3A_185 = arith.subf %get3A_181, %get3A_184 : vector<16xf32>
        %mul3A_186 = arith.mulf %sub3A_185, %sub3A_185 : vector<16xf32>
        %add3A_187 = arith.addf %scan3A_176, %mul3A_186 : vector<16xf32>
        %get3A_188 = arith.index_cast %scan3A_175 : i32 to index
        %get3A_189 = arith.constant 16 : index
        %get3A_190 = tpu.vector_load %arg10[%get3A_188, %get3A_189] {strides = array<i32>} : memref<16x512xf32, #tpu.memory_space<vmem>>, vector<16xf32>,
        %get3A_191 = arith.index_cast %scan3A_175 : i32 to index
        %get3A_192 = arith.constant 16 : index
        %get3A_193 = tpu.vector_load %arg14[%get3A_191, %get3A_192] {strides = array<i32>} : memref<16x512xf32, #tpu.memory_space<vmem>>, vector<16xf32>,
        %sub3A_194 = arith.subf %get3A_190, %get3A_193 : vector<16xf32>
        %mul3A_195 = arith.mulf %sub3A_194, %sub3A_194 : vector<16xf32>
        %add3A_196 = arith.addf %scan3A_177, %mul3A_195 : vector<16xf32>
        %get3A_197 = arith.index_cast %scan3A_175 : i32 to index
        %get3A_198 = arith.constant 32 : index
        %get3A_199 = tpu.vector_load %arg10[%get3A_197, %get3A_198] {strides = array<i32>} : memref<16x512xf32, #tpu.memory_space<vmem>>, vector<16xf32>,
        %get3A_200 = arith.index_cast %scan3A_175 : i32 to index
        %get3A_201 = arith.constant 32 : index
        %get3A_202 = tpu.vector_load %arg14[%get3A_200, %get3A_201] {strides = array<i32>} : memref<16x512xf32, #tpu.memory_space<vmem>>, vector<16xf32>,
        %sub3A_203 = arith.subf %get3A_199, %get3A_202 : vector<16xf32>
        %mul3A_204 = arith.mulf %sub3A_203, %sub3A_203 : vector<16xf32>
        %add3A_205 = arith.addf %scan3A_178, %mul3A_204 : vector<16xf32>
        %get3A_206 = arith.index_cast %scan3A_175 : i32 to index
        %get3A_207 = arith.constant 48 : index
        %get3A_208 = tpu.vector_load %arg10[%get3A_206, %get3A_207] {strides = array<i32>} : memref<16x512xf32, #tpu.memory_space<vmem>>, vector<16xf32>,
        %get3A_209 = arith.index_cast %scan3A_175 : i32 to index
        %get3A_210 = arith.constant 48 : index
        %get3A_211 = tpu.vector_load %arg14[%get3A_209, %get3A_210] {strides = array<i32>} : memref<16x512xf32, #tpu.memory_space<vmem>>, vector<16xf32>,
        %sub3A_212 = arith.subf %get3A_208, %get3A_211 : vector<16xf32>
        %mul3A_213 = arith.mulf %sub3A_212, %sub3A_212 : vector<16xf32>
        %add3A_214 = arith.addf %scan3A_179, %mul3A_213 : vector<16xf32>
        %get3A_215 = arith.index_cast %scan3A_175 : i32 to index
        %get3A_216 = arith.constant 64 : index
        %get3A_217 = tpu.vector_load %arg10[%get3A_215, %get3A_216] {strides = array<i32>} : memref<16x512xf32, #tpu.memory_space<vmem>>, vector<16xf32>,
        %get3A_218 = arith.index_cast %scan3A_175 : i32 to index
        %get3A_219 = arith.constant 64 : index
        %get3A_220 = tpu.vector_load %arg14[%get3A_218, %get3A_219] {strides = array<i32>} : memref<16x512xf32, #tpu.memory_space<vmem>>, vector<16xf32>,
        %sub3A_221 = arith.subf %get3A_217, %get3A_220 : vector<16xf32>
        %mul3A_222 = arith.mulf %sub3A_221, %sub3A_221 : vector<16xf32>
        %add3A_223 = arith.addf %add3A_187, %mul3A_222 : vector<16xf32>
        %get3A_224 = arith.index_cast %scan3A_175 : i32 to index
        %get3A_225 = arith.constant 80 : index
        %get3A_226 = tpu.vector_load %arg10[%get3A_224, %get3A_225] {strides = array<i32>} : memref<16x512xf32, #tpu.memory_space<vmem>>, vector<16xf32>,
        %get3A_227 = arith.index_cast %scan3A_175 : i32 to index
        %get3A_228 = arith.constant 80 : index
        %get3A_229 = tpu.vector_load %arg14[%get3A_227, %get3A_228] {strides = array<i32>} : memref<16x512xf32, #tpu.memory_space<vmem>>, vector<16xf32>,
        %sub3A_230 = arith.subf %get3A_226, %get3A_229 : vector<16xf32>
        %mul3A_231 = arith.mulf %sub3A_230, %sub3A_230 : vector<16xf32>
        %add3A_232 = arith.addf %add3A_196, %mul3A_231 : vector<16xf32>
        %get3A_233 = arith.index_cast %scan3A_175 : i32 to index
        %get3A_234 = arith.constant 96 : index
        %get3A_235 = tpu.vector_load %arg10[%get3A_233, %get3A_234] {strides = array<i32>} : memref<16x512xf32, #tpu.memory_space<vmem>>, vector<16xf32>,
        %get3A_236 = arith.index_cast %scan3A_175 : i32 to index
        %get3A_237 = arith.constant 96 : index
        %get3A_238 = tpu.vector_load %arg14[%get3A_236, %get3A_237] {strides = array<i32>} : memref<16x512xf32, #tpu.memory_space<vmem>>, vector<16xf32>,
        %sub3A_239 = arith.subf %get3A_235, %get3A_238 : vector<16xf32>
        %mul3A_240 = arith.mulf %sub3A_239, %sub3A_239 : vector<16xf32>
        %add3A_241 = arith.addf %add3A_205, %mul3A_240 : vector<16xf32>
        %get3A_242 = arith.index_cast %scan3A_175 : i32 to index
        %get3A_243 = arith.constant 112 : index
        %get3A_244 = tpu.vector_load %arg10[%get3A_242, %get3A_243] {strides = array<i32>} : memref<16x512xf32, #tpu.memory_space<vmem>>, vector<16xf32>,
        %get3A_245 = arith.index_cast %scan3A_175 : i32 to index
        %get3A_246 = arith.constant 112 : index
        %get3A_247 = tpu.vector_load %arg14[%get3A_245, %get3A_246] {strides = array<i32>} : memref<16x512xf32, #tpu.memory_space<vmem>>, vector<16xf32>,
        %sub3A_248 = arith.subf %get3A_244, %get3A_247 : vector<16xf32>
        %mul3A_249 = arith.mulf %sub3A_248, %sub3A_248 : vector<16xf32>
        %add3A_250 = arith.addf %add3A_214, %mul3A_249 : vector<16xf32>
        %get3A_251 = arith.index_cast %scan3A_175 : i32 to index
        %get3A_252 = arith.constant 128 : index
        %get3A_253 = tpu.vector_load %arg10[%get3A_251, %get3A_252] {strides = array<i32>} : memref<16x512xf32, #tpu.memory_space<vmem>>, vector<16xf32>,
        %get3A_254 = arith.index_cast %scan3A_175 : i32 to index
        %get3A_255 = arith.constant 128 : index
        %get3A_256 = tpu.vector_load %arg14[%get3A_254, %get3A_255] {strides = array<i32>} : memref<16x512xf32, #tpu.memory_space<vmem>>, vector<16xf32>,
        %sub3A_257 = arith.subf %get3A_253, %get3A_256 : vector<16xf32>
        %mul3A_258 = arith.mulf %sub3A_257, %sub3A_257 : vector<16xf32>
        %add3A_259 = arith.addf %add3A_223, %mul3A_258 : vector<16xf32>
        %get3A_260 = arith.index_cast %scan3A_175 : i32 to index
        %get3A_261 = arith.constant 144 : index
        %get3A_262 = tpu.vector_load %arg10[%get3A_260, %get3A_261] {strides = array<i32>} : memref<16x512xf32, #tpu.memory_space<vmem>>, vector<16xf32>,
        %get3A_263 = arith.index_cast %scan3A_175 : i32 to index
        %get3A_264 = arith.constant 144 : index
        %get3A_265 = tpu.vector_load %arg14[%get3A_263, %get3A_264] {strides = array<i32>} : memref<16x512xf32, #tpu.memory_space<vmem>>, vector<16xf32>,
        %sub3A_266 = arith.subf %get3A_262, %get3A_265 : vector<16xf32>
        %mul3A_267 = arith.mulf %sub3A_266, %sub3A_266 : vector<16xf32>
        %add3A_268 = arith.addf %add3A_232, %mul3A_267 : vector<16xf32>
        %get3A_269 = arith.index_cast %scan3A_175 : i32 to index
        %get3A_270 = arith.constant 160 : index
        %get3A_271 = tpu.vector_load %arg10[%get3A_269, %get3A_270] {strides = array<i32>} : memref<16x512xf32, #tpu.memory_space<vmem>>, vector<16xf32>,
        %get3A_272 = arith.index_cast %scan3A_175 : i32 to index
        %get3A_273 = arith.constant 160 : index
        %get3A_274 = tpu.vector_load %arg14[%get3A_272, %get3A_273] {strides = array<i32>} : memref<16x512xf32, #tpu.memory_space<vmem>>, vector<16xf32>,
        %sub3A_275 = arith.subf %get3A_271, %get3A_274 : vector<16xf32>
        %mul3A_276 = arith.mulf %sub3A_275, %sub3A_275 : vector<16xf32>
        %add3A_277 = arith.addf %add3A_241, %mul3A_276 : vector<16xf32>
        %get3A_278 = arith.index_cast %scan3A_175 : i32 to index
        %get3A_279 = arith.constant 176 : index
        %get3A_280 = tpu.vector_load %arg10[%get3A_278, %get3A_279] {strides = array<i32>} : memref<16x512xf32, #tpu.memory_space<vmem>>, vector<16xf32>,
        %get3A_281 = arith.index_cast %scan3A_175 : i32 to index
        %get3A_282 = arith.constant 176 : index
        %get3A_283 = tpu.vector_load %arg14[%get3A_281, %get3A_282] {strides = array<i32>} : memref<16x512xf32, #tpu.memory_space<vmem>>, vector<16xf32>,
        %sub3A_284 = arith.subf %get3A_280, %get3A_283 : vector<16xf32>
        %mul3A_285 = arith.mulf %sub3A_284, %sub3A_284 : vector<16xf32>
        %add3A_286 = arith.addf %add3A_250, %mul3A_285 : vector<16xf32>
        %get3A_287 = arith.index_cast %scan3A_175 : i32 to index
        %get3A_288 = arith.constant 192 : index
        %get3A_289 = tpu.vector_load %arg10[%get3A_287, %get3A_288] {strides = array<i32>} : memref<16x512xf32, #tpu.memory_space<vmem>>, vector<16xf32>,
        %get3A_290 = arith.index_cast %scan3A_175 : i32 to index
        %get3A_291 = arith.constant 192 : index
        %get3A_292 = tpu.vector_load %arg14[%get3A_290, %get3A_291] {strides = array<i32>} : memref<16x512xf32, #tpu.memory_space<vmem>>, vector<16xf32>,
        %sub3A_293 = arith.subf %get3A_289, %get3A_292 : vector<16xf32>
        %mul3A_294 = arith.mulf %sub3A_293, %sub3A_293 : vector<16xf32>
        %add3A_295 = arith.addf %add3A_259, %mul3A_294 : vector<16xf32>
        %get3A_296 = arith.index_cast %scan3A_175 : i32 to index
        %get3A_297 = arith.constant 208 : index
        %get3A_298 = tpu.vector_load %arg10[%get3A_296, %get3A_297] {strides = array<i32>} : memref<16x512xf32, #tpu.memory_space<vmem>>, vector<16xf32>,
        %get3A_299 = arith.index_cast %scan3A_175 : i32 to index
        %get3A_300 = arith.constant 208 : index
        %get3A_301 = tpu.vector_load %arg14[%get3A_299, %get3A_300] {strides = array<i32>} : memref<16x512xf32, #tpu.memory_space<vmem>>, vector<16xf32>,
        %sub3A_302 = arith.subf %get3A_298, %get3A_301 : vector<16xf32>
        %mul3A_303 = arith.mulf %sub3A_302, %sub3A_302 : vector<16xf32>
        %add3A_304 = arith.addf %add3A_268, %mul3A_303 : vector<16xf32>
        %get3A_305 = arith.index_cast %scan3A_175 : i32 to index
        %get3A_306 = arith.constant 224 : index
        %get3A_307 = tpu.vector_load %arg10[%get3A_305, %get3A_306] {strides = array<i32>} : memref<16x512xf32, #tpu.memory_space<vmem>>, vector<16xf32>,
        %get3A_308 = arith.index_cast %scan3A_175 : i32 to index
        %get3A_309 = arith.constant 224 : index
        %get3A_310 = tpu.vector_load %arg14[%get3A_308, %get3A_309] {strides = array<i32>} : memref<16x512xf32, #tpu.memory_space<vmem>>, vector<16xf32>,
        %sub3A_311 = arith.subf %get3A_307, %get3A_310 : vector<16xf32>
        %mul3A_312 = arith.mulf %sub3A_311, %sub3A_311 : vector<16xf32>
        %add3A_313 = arith.addf %add3A_277, %mul3A_312 : vector<16xf32>
        %get3A_314 = arith.index_cast %scan3A_175 : i32 to index
        %get3A_315 = arith.constant 240 : index
        %get3A_316 = tpu.vector_load %arg10[%get3A_314, %get3A_315] {strides = array<i32>} : memref<16x512xf32, #tpu.memory_space<vmem>>, vector<16xf32>,
        %get3A_317 = arith.index_cast %scan3A_175 : i32 to index
        %get3A_318 = arith.constant 240 : index
        %get3A_319 = tpu.vector_load %arg14[%get3A_317, %get3A_318] {strides = array<i32>} : memref<16x512xf32, #tpu.memory_space<vmem>>, vector<16xf32>,
        %sub3A_320 = arith.subf %get3A_316, %get3A_319 : vector<16xf32>
        %mul3A_321 = arith.mulf %sub3A_320, %sub3A_320 : vector<16xf32>
        %add3A_322 = arith.addf %add3A_286, %mul3A_321 : vector<16xf32>
        %get3A_323 = arith.index_cast %scan3A_175 : i32 to index
        %get3A_324 = arith.constant 256 : index
        %get3A_325 = tpu.vector_load %arg10[%get3A_323, %get3A_324] {strides = array<i32>} : memref<16x512xf32, #tpu.memory_space<vmem>>, vector<16xf32>,
        %get3A_326 = arith.index_cast %scan3A_175 : i32 to index
        %get3A_327 = arith.constant 256 : index
        %get3A_328 = tpu.vector_load %arg14[%get3A_326, %get3A_327] {strides = array<i32>} : memref<16x512xf32, #tpu.memory_space<vmem>>, vector<16xf32>,
        %sub3A_329 = arith.subf %get3A_325, %get3A_328 : vector<16xf32>
        %mul3A_330 = arith.mulf %sub3A_329, %sub3A_329 : vector<16xf32>
        %add3A_331 = arith.addf %add3A_295, %mul3A_330 : vector<16xf32>
        %get3A_332 = arith.index_cast %scan3A_175 : i32 to index
        %get3A_333 = arith.constant 272 : index
        %get3A_334 = tpu.vector_load %arg10[%get3A_332, %get3A_333] {strides = array<i32>} : memref<16x512xf32, #tpu.memory_space<vmem>>, vector<16xf32>,
        %get3A_335 = arith.index_cast %scan3A_175 : i32 to index
        %get3A_336 = arith.constant 272 : index
        %get3A_337 = tpu.vector_load %arg14[%get3A_335, %get3A_336] {strides = array<i32>} : memref<16x512xf32, #tpu.memory_space<vmem>>, vector<16xf32>,
        %sub3A_338 = arith.subf %get3A_334, %get3A_337 : vector<16xf32>
        %mul3A_339 = arith.mulf %sub3A_338, %sub3A_338 : vector<16xf32>
        %add3A_340 = arith.addf %add3A_304, %mul3A_339 : vector<16xf32>
        %get3A_341 = arith.index_cast %scan3A_175 : i32 to index
        %get3A_342 = arith.constant 288 : index
        %get3A_343 = tpu.vector_load %arg10[%get3A_341, %get3A_342] {strides = array<i32>} : memref<16x512xf32, #tpu.memory_space<vmem>>, vector<16xf32>,
        %get3A_344 = arith.index_cast %scan3A_175 : i32 to index
        %get3A_345 = arith.constant 288 : index
        %get3A_346 = tpu.vector_load %arg14[%get3A_344, %get3A_345] {strides = array<i32>} : memref<16x512xf32, #tpu.memory_space<vmem>>, vector<16xf32>,
        %sub3A_347 = arith.subf %get3A_343, %get3A_346 : vector<16xf32>
        %mul3A_348 = arith.mulf %sub3A_347, %sub3A_347 : vector<16xf32>
        %add3A_349 = arith.addf %add3A_313, %mul3A_348 : vector<16xf32>
        %get3A_350 = arith.index_cast %scan3A_175 : i32 to index
        %get3A_351 = arith.constant 304 : index
        %get3A_352 = tpu.vector_load %arg10[%get3A_350, %get3A_351] {strides = array<i32>} : memref<16x512xf32, #tpu.memory_space<vmem>>, vector<16xf32>,
        %get3A_353 = arith.index_cast %scan3A_175 : i32 to index
        %get3A_354 = arith.constant 304 : index
        %get3A_355 = tpu.vector_load %arg14[%get3A_353, %get3A_354] {strides = array<i32>} : memref<16x512xf32, #tpu.memory_space<vmem>>, vector<16xf32>,
        %sub3A_356 = arith.subf %get3A_352, %get3A_355 : vector<16xf32>
        %mul3A_357 = arith.mulf %sub3A_356, %sub3A_356 : vector<16xf32>
        %add3A_358 = arith.addf %add3A_322, %mul3A_357 : vector<16xf32>
        %get3A_359 = arith.index_cast %scan3A_175 : i32 to index
        %get3A_360 = arith.constant 320 : index
        %get3A_361 = tpu.vector_load %arg10[%get3A_359, %get3A_360] {strides = array<i32>} : memref<16x512xf32, #tpu.memory_space<vmem>>, vector<16xf32>,
        %get3A_362 = arith.index_cast %scan3A_175 : i32 to index
        %get3A_363 = arith.constant 320 : index
        %get3A_364 = tpu.vector_load %arg14[%get3A_362, %get3A_363] {strides = array<i32>} : memref<16x512xf32, #tpu.memory_space<vmem>>, vector<16xf32>,
        %sub3A_365 = arith.subf %get3A_361, %get3A_364 : vector<16xf32>
        %mul3A_366 = arith.mulf %sub3A_365, %sub3A_365 : vector<16xf32>
        %add3A_367 = arith.addf %add3A_331, %mul3A_366 : vector<16xf32>
        %get3A_368 = arith.index_cast %scan3A_175 : i32 to index
        %get3A_369 = arith.constant 336 : index
        %get3A_370 = tpu.vector_load %arg10[%get3A_368, %get3A_369] {strides = array<i32>} : memref<16x512xf32, #tpu.memory_space<vmem>>, vector<16xf32>,
        %get3A_371 = arith.index_cast %scan3A_175 : i32 to index
        %get3A_372 = arith.constant 336 : index
        %get3A_373 = tpu.vector_load %arg14[%get3A_371, %get3A_372] {strides = array<i32>} : memref<16x512xf32, #tpu.memory_space<vmem>>, vector<16xf32>,
        %sub3A_374 = arith.subf %get3A_370, %get3A_373 : vector<16xf32>
        %mul3A_375 = arith.mulf %sub3A_374, %sub3A_374 : vector<16xf32>
        %add3A_376 = arith.addf %add3A_340, %mul3A_375 : vector<16xf32>
        %get3A_377 = arith.index_cast %scan3A_175 : i32 to index
        %get3A_378 = arith.constant 352 : index
        %get3A_379 = tpu.vector_load %arg10[%get3A_377, %get3A_378] {strides = array<i32>} : memref<16x512xf32, #tpu.memory_space<vmem>>, vector<16xf32>,
        %get3A_380 = arith.index_cast %scan3A_175 : i32 to index
        %get3A_381 = arith.constant 352 : index
        %get3A_382 = tpu.vector_load %arg14[%get3A_380, %get3A_381] {strides = array<i32>} : memref<16x512xf32, #tpu.memory_space<vmem>>, vector<16xf32>,
        %sub3A_383 = arith.subf %get3A_379, %get3A_382 : vector<16xf32>
        %mul3A_384 = arith.mulf %sub3A_383, %sub3A_383 : vector<16xf32>
        %add3A_385 = arith.addf %add3A_349, %mul3A_384 : vector<16xf32>
        %get3A_386 = arith.index_cast %scan3A_175 : i32 to index
        %get3A_387 = arith.constant 368 : index
        %get3A_388 = tpu.vector_load %arg10[%get3A_386, %get3A_387] {strides = array<i32>} : memref<16x512xf32, #tpu.memory_space<vmem>>, vector<16xf32>,
        %get3A_389 = arith.index_cast %scan3A_175 : i32 to index
        %get3A_390 = arith.constant 368 : index
        %get3A_391 = tpu.vector_load %arg14[%get3A_389, %get3A_390] {strides = array<i32>} : memref<16x512xf32, #tpu.memory_space<vmem>>, vector<16xf32>,
        %sub3A_392 = arith.subf %get3A_388, %get3A_391 : vector<16xf32>
        %mul3A_393 = arith.mulf %sub3A_392, %sub3A_392 : vector<16xf32>
        %add3A_394 = arith.addf %add3A_358, %mul3A_393 : vector<16xf32>
        %get3A_395 = arith.index_cast %scan3A_175 : i32 to index
        %get3A_396 = arith.constant 384 : index
        %get3A_397 = tpu.vector_load %arg10[%get3A_395, %get3A_396] {strides = array<i32>} : memref<16x512xf32, #tpu.memory_space<vmem>>, vector<16xf32>,
        %get3A_398 = arith.index_cast %scan3A_175 : i32 to index
        %get3A_399 = arith.constant 384 : index
        %get3A_400 = tpu.vector_load %arg14[%get3A_398, %get3A_399] {strides = array<i32>} : memref<16x512xf32, #tpu.memory_space<vmem>>, vector<16xf32>,
        %sub3A_401 = arith.subf %get3A_397, %get3A_400 : vector<16xf32>
        %mul3A_402 = arith.mulf %sub3A_401, %sub3A_401 : vector<16xf32>
        %add3A_403 = arith.addf %add3A_367, %mul3A_402 : vector<16xf32>
        %get3A_404 = arith.index_cast %scan3A_175 : i32 to index
        %get3A_405 = arith.constant 400 : index
        %get3A_406 = tpu.vector_load %arg10[%get3A_404, %get3A_405] {strides = array<i32>} : memref<16x512xf32, #tpu.memory_space<vmem>>, vector<16xf32>,
        %get3A_407 = arith.index_cast %scan3A_175 : i32 to index
        %get3A_408 = arith.constant 400 : index
        %get3A_409 = tpu.vector_load %arg14[%get3A_407, %get3A_408] {strides = array<i32>} : memref<16x512xf32, #tpu.memory_space<vmem>>, vector<16xf32>,
        %sub3A_410 = arith.subf %get3A_406, %get3A_409 : vector<16xf32>
        %mul3A_411 = arith.mulf %sub3A_410, %sub3A_410 : vector<16xf32>
        %add3A_412 = arith.addf %add3A_376, %mul3A_411 : vector<16xf32>
        %get3A_413 = arith.index_cast %scan3A_175 : i32 to index
        %get3A_414 = arith.constant 416 : index
        %get3A_415 = tpu.vector_load %arg10[%get3A_413, %get3A_414] {strides = array<i32>} : memref<16x512xf32, #tpu.memory_space<vmem>>, vector<16xf32>,
        %get3A_416 = arith.index_cast %scan3A_175 : i32 to index
        %get3A_417 = arith.constant 416 : index
        %get3A_418 = tpu.vector_load %arg14[%get3A_416, %get3A_417] {strides = array<i32>} : memref<16x512xf32, #tpu.memory_space<vmem>>, vector<16xf32>,
        %sub3A_419 = arith.subf %get3A_415, %get3A_418 : vector<16xf32>
        %mul3A_420 = arith.mulf %sub3A_419, %sub3A_419 : vector<16xf32>
        %add3A_421 = arith.addf %add3A_385, %mul3A_420 : vector<16xf32>
        %get3A_422 = arith.index_cast %scan3A_175 : i32 to index
        %get3A_423 = arith.constant 432 : index
        %get3A_424 = tpu.vector_load %arg10[%get3A_422, %get3A_423] {strides = array<i32>} : memref<16x512xf32, #tpu.memory_space<vmem>>, vector<16xf32>,
        %get3A_425 = arith.index_cast %scan3A_175 : i32 to index
        %get3A_426 = arith.constant 432 : index
        %get3A_427 = tpu.vector_load %arg14[%get3A_425, %get3A_426] {strides = array<i32>} : memref<16x512xf32, #tpu.memory_space<vmem>>, vector<16xf32>,
        %sub3A_428 = arith.subf %get3A_424, %get3A_427 : vector<16xf32>
        %mul3A_429 = arith.mulf %sub3A_428, %sub3A_428 : vector<16xf32>
        %add3A_430 = arith.addf %add3A_394, %mul3A_429 : vector<16xf32>
        %get3A_431 = arith.index_cast %scan3A_175 : i32 to index
        %get3A_432 = arith.constant 448 : index
        %get3A_433 = tpu.vector_load %arg10[%get3A_431, %get3A_432] {strides = array<i32>} : memref<16x512xf32, #tpu.memory_space<vmem>>, vector<16xf32>,
        %get3A_434 = arith.index_cast %scan3A_175 : i32 to index
        %get3A_435 = arith.constant 448 : index
        %get3A_436 = tpu.vector_load %arg14[%get3A_434, %get3A_435] {strides = array<i32>} : memref<16x512xf32, #tpu.memory_space<vmem>>, vector<16xf32>,
        %sub3A_437 = arith.subf %get3A_433, %get3A_436 : vector<16xf32>
        %mul3A_438 = arith.mulf %sub3A_437, %sub3A_437 : vector<16xf32>
        %add3A_439 = arith.addf %add3A_403, %mul3A_438 : vector<16xf32>
        %get3A_440 = arith.index_cast %scan3A_175 : i32 to index
        %get3A_441 = arith.constant 464 : index
        %get3A_442 = tpu.vector_load %arg10[%get3A_440, %get3A_441] {strides = array<i32>} : memref<16x512xf32, #tpu.memory_space<vmem>>, vector<16xf32>,
        %get3A_443 = arith.index_cast %scan3A_175 : i32 to index
        %get3A_444 = arith.constant 464 : index
        %get3A_445 = tpu.vector_load %arg14[%get3A_443, %get3A_444] {strides = array<i32>} : memref<16x512xf32, #tpu.memory_space<vmem>>, vector<16xf32>,
        %sub3A_446 = arith.subf %get3A_442, %get3A_445 : vector<16xf32>
        %mul3A_447 = arith.mulf %sub3A_446, %sub3A_446 : vector<16xf32>
        %add3A_448 = arith.addf %add3A_412, %mul3A_447 : vector<16xf32>
        %get3A_449 = arith.index_cast %scan3A_175 : i32 to index
        %get3A_450 = arith.constant 480 : index
        %get3A_451 = tpu.vector_load %arg10[%get3A_449, %get3A_450] {strides = array<i32>} : memref<16x512xf32, #tpu.memory_space<vmem>>, vector<16xf32>,
        %get3A_452 = arith.index_cast %scan3A_175 : i32 to index
        %get3A_453 = arith.constant 480 : index
        %get3A_454 = tpu.vector_load %arg14[%get3A_452, %get3A_453] {strides = array<i32>} : memref<16x512xf32, #tpu.memory_space<vmem>>, vector<16xf32>,
        %sub3A_455 = arith.subf %get3A_451, %get3A_454 : vector<16xf32>
        %mul3A_456 = arith.mulf %sub3A_455, %sub3A_455 : vector<16xf32>
        %add3A_457 = arith.addf %add3A_421, %mul3A_456 : vector<16xf32>
        %get3A_458 = arith.index_cast %scan3A_175 : i32 to index
        %get3A_459 = arith.constant 496 : index
        %get3A_460 = tpu.vector_load %arg10[%get3A_458, %get3A_459] {strides = array<i32>} : memref<16x512xf32, #tpu.memory_space<vmem>>, vector<16xf32>,
        %get3A_461 = arith.index_cast %scan3A_175 : i32 to index
        %get3A_462 = arith.constant 496 : index
        %get3A_463 = tpu.vector_load %arg14[%get3A_461, %get3A_462] {strides = array<i32>} : memref<16x512xf32, #tpu.memory_space<vmem>>, vector<16xf32>,
        %sub3A_464 = arith.subf %get3A_460, %get3A_463 : vector<16xf32>
        %mul3A_465 = arith.mulf %sub3A_464, %sub3A_464 : vector<16xf32>
        %add3A_466 = arith.addf %add3A_430, %mul3A_465 : vector<16xf32>
        scf.yield %add3A_439, %add3A_448, %add3A_457, %add3A_466 : vector<16xf32>, vector<16xf32>, vector<16xf32>, vector<16xf32>
      }
      %scan3A_174 = arith.constant 16 : i32
      scf.yield %scan3A_173#0, %scan3A_173#1, %scan3A_173#2, %scan3A_173#3 : vector<16xf32>, vector<16xf32>, vector<16xf32>, vector<16xf32>
    }
    %scan3A_46 = arith.constant 8 : i32
    %add3A_47 = arith.addf %scan3A_45#0, %scan3A_45#1 : vector<16xf32>
    %add3A_48 = arith.addf %scan3A_45#2, %scan3A_45#3 : vector<16xf32>
    %add3A_49 = arith.addf %add3A_47, %add3A_48 : vector<16xf32>
    %swap3A = arith.constant 0 : index
    %swap3A_50 = tpu.vector_load %arg15[%swap3A] {strides = array<i32>} : memref<16xf32, #tpu.memory_space<vmem>>, vector<16xf32>,
    tpu.vector_store %arg15[%swap3A], %add3A_49 {strides = array<i32>} : memref<16xf32, #tpu.memory_space<vmem>>, vector<16xf32>,
    "tpu.region"() ({
      %run_scoped3A = tpu.sem_alloc : memref<!tpu.dma_semaphore, #tpu.memory_space<semaphore_mem>>
      %dma_start3A_51 = arith.constant 0 : i32
      %dma_start3A_52 = tpu.memref_slice %arg5[%add3A, %dma_start3A_51] : memref<32x16xf32, #tpu.memory_space<hbm>> -> memref<1x16xf32, #tpu.memory_space<hbm>>
      %dma_start3A_53 = tpu.memref_squeeze %dma_start3A_52 : memref<1x16xf32, #tpu.memory_space<hbm>> -> memref<16xf32, #tpu.memory_space<hbm>>
      %dma_start3A_54 = arith.constant 0 : i32
      %dma_start3A_55 = tpu.memref_slice %arg5[%add3A, %dma_start3A_54] : memref<32x16xf32, #tpu.memory_space<hbm>> -> memref<1x16xf32, #tpu.memory_space<hbm>>
      %dma_start3A_56 = tpu.memref_squeeze %dma_start3A_55 : memref<1x16xf32, #tpu.memory_space<hbm>> -> memref<16xf32, #tpu.memory_space<hbm>>
      tpu.enqueue_dma source(%arg15 : memref<16xf32, #tpu.memory_space<vmem>>) target(%dma_start3A_56 : memref<16xf32, #tpu.memory_space<hbm>>) target_semaphore(%run_scoped3A : memref<!tpu.dma_semaphore, #tpu.memory_space<semaphore_mem>>)
      %dma_wait3A = arith.constant 0 : i32
      %dma_wait3A_57 = tpu.memref_slice %arg5[%add3A, %dma_wait3A] : memref<32x16xf32, #tpu.memory_space<hbm>> -> memref<1x16xf32, #tpu.memory_space<hbm>>
      %dma_wait3A_58 = tpu.memref_squeeze %dma_wait3A_57 : memref<1x16xf32, #tpu.memory_space<hbm>> -> memref<16xf32, #tpu.memory_space<hbm>>
      %dma_wait3A_59 = arith.constant 0 : i32
      %dma_wait3A_60 = tpu.memref_slice %arg5[%add3A, %dma_wait3A_59] : memref<32x16xf32, #tpu.memory_space<hbm>> -> memref<1x16xf32, #tpu.memory_space<hbm>>
      %dma_wait3A_61 = tpu.memref_squeeze %dma_wait3A_60 : memref<1x16xf32, #tpu.memory_space<hbm>> -> memref<16xf32, #tpu.memory_space<hbm>>
      tpu.wait_dma2 semaphore(%run_scoped3A : memref<!tpu.dma_semaphore, #tpu.memory_space<semaphore_mem>>) src(%arg15 : memref<16xf32, #tpu.memory_space<vmem>>) dst(%dma_wait3A_61 : memref<16xf32, #tpu.memory_space<hbm>>)
      tpu.yield
    }) : () -> ()
    return
  }
}

module attributes {stable_mosaic.version = 14 : i64} {
  func.func @_finish_body(%arg0: memref<32x16xf32, #tpu.memory_space<vmem>>, %arg1: memref<1x1xf32, #tpu.memory_space<vmem>>) attributes {dimension_semantics = [], scalar_prefetch = 0 : i64, scratch_operands = 0 : i64, tpu.core_type = #tpu.core_type<tc>} {
    %get3A = arith.constant 0 : index
    %get3A_0 = arith.constant 0 : index
    %get3A_1 = vector.load %arg0[%get3A, %get3A_0] : memref<32x16xf32, #tpu.memory_space<vmem>>, vector<32x16xf32>
    %reduce_sum3A = vector.shape_cast %get3A_1 : vector<32x16xf32> to vector<1x32x16xf32>
    %reduce_sum3A_2 = arith.constant dense<0.000000e+00> : vector<1xf32>
    %reduce_sum3A_3 = vector.multi_reduction <add>, %reduce_sum3A, %reduce_sum3A_2 [1, 2] : vector<1x32x16xf32> to vector<1xf32>
    %reduce_sum3A_4 = vector.shape_cast %reduce_sum3A_3 : vector<1xf32> to vector<1x1x1xf32>
    %reduce_sum3A_5 = vector.extract %reduce_sum3A_4[0, 0, 0] : f32 from vector<1x1x1xf32>
    %mul3A = arith.constant 6.10351563E-5 : f32
    %mul3A_6 = arith.mulf %reduce_sum3A_5, %mul3A : f32
    %max3A = arith.constant 9.99999996E-13 : f32
    %max3A_7 = arith.maximumf %mul3A_6, %max3A : f32
    %min3A = arith.constant 9.99999995E+11 : f32
    %min3A_8 = arith.minimumf %max3A_7, %min3A : f32
    %reshape3A = vector.broadcast %min3A_8 : f32 to vector<1x1xf32>
    %swap3A = arith.constant 0 : index
    %swap3A_9 = arith.constant 0 : index
    %swap3A_10 = vector.load %arg1[%swap3A, %swap3A_9] : memref<1x1xf32, #tpu.memory_space<vmem>>, vector<1x1xf32>
    tpu.vector_store %arg1[%swap3A, %swap3A_9], %reshape3A {strides = array<i32>} : memref<1x1xf32, #tpu.memory_space<vmem>>, vector<1x1xf32>,
    return
  }
}

</mosaic_0001>

<sc_bundles>
// kernel: kernel.4.cloned.1.call-start
scs
__scs_entry_jumppad:
0x0: {  	(pc) =	sbr.rel $0x88, $3  }
0x1: {  	(tag) =	ssettag $0x0;
	lr =	simm.s32 $0x1  }
0x2: {  	[smem:$0x3F9E] =	sst lr;
	_ =	strace $0xD0000000  }
0x3: {  	_ = 	snop  }
0x4: {  	_ = 	snop  }
0x5: {  	_ = 	snop  }
0x6: {  	_ = 	snop  }
0x7: {  	_ = 	snop  }
__scs_overlays_trampoline_lowered:
0x8: {  	[smem:$0x3FAD] =	sst s0  }
0x9: {  	[smem:$0x3FAE] =	sst s1  }
0xa: {  	[smem:$0x3FAF] =	sst s2  }
0xb: {  	[smem:$0x3FB0] =	sst s3  }
0xc: {  	[smem:$0x3FB1] =	sst s4  }
0xd: {  	[smem:$0x3FB2] =	sst s5  }
0xe: {  	[smem:$0x3FB3] =	sst s6  }
0xf: {  	[smem:$0x3FB4] =	sst s7  }
0x10: {  	[smem:$0x3FB5] =	sst s8  }
0x11: {  	[smem:$0x3FB6] =	sst s9;
	s0 =	simm.s32 @!p0 $0x0  }
0x12: {  	s1 =	sld [smem:$0x3F9C];
	s0 =	simm.s32 @p0 $0x1  }
0x13: {  	[smem:$0x3FB7] =	sst s0;
	s0 =	simm.s32 @!p1 $0x0  }
0x14: {  	s2 =	sld [smem:$0x3F9B];
	s0 =	simm.s32 @p1 $0x1  }
0x15: {  	[smem:$0x3FB8] =	sst s0;
	s0 =	simm.s32 @!p2 $0x0  }
0x16: {  	s3 =	sld [smem:$0x3FDB];
	s0 =	simm.s32 @p2 $0x1  }
0x17: {  	s4 =	simm.s32 $0x1BF5;
	[smem:$0x3FBA] =	sst s0  }
0x18: {  	s0 =	sld [smem:$0x3F9D];
	_ =	swait.ge [sflag:s4], $0x0  }
0x19: {  	s7 =	sld [smem:$0x3F9E]  }
0x1a: {  	s8 =	sadd.s32 $0xFFFFE003, lr  }
0x1b: {  	s9 =	sadd.s32 $0xFFFFFEF7, lr;
	s5 =	simm.s32 $0xFFFFFFFF;
	p2 =	slt.u32 s8, $0xFFFFF086  }
0x1c: {  	p1 =	slt.u32 s9, $0xF7A;
	s5 =	simm.s32 @!p2 $0x0  }
0x1d: {  	s5 =	simm.s32 @p1 $0x1;
	p0 =	seq.s32 s7, s2  }
0x1e: {  	s7 =	smul.u32 @!p0 $0xF7A, s2;
	p2 =	seq.s32 @!p0 s5, $0x0  }
0x1f: {  	s9 =	smul.u32 $0xF7A, s1;
	s8 =	simm.s32 @!p0 $0x1BF5;
	p2 =	por !p2, p0  }
0x20: {  	[sflag:s8] =	ssyncset.s32 @!p0 $0xFFFFF086;
	s6 =	sadd.s32 @!p0 s3, s7;
	s7 =	simm.s32 @!p0 $0x108  }
0x21: {  	s3 =	sadd.s32 s3, s9;
	s6 =	sadd.s32 @!p0 $0x88, s6;
	s7 =	simm.s32 @p2 $0x1082  }
0x22: {  	[simem:s7], [sflag:s8] =	dma.local @!p0 [hbm:s6], $0xF7A  }
0x23: {  	s9 =	sor.u32 $0xD0000000, s2;
	s6 =	simm.s32 $0x108;
	_ =	swait.ge @!p0 [sflag:s8], $0x0  }
0x24: {  	s3 =	sadd.s32 $0x88, s3;
	s6 =	simm.s32 @!p1 $0x1082;
	[sflag:s4] =	ssyncset.s32 $0xFFFFF086  }
0x25: {  	[simem:s6], [sflag:s4] =	dma.local [hbm:s3], $0xF7A  }
0x26: {  	[smem:$0x3F9E] =	sst s1;
	(tag) =	ssettag s2;
	_ =	strace s9  }
0x27: {  	s1 =	sld [smem:$0x3FAE]  }
0x28: {  	s2 =	sld [smem:$0x3FAF]  }
0x29: {  	s4 =	sld [smem:$0x3FB1]  }
0x2a: {  	p0 =	seq.s32 s5, $0x0;
	s5 =	sld [smem:$0x3FB2]  }
0x2b: {  	s6 =	sld [smem:$0x3FB3]  }
0x2c: {  	s7 =	sld [smem:$0x3FB4]  }
0x2d: {  	s3 =	simm.s32 $0x108;
	s8 =	sld [smem:$0x3FB5]  }
0x2e: {  	s3 =	simm.s32 @!p0 $0x1082;
	s9 =	sld [smem:$0x3FB6]  }
0x2f: {  	lr =	sadd.s32 s0, s3;
	s0 =	sld [smem:$0x3FAD]  }
0x30: {  	s3 =	sld [smem:$0x3FB0]  }
0x31: {  	[smem:$0x3FB9] =	sst s10  }
0x32: {  	s10 =	sld [smem:$0x3FB7];
	_ =	sdelay $0x3  }
0x33: {  	p0 =	seq.s32 s10, $0x1;
	s10 =	sld [smem:$0x3FB9];
	_ =	sdelay $0x3  }
0x34: {  	[smem:$0x3FB9] =	sst s10  }
0x35: {  	s10 =	sld [smem:$0x3FB8];
	_ =	sdelay $0x3  }
0x36: {  	p1 =	seq.s32 s10, $0x1;
	s10 =	sld [smem:$0x3FB9];
	_ =	sdelay $0x3  }
0x37: {  	[smem:$0x3FB9] =	sst s10  }
0x38: {  	s10 =	sld [smem:$0x3FBA]  }
0x39: {  	_ = 	snop;
	(pc) =	sbr.ind lr, $3  }
0x3a: {  	_ = 	snop  }
0x3b: {  	_ = 	snop  }
0x3c: {  	p2 =	seq.s32 s10, $0x1;
	s10 =	sld [smem:$0x3FB9]  }
0x3d: {  	_ =	shalt  }
0x3e: {  	_ =	shalt  }
0x3f: {  	_ =	shalt  }
0x40: {  	_ =	shalt  }
0x41: {  	_ =	shalt  }
0x42: {  	_ =	shalt  }
0x43: {  	_ =	shalt  }
0x44: {  	_ =	shalt  }
0x45: {  	_ =	shalt  }
0x46: {  	_ =	shalt  }
0x47: {  	_ =	shalt  }
0x48: {  	_ =	shalt  }
0x49: {  	_ =	shalt  }
0x4a: {  	_ =	shalt  }
0x4b: {  	_ =	shalt  }
0x4c: {  	_ =	shalt  }
0x4d: {  	_ =	shalt  }
0x4e: {  	_ =	shalt  }
0x4f: {  	_ =	shalt  }
0x50: {  	_ =	shalt  }
0x51: {  	_ =	shalt  }
0x52: {  	_ =	shalt  }
0x53: {  	_ =	shalt  }
0x54: {  	_ =	shalt  }
0x55: {  	_ =	shalt  }
0x56: {  	_ =	shalt  }
0x57: {  	_ =	shalt  }
0x58: {  	_ =	shalt  }
0x59: {  	_ =	shalt  }
0x5a: {  	_ =	shalt  }
0x5b: {  	_ =	shalt  }
0x5c: {  	_ =	shalt  }
0x5d: {  	_ =	shalt  }
0x5e: {  	_ =	shalt  }
0x5f: {  	_ =	shalt  }
0x60: {  	_ =	shalt  }
0x61: {  	_ =	shalt  }
0x62: {  	_ =	shalt  }
0x63: {  	_ =	shalt  }
0x64: {  	_ =	shalt  }
0x65: {  	_ =	shalt  }
0x66: {  	_ =	shalt  }
0x67: {  	_ =	shalt  }
0x68: {  	_ =	shalt  }
0x69: {  	_ =	shalt  }
0x6a: {  	_ =	shalt  }
0x6b: {  	_ =	shalt  }
0x6c: {  	_ =	shalt  }
0x6d: {  	_ =	shalt  }
0x6e: {  	_ =	shalt  }
0x6f: {  	_ =	shalt  }
0x70: {  	_ =	shalt  }
0x71: {  	_ =	shalt  }
0x72: {  	_ =	shalt  }
0x73: {  	_ =	shalt  }
0x74: {  	_ =	shalt  }
0x75: {  	_ =	shalt  }
0x76: {  	_ =	shalt  }
0x77: {  	_ =	shalt  }
0x78: {  	_ =	shalt  }
0x79: {  	_ =	shalt  }
0x7a: {  	_ =	shalt  }
0x7b: {  	_ =	shalt  }
0x7c: {  	_ =	shalt  }
0x7d: {  	_ =	shalt  }
0x7e: {  	_ =	shalt  }
0x7f: {  	_ =	shalt  }
0x80: {  	_ =	shalt  }
0x81: {  	_ =	shalt  }
0x82: {  	_ =	shalt  }
0x83: {  	_ =	shalt  }
0x84: {  	_ =	shalt  }
0x85: {  	_ =	shalt  }
0x86: {  	_ =	shalt  }
0x87: {  	_ =	shalt  }
.Lfunc_end0:
.L_simem_size_0:
called_computation_lowered:
.L_overlay_start_0:
0x88: {  	s2 =	sld [smem:$0x3FD9]  }
0x89: {  	s3 =	sld [smem:$0x3FFE];
	_ =	sdelay $0x1  }
0x8a: {  	s1 =	srdreg.scid  }
0x8b: {  	s0 =	sand.u32 $0x1, s1  }
0x8c: {  	s17 =	sshll.u32 s0, $0xA;
	s2 =	sadd.s32 s3, s2  }
0x8d: {  	s2 =	sadd.s32 s2, s17  }
0x8e: {  	[smem:$0x3FC5] =	sst s2  }
0x8f: {  	_ = 	snop  }
0x90: {  	s2 =	sld [smem:$0x3FC9]  }
0x91: {  	s18 =	sld [smem:$0x3FC7];
	(tm) =	ssettm $0x1  }
0x92: {  	s4 =	sld [smem:$0x3FFB];
	_ =	sdelay $0x3  }
0x93: {  	_ =	strace s4  }
0x94: {  	s4 =	sld [smem:$0x3FFC];
	_ =	sdelay $0x3  }
0x95: {  	_ =	strace s4  }
0x96: {  	s4 =	sld [smem:$0x3FFD];
	_ =	sdelay $0x3  }
0x97: {  	_ =	strace s4  }
0x98: {  	_ =	strace $0x8FFFFFFF  }
0x99: {  	s19 =	sld [smem:$0x3FDB];
	_ =	sdelay $0x1  }
0x9a: {  	s5 =	simm.s32 $_scs_section_size  }
0x9b: {  	s6 =	simm.s32 $_size__tile_overlayer_lowered;
	s7 =	simm.s32 $_tile_overlayer_lowered  }
0x9c: {  	s22 =	simm.s32 $0x1BFF;
	s21 =	sshll.u32 s7, $0x1;
	s4 =	sadd.s32 s5, s19  }
0x9d: {  	s8 =	simm.s32 $0x0;
	s20 =	sshll.u32 s6, $0x1;
	s6 =	sadd.s32 s21, s4  }
0x9e: {  	[timem:s8], [sflag:s22] =	dma.local [hbm:s6], s20  }
0x9f: {  	_ =	swait.ge [sflag:s22], s20  }
0xa0: {  	s5 =	ssub.s32 $0x0, s20;
	[sflag:s22] =	ssyncset.done $0x0  }
0xa1: {  	[sflag:s22] =	ssyncadd.s32 s5;
	_ =	sdelay $0x1  }
0xa2: {  	s23 =	simm.s32 $0x1B8B  }
0xa3: {  	_ =	swait.ge [sflag:s23], $0x1  }
0xa4: {  	[sflag:s23] =	ssyncset.done $0x0  }
0xa5: {  	s25 =	simm.s32 $0x1B8E;
	s24 =	sld [smem:$0x3FFE];
	[sflag:s23] =	ssyncadd.s32 $0xFFFFFFFF  }
0xa6: {  	s26 =	simm.s32 $execute0_lowered;
	[smem:$0x3FD2] =	sst s25  }
0xa7: {  	s6 =	sshll.u32 s26, $0x1;
	_ =	strace $0x80000046;
	[dreg:$0x1] =	wrdreg $0xFFFFFFFF  }
0xa8: {  	s28 =	simm.s32 $_size_execute0_lowered;
	s4 =	sadd.s32 s4, s6;
	[dreg:$0x0] =	wrdreg $0x0  }
0xa9: {  	s6 =	sshll.u32 s28, $0x1;
	[dreg:$0x2] =	wrdreg s4  }
0xaa: {  	[dreg:$0x3] =	wrdreg s6  }
0xab: {  	[dreg:$0x4] =	wrdreg $0xC0  }
0xac: {  	_ =	task [dreg:s8], $0x5FFFF  }
0xad: {  	[dreg:$0x1] =	wrdreg $0xFFFFFFFF  }
0xae: {  	[dreg:$0x0] =	wrdreg $0x60  }
0xaf: {  	[dreg:$0x2] =	wrdreg s2  }
0xb0: {  	[dreg:$0x3] =	wrdreg s24  }
0xb1: {  	[dreg:$0x4] =	wrdreg s18  }
0xb2: {  	[dreg:$0x5] =	wrdreg $0x9  }
0xb3: {  	_ =	task.clear_ibuf [dreg:s8], $0x6FFFF;
	_ =	strace $0x90000046  }
0xb4: {  	s29 =	simm.s32 $0x9;
	_ =	strace $0x80000048  }
0xb5: {  	_ =	swait.ge [sflag:s29], $0x1  }
0xb6: {  	[sflag:s29] =	ssyncadd.s32 $0xFFFFFFFF  }
0xb7: {  	_ =	strace $0x90000048  }
0xb8: {  	_ =	sfence  }
0xb9: {  	s30 =	sld [smem:$0x0];
	_ =	sdelay $0x2  }
0xba: {  	s31 =	sshll.u32 s1, $0xD;
	s1 =	sshrl.u32 s1, $0x2  }
0xbb: {  	s3 =	sand.u32 $0x4000, s31;
	s1 =	sadd.s32 s1, s30  }
0xbc: {  	s0 =	sor.u32 s3, s0;
	s1 =	sshll.u32 s1, $0x11  }
0xbd: {  	s0 =	sor.u32 s1, s0  }
0xbe: {  	s0 =	sadd.s32 $0x8F2B, s0  }
0xbf: {  	[sflag:s0] =	ssyncadd.remote.s32 $0x1  }
0xc0: {  	_ =	sfence.sel $0xFFFF  }
0xc1: {  	[dreg:$0x0] =	wrdreg $0xFFFFFFFF;
	(pc) =	sbr.abs _section_cstart, $3  }
0xc2: {  	[dreg:$0x1] =	wrdreg $0xFFFFFFFF  }
0xc3: {  	_ =	task.clear_ibuf [dreg:s8], $0x2FFFF;
	_ =	strace $0x9FFFFFFF  }
0xc4: {  	(tm) =	ssettm $0x7FFFFFFF  }
0xc5: {  	_ =	shalt  }
tec
execute0_lowered:
.L_overlay_start_1:
0x0: {  	(tag) =	ssettag $0x1  }
0x1: {  	s0 =	rddreg [dreg:$0x0]  }
0x2: {  	s1 =	rddreg [dreg:$0x1]  }
0x3: {  	s2 =	rddreg [dreg:$0x2]  }
0x4: {  	s4 =	srdreg.scid;
	s5 =	stileid.u32  }
0x5: {  	s3 =	simm.s32 $0x0;
	s14 =	simm.s32 $0x9;
	s28 =	simm.s32 $0x7000  }
0x6: {  	s29 =	simm.s32 $0xF000;
	s30 =	simm.s32 $0xF800;
	s31 =	simm.s32 $0x10000  }
0x7: {  	s11 =	simm.s32 $0x5;
	s12 =	simm.s32 $0x2;
	s13 =	simm.s32 $0x6  }
0x8: {  	s15 =	simm.s32 $0x3;
	s16 =	simm.s32 $0x7;
	s17 =	simm.s32 $0x4  }
0x9: {  	s18 =	simm.s32 $0x8;
	s4 =	sand.u32 $0x1, s4;
	s5 =	sshll.u32 s5, $0x1  }
0xa: {  	s20 =	simm.s32 $0x0;
	[smem:$0x7FF] =	sst s3;
	s5 =	sor.u32 s4, s5  }
0xb: {  	_ =	strace $0x80000047;
	s23 =	ssub.s32 $0x2, s4;
	s6 =	sshll.u32 s5, $0x9  }
0xc: {  	v2 =	vlaneseq.u32;
	s24 =	sshll.u32 s5, $0xF;
	s5 =	sshll.u32 s5, $0x4;
	s8 =	sshrl.u32 s23, $0x1  }
0xd: {  	v0 =	vand.u32 $0x7, v2;
	v1 =	vshrl.u32 v2, $0x3;
	s7 =	sadd.s32 s6, s1;
	s4 =	sadd.s32 s0, s24;
	s25 =	sadd.s32 s5, s1  }
0xe: {  	v63 =	vor.u32 $0x8, v2;
	[tilespmem:$0x1FFD0] =	vst v0;
	v62 =	vmul.u32 $0x8, v1;
	s26 =	ssub.s32 s23, s8;
	s8 =	sadd.s32 $0x100, s2;
	s0 =	simm.s32 $0x10800  }
0xf: {  	[tilespmem:$0x1FFF0] =	vst v63;
	s1 =	simm.s32 $0x1;
	s5 =	sadd.s32 $0x400, s4;
	s6 =	sadd.s32 $0x800, s4  }
0x10: {  	vm0 =	vmmov $0xffff;
	[tilespmem:$0x1FFE0] =	vst v62;
	s7 =	sadd.s32 $0x600, s7;
	s9 =	sadd.s32 $0x4600, s25;
	s10 =	smax.u32 s26, $0x1  }
.LBB2_1:
0x11: {  	s19 =	simm.s32 $0x1000  }
0x12: {  	[tilespmem:s19], [sflag:$0x1] =	stream.linear.gather [hbm4b:s4+s3], $0x2000, $0x38;
	[tilespmem:$0x11080] =	vst v63  }
0x13: {  	s25 =	simm.s32 $0x3000  }
0x14: {  	[tilespmem:s25], [sflag:$0x2] =	stream.linear.gather [hbm4b:s5+s3], $0x2000, $0x38;
	[tilespmem:$0x11080] =	vst v63  }
0x15: {  	s26 =	simm.s32 $0x5000  }
0x16: {  	[tilespmem:s26], [sflag:$0x3] =	stream.linear.gather [hbm4b:s6+s3], $0x2000, $0x38;
	[tilespmem:$0x11080] =	vst v63  }
0x17: {  	_ = 	snop  }
0x18: {  	[tilespmem:s3], [sflag:$0x9] =	stream.linear.gather [hbm4b:s7+s3], $0x1000, $0x38;
	[tilespmem:$0x11080] =	vst v63  }
0x19: {  	_ =	swait.ge [sflag:s14], $0x1000  }
0x1a: {  	[sflag:s14] =	ssyncset.done $0x0  }
0x1b: {  	[sflag:s14] =	ssyncadd.s32 $0xFFFFF000  }
0x1c: {  	v3 =	vld [tilespmem:$0x0];
	_ =	sdelay $0x2  }
0x1d: {  	v0 =	vld [tilespmem:$0x1FFD0];
	_ =	sdelay $0x1  }
0x1e: {  	v1 =	vld [tilespmem:$0x1FFE0];
	v4 =	vshll.u32 v3, $0x2  }
0x1f: {  	v3 =	vand.u32 $0x7, v3;
	v4 =	vand.u32 $0xFFFFFFE0, v4  }
0x20: {  	v2 =	vld [tilespmem:$0x1FFF0];
	v3 =	vor.u32 v3, v4  }
0x21: {  	v4 =	vperm.xlane v3, v0;
	_ =	sdelay $0x1  }
0x22: {  	v4 =	vadd.s32 v1, v4;
	_ =	sdelay $0x1  }
0x23: {  	v3 =	vperm.xlane v3, v2;
	_ =	sdelay $0x1  }
0x24: {  	s21 =	simm.s32 $0x9000;
	v3 =	vadd.s32 v1, v3  }
0x25: {  	[tilespmem:s21], [sflag:$0x5] =	stream.indirect_vreg.gather [hbm4b:s2+s3], $0x80, v4, vm0, $0xb8;
	[tilespmem:$0x11080] =	vst v63  }
0x26: {  	s22 =	simm.s32 $0x9800  }
0x27: {  	[tilespmem:s22], [sflag:$0x5] =	stream.indirect_vreg.gather [hbm4b:s8+s3], $0x80, v4, vm0, $0xb8;
	[tilespmem:$0x11080] =	vst v63  }
0x28: {  	s23 =	simm.s32 $0xA000  }
0x29: {  	[tilespmem:s23], [sflag:$0x5] =	stream.indirect_vreg.gather [hbm4b:s2+s3], $0x80, v3, vm0, $0xb8;
	[tilespmem:$0x11080] =	vst v63  }
0x2a: {  	s24 =	simm.s32 $0xA800  }
0x2b: {  	[tilespmem:s24], [sflag:$0x5] =	stream.indirect_vreg.gather [hbm4b:s8+s3], $0x80, v3, vm0, $0xb8;
	[tilespmem:$0x11080] =	vst v63  }
0x2c: {  	v3 =	vld [tilespmem:$0x80];
	_ =	sdelay $0x4  }
0x2d: {  	v4 =	vshll.u32 v3, $0x2  }
0x2e: {  	v3 =	vand.u32 $0x7, v3;
	v4 =	vand.u32 $0xFFFFFFE0, v4  }
0x2f: {  	v3 =	vor.u32 v3, v4  }
0x30: {  	v4 =	vperm.xlane v3, v0;
	_ =	sdelay $0x1  }
0x31: {  	v4 =	vadd.s32 v1, v4;
	_ =	sdelay $0x1  }
0x32: {  	v3 =	vperm.xlane v3, v2;
	_ =	sdelay $0x1  }
0x33: {  	s25 =	simm.s32 $0xB000;
	v3 =	vadd.s32 v1, v3  }
0x34: {  	[tilespmem:s25], [sflag:$0x6] =	stream.indirect_vreg.gather [hbm4b:s2+s3], $0x80, v4, vm0, $0xb8;
	[tilespmem:$0x11080] =	vst v63  }
0x35: {  	s26 =	simm.s32 $0xB800  }
0x36: {  	[tilespmem:s26], [sflag:$0x6] =	stream.indirect_vreg.gather [hbm4b:s8+s3], $0x80, v4, vm0, $0xb8;
	[tilespmem:$0x11080] =	vst v63  }
0x37: {  	s21 =	simm.s32 $0xC000  }
0x38: {  	[tilespmem:s21], [sflag:$0x6] =	stream.indirect_vreg.gather [hbm4b:s2+s3], $0x80, v3, vm0, $0xb8;
	[tilespmem:$0x11080] =	vst v63  }
0x39: {  	s22 =	simm.s32 $0xC800  }
0x3a: {  	[tilespmem:s22], [sflag:$0x6] =	stream.indirect_vreg.gather [hbm4b:s8+s3], $0x80, v3, vm0, $0xb8;
	[tilespmem:$0x11080] =	vst v63  }
0x3b: {  	v3 =	vld [tilespmem:$0x100];
	_ =	sdelay $0x4  }
0x3c: {  	v4 =	vshll.u32 v3, $0x2  }
0x3d: {  	v3 =	vand.u32 $0x7, v3;
	v4 =	vand.u32 $0xFFFFFFE0, v4  }
0x3e: {  	v3 =	vor.u32 v3, v4  }
0x3f: {  	v4 =	vperm.xlane v3, v0;
	_ =	sdelay $0x1  }
0x40: {  	v4 =	vadd.s32 v1, v4;
	_ =	sdelay $0x1  }
0x41: {  	v3 =	vperm.xlane v3, v2;
	_ =	sdelay $0x1  }
0x42: {  	s23 =	simm.s32 $0xD000;
	v3 =	vadd.s32 v1, v3  }
0x43: {  	[tilespmem:s23], [sflag:$0x7] =	stream.indirect_vreg.gather [hbm4b:s2+s3], $0x80, v4, vm0, $0xb8;
	[tilespmem:$0x11080] =	vst v63  }
0x44: {  	s24 =	simm.s32 $0xD800  }
0x45: {  	[tilespmem:s24], [sflag:$0x7] =	stream.indirect_vreg.gather [hbm4b:s8+s3], $0x80, v4, vm0, $0xb8;
	[tilespmem:$0x11080] =	vst v63  }
0x46: {  	s25 =	simm.s32 $0xE000  }
0x47: {  	[tilespmem:s25], [sflag:$0x7] =	stream.indirect_vreg.gather [hbm4b:s2+s3], $0x80, v3, vm0, $0xb8;
	[tilespmem:$0x11080] =	vst v63  }
0x48: {  	v5 =	vimm.f32 $0.0e+00;
	s26 =	simm.s32 $0xE800;
	s21 =	simm.s32 $0x0  }
0x49: {  	v6 =	vimm.f32 $0.0e+00;
	v4 =	vimm.f32 $0.0e+00;
	[tilespmem:s26], [sflag:$0x7] =	stream.indirect_vreg.gather [hbm4b:s8+s3], $0x80, v3, vm0, $0xb8;
	v3 =	vimm.f32 $0.0e+00;
	[tilespmem:$0x11080] =	vst v63  }
.LBB2_2:
0x4a: {  	s22 =	sshllo.u32 s21, $0x2  }
0x4b: {  	s23 =	sshll.u32 s22, $0xA;
	s22 =	sshll.u32 s22, $0x7  }
0x4c: {  	s24 =	sadd.s32 s23, s4;
	s23 =	simm.s32 $0x0;
	s22 =	sand.u32 $0x3FFFFF80, s22  }
0x4d: {  	[tilespmem:s28], [sflag:$0x4] =	stream.linear.gather [hbm4b:s24+s23], $0x2000, $0x38;
	[tilespmem:$0x11080] =	vst v63  }
0x4e: {  	v7 =	vld [tilespmem:s22+$0x0];
	_ =	sdelay $0x2  }
0x4f: {  	v0 =	vld [tilespmem:$0x1FFD0];
	_ =	sdelay $0x1  }
0x50: {  	v8 =	vshll.u32 v7, $0x2  }
0x51: {  	v7 =	vand.u32 $0x7, v7;
	v8 =	vand.u32 $0xFFFFFFE0, v8  }
0x52: {  	v7 =	vor.u32 v7, v8  }
0x53: {  	v8 =	vperm.xlane v7, v0;
	v0 =	vld [tilespmem:$0x1FFE0];
	_ =	sdelay $0x1  }
0x54: {  	v1 =	vld [tilespmem:$0x1FFF0];
	_ =	sdelay $0x2  }
0x55: {  	v8 =	vadd.s32 v0, v8;
	_ =	sdelay $0x1  }
0x56: {  	v7 =	vperm.xlane v7, v1;
	_ =	sdelay $0x1  }
0x57: {  	v7 =	vadd.s32 v0, v7  }
0x58: {  	[tilespmem:s29], [sflag:$0x8] =	stream.indirect_vreg.gather [hbm4b:s2+s23], $0x80, v8, vm0, $0xb8;
	[tilespmem:$0x11080] =	vst v63  }
0x59: {  	_ = 	snop  }
0x5a: {  	[tilespmem:s30], [sflag:$0x8] =	stream.indirect_vreg.gather [hbm4b:s8+s23], $0x80, v8, vm0, $0xb8;
	[tilespmem:$0x11080] =	vst v63  }
0x5b: {  	_ = 	snop  }
0x5c: {  	[tilespmem:s31], [sflag:$0x8] =	stream.indirect_vreg.gather [hbm4b:s2+s23], $0x80, v7, vm0, $0xb8;
	[tilespmem:$0x11080] =	vst v63  }
0x5d: {  	_ = 	snop  }
0x5e: {  	[tilespmem:s0], [sflag:$0x8] =	stream.indirect_vreg.gather [hbm4b:s8+s23], $0x80, v7, vm0, $0xb8;
	[tilespmem:$0x11080] =	vst v63  }
0x5f: {  	_ =	swait.ge [sflag:s1], $0x2000  }
0x60: {  	[sflag:s1] =	ssyncset.done $0x0  }
0x61: {  	[sflag:s1] =	ssyncadd.s32 $0xFFFFE000  }
0x62: {  	_ =	swait.ge [sflag:s11], $0x2000  }
0x63: {  	s25 =	sand.u32 $0x1000, s23;
	s26 =	sand.u32 $0x380, s23;
	[sflag:s11] =	ssyncset.done $0x0  }
0x64: {  	s24 =	sor.u32 s26, s25;
	[sflag:s11] =	ssyncadd.s32 $0xFFFFE000  }
0x65: {  	v7 =	vld [tilespmem:s24+$0x1C40]  }
0x66: {  	v8 =	vld [tilespmem:s24+$0x9C40]  }
0x67: {  	v9 =	vld [tilespmem:s24+$0x1C50]  }
0x68: {  	v10 =	vld [tilespmem:s24+$0x9C50]  }
0x69: {  	v11 =	vld [tilespmem:s24+$0x1C60]  }
0x6a: {  	v12 =	vld [tilespmem:s24+$0x9C60]  }
0x6b: {  	v13 =	vld [tilespmem:s24+$0x1C70]  }
0x6c: {  	v14 =	vld [tilespmem:s24+$0x9C70]  }
0x6d: {  	v17 =	vld [tilespmem:s24+$0x1C00]  }
0x6e: {  	v18 =	vld [tilespmem:s24+$0x9C00]  }
0x6f: {  	v19 =	vld [tilespmem:s24+$0x1C10]  }
0x70: {  	v20 =	vld [tilespmem:s24+$0x9C10]  }
0x71: {  	v21 =	vld [tilespmem:s24+$0x1C20]  }
0x72: {  	v22 =	vld [tilespmem:s24+$0x9C20]  }
0x73: {  	v23 =	vld [tilespmem:s24+$0x1C30]  }
0x74: {  	v25 =	vld [tilespmem:s24+$0x9C30]  }
0x75: {  	v26 =	vld [tilespmem:s24+$0x1840]  }
0x76: {  	v27 =	vld [tilespmem:s24+$0x9840]  }
0x77: {  	v29 =	vld [tilespmem:s24+$0x1850]  }
0x78: {  	v32 =	vld [tilespmem:s24+$0x9850]  }
0x79: {  	v36 =	vld [tilespmem:s24+$0x1860]  }
0x7a: {  	v37 =	vld [tilespmem:s24+$0x9860]  }
0x7b: {  	v39 =	vld [tilespmem:s24+$0x1870]  }
0x7c: {  	v40 =	vld [tilespmem:s24+$0x9870]  }
0x7d: {  	v41 =	vld [tilespmem:s24+$0x1800]  }
0x7e: {  	v42 =	vld [tilespmem:s24+$0x9800]  }
0x7f: {  	v43 =	vld [tilespmem:s24+$0x1810]  }
0x80: {  	v44 =	vld [tilespmem:s24+$0x9810]  }
0x81: {  	v45 =	vld [tilespmem:s24+$0x1820]  }
0x82: {  	v46 =	vld [tilespmem:s24+$0x9820]  }
0x83: {  	v47 =	vld [tilespmem:s24+$0x1830]  }
0x84: {  	v48 =	vld [tilespmem:s24+$0x9830]  }
0x85: {  	v49 =	vld [tilespmem:s24+$0x1440]  }
0x86: {  	v50 =	vld [tilespmem:s24+$0x9440]  }
0x87: {  	v51 =	vld [tilespmem:s24+$0x1450]  }
0x88: {  	v52 =	vld [tilespmem:s24+$0x9450]  }
0x89: {  	v53 =	vld [tilespmem:s24+$0x1460]  }
0x8a: {  	v54 =	vld [tilespmem:s24+$0x9460]  }
0x8b: {  	v55 =	vld [tilespmem:s24+$0x1470]  }
0x8c: {  	v56 =	vld [tilespmem:s24+$0x9470]  }
0x8d: {  	v57 =	vld [tilespmem:s24+$0x1400]  }
0x8e: {  	v58 =	vld [tilespmem:s24+$0x9400]  }
0x8f: {  	v59 =	vld [tilespmem:s24+$0x1410]  }
0x90: {  	v60 =	vld [tilespmem:s24+$0x9410]  }
0x91: {  	v61 =	vld [tilespmem:s24+$0x1420]  }
0x92: {  	v62 =	vld [tilespmem:s24+$0x9420]  }
0x93: {  	v30 =	vld [tilespmem:s24+$0x1430]  }
0x94: {  	v33 =	vld [tilespmem:s24+$0x9430]  }
0x95: {  	v28 =	vld [tilespmem:s24+$0x1040];
	v15 =	vsub.f32 v7, v8  }
0x96: {  	v34 =	vld [tilespmem:s24+$0x9040];
	v16 =	vsub.f32 v9, v10;
	v8 =	vsub.f32 v11, v12  }
0x97: {  	v31 =	vld [tilespmem:s24+$0x1050];
	v17 =	vsub.f32 v17, v18;
	v7 =	vsub.f32 v13, v14  }
0x98: {  	v35 =	vld [tilespmem:s24+$0x9050];
	v18 =	vsub.f32 v19, v20;
	v10 =	vsub.f32 v21, v22  }
0x99: {  	v24 =	vld [tilespmem:s24+$0x1060];
	v21 =	vsub.f32 v26, v27;
	v9 =	vsub.f32 v23, v25  }
0x9a: {  	v38 =	vld [tilespmem:s24+$0x1000];
	v22 =	vsub.f32 v29, v32;
	v12 =	vsub.f32 v36, v37  }
0x9b: {  	v26 =	vld [tilespmem:s24+$0x9060];
	v23 =	vsub.f32 v41, v42;
	v11 =	vsub.f32 v39, v40  }
0x9c: {  	v40 =	vld [tilespmem:s24+$0x9000];
	v25 =	vsub.f32 v43, v44;
	v14 =	vsub.f32 v45, v46  }
0x9d: {  	v39 =	vld [tilespmem:s24+$0x1010];
	v29 =	vsub.f32 v49, v50;
	v13 =	vsub.f32 v47, v48  }
0x9e: {  	v42 =	vld [tilespmem:s24+$0x9010];
	v32 =	vsub.f32 v51, v52;
	v20 =	vsub.f32 v53, v54  }
0x9f: {  	v41 =	vld [tilespmem:s24+$0x1020];
	v36 =	vsub.f32 v57, v58;
	v19 =	vsub.f32 v55, v56  }
0xa0: {  	s22 =	sshll.u32 s21, $0x2;
	s25 =	simm.s32 $0x200;
	v43 =	vld [tilespmem:s24+$0x9020];
	v37 =	vsub.f32 v59, v60;
	v27 =	vsub.f32 v61, v62  }
.LBB2_3:
0xa1: {  	p0 =	sne.s32 s25, $0x1E00;
	v44 =	vld [tilespmem:s24+$0x1030];
	v30 =	vsub.f32 v30, v33;
	v33 =	vmul.f32 v15, v15;
	v45 =	vmul.f32 v16, v16  }
0xa2: {  	v28 =	vsub.f32 v28, v34;
	v34 =	vmul.f32 v17, v17;
	v47 =	vmul.f32 v18, v18;
	s23 =	sadd.s32 $0x80, s23;
	v46 =	vld [tilespmem:s24+$0x9030]  }
0xa3: {  	s26 =	sand.u32 $0x1000, s25;
	v18 =	vsub.f32 v31, v35;
	v35 =	vmul.f32 v21, v21;
	v48 =	vmul.f32 v22, v22;
	s19 =	sand.u32 $0x380, s23;
	v31 =	vld [tilespmem:s24+$0x1070]  }
0xa4: {  	v21 =	vsub.f32 v38, v40;
	v38 =	vmul.f32 v23, v23;
	v25 =	vmul.f32 v25, v25;
	v22 =	vld [tilespmem:s24+$0x9070];
	s24 =	sor.u32 s19, s26  }
0xa5: {  	v29 =	vmul.f32 v29, v29;
	v32 =	vmul.f32 v32, v32;
	v23 =	vsub.f32 v39, v42;
	v15 =	vld [tilespmem:s24+$0x1C40]  }
0xa6: {  	v36 =	vmul.f32 v36, v36;
	v37 =	vmul.f32 v37, v37;
	v39 =	vsub.f32 v41, v43;
	v16 =	vld [tilespmem:s24+$0x9C40]  }
0xa7: {  	v28 =	vmul.f32 v28, v28;
	v41 =	vmul.f32 v18, v18;
	v17 =	vld [tilespmem:s24+$0x1C50];
	v40 =	vsub.f32 v44, v46  }
0xa8: {  	v24 =	vsub.f32 v24, v26;
	v42 =	vmul.f32 v21, v21;
	v23 =	vmul.f32 v23, v23;
	v18 =	vld [tilespmem:s24+$0x9C50]  }
0xa9: {  	v26 =	vmul.f32 v39, v39;
	v21 =	vld [tilespmem:s24+$0x1C60];
	v39 =	vmul.f32 v40, v40;
	v31 =	vsub.f32 v31, v22  }
0xaa: {  	v6 =	vadd.f32 v42, v6;
	v5 =	vadd.f32 v23, v5;
	v40 =	vmul.f32 v24, v24;
	v22 =	vld [tilespmem:s24+$0x9C60]  }
0xab: {  	v4 =	vadd.f32 v26, v4;
	v23 =	vld [tilespmem:s24+$0x1C70];
	v3 =	vadd.f32 v39, v3;
	v26 =	vmul.f32 v31, v31  }
0xac: {  	v27 =	vmul.f32 v27, v27;
	v6 =	vadd.f32 v28, v6;
	v5 =	vadd.f32 v41, v5;
	v24 =	vld [tilespmem:s24+$0x9C70]  }
0xad: {  	v4 =	vadd.f32 v40, v4;
	v39 =	vld [tilespmem:s24+$0x1C00];
	v3 =	vadd.f32 v26, v3;
	v26 =	vmul.f32 v30, v30  }
0xae: {  	v20 =	vmul.f32 v20, v20;
	v6 =	vadd.f32 v36, v6;
	v5 =	vadd.f32 v37, v5;
	v40 =	vld [tilespmem:s24+$0x9C00]  }
0xaf: {  	v19 =	vmul.f32 v19, v19;
	v4 =	vadd.f32 v27, v4;
	v36 =	vld [tilespmem:s24+$0x1C10];
	v3 =	vadd.f32 v26, v3  }
0xb0: {  	v14 =	vmul.f32 v14, v14;
	v6 =	vadd.f32 v29, v6;
	v5 =	vadd.f32 v32, v5;
	v26 =	vld [tilespmem:s24+$0x9C10]  }
0xb1: {  	v13 =	vmul.f32 v13, v13;
	v4 =	vadd.f32 v20, v4;
	v27 =	vld [tilespmem:s24+$0x1C20];
	v3 =	vadd.f32 v19, v3  }
0xb2: {  	v12 =	vmul.f32 v12, v12;
	v6 =	vadd.f32 v38, v6;
	v5 =	vadd.f32 v25, v5;
	v19 =	vld [tilespmem:s24+$0x9C20]  }
0xb3: {  	v11 =	vmul.f32 v11, v11;
	v4 =	vadd.f32 v14, v4;
	v20 =	vld [tilespmem:s24+$0x1C30];
	v3 =	vadd.f32 v13, v3  }
0xb4: {  	v10 =	vmul.f32 v10, v10;
	v6 =	vadd.f32 v35, v6;
	v5 =	vadd.f32 v48, v5;
	v13 =	vld [tilespmem:s24+$0x9C30]  }
0xb5: {  	v9 =	vmul.f32 v9, v9;
	v4 =	vadd.f32 v12, v4;
	v14 =	vld [tilespmem:s24+$0x1840];
	v3 =	vadd.f32 v11, v3  }
0xb6: {  	v8 =	vmul.f32 v8, v8;
	v6 =	vadd.f32 v34, v6;
	v5 =	vadd.f32 v47, v5;
	v11 =	vld [tilespmem:s24+$0x9840]  }
0xb7: {  	v7 =	vmul.f32 v7, v7;
	v4 =	vadd.f32 v10, v4;
	v12 =	vld [tilespmem:s24+$0x1850];
	v3 =	vadd.f32 v9, v3  }
0xb8: {  	v6 =	vadd.f32 v33, v6;
	v5 =	vadd.f32 v45, v5;
	v25 =	vld [tilespmem:s24+$0x9850]  }
0xb9: {  	v4 =	vadd.f32 v8, v4;
	v29 =	vld [tilespmem:s24+$0x1860];
	v3 =	vadd.f32 v7, v3  }
0xba: {  	v32 =	vld [tilespmem:s24+$0x9860]  }
0xbb: {  	v37 =	vld [tilespmem:s24+$0x1870]  }
0xbc: {  	v41 =	vld [tilespmem:s24+$0x9870]  }
0xbd: {  	v42 =	vld [tilespmem:s24+$0x1800]  }
0xbe: {  	v43 =	vld [tilespmem:s24+$0x9800]  }
0xbf: {  	v44 =	vld [tilespmem:s24+$0x1810]  }
0xc0: {  	v45 =	vld [tilespmem:s24+$0x9810]  }
0xc1: {  	v46 =	vld [tilespmem:s24+$0x1820]  }
0xc2: {  	v47 =	vld [tilespmem:s24+$0x9820]  }
0xc3: {  	v48 =	vld [tilespmem:s24+$0x1830]  }
0xc4: {  	v49 =	vld [tilespmem:s24+$0x9830]  }
0xc5: {  	v50 =	vld [tilespmem:s24+$0x1440]  }
0xc6: {  	v51 =	vld [tilespmem:s24+$0x9440]  }
0xc7: {  	v52 =	vld [tilespmem:s24+$0x1450]  }
0xc8: {  	v53 =	vld [tilespmem:s24+$0x9450]  }
0xc9: {  	v54 =	vld [tilespmem:s24+$0x1460]  }
0xca: {  	v55 =	vld [tilespmem:s24+$0x9460]  }
0xcb: {  	v56 =	vld [tilespmem:s24+$0x1470]  }
0xcc: {  	v57 =	vld [tilespmem:s24+$0x9470]  }
0xcd: {  	v58 =	vld [tilespmem:s24+$0x1400]  }
0xce: {  	v59 =	vld [tilespmem:s24+$0x9400]  }
0xcf: {  	v60 =	vld [tilespmem:s24+$0x1410]  }
0xd0: {  	v61 =	vld [tilespmem:s24+$0x9410]  }
0xd1: {  	v62 =	vld [tilespmem:s24+$0x1420]  }
0xd2: {  	v63 =	vld [tilespmem:s24+$0x9420]  }
0xd3: {  	v30 =	vld [tilespmem:s24+$0x1430]  }
0xd4: {  	v33 =	vld [tilespmem:s24+$0x9430]  }
0xd5: {  	v15 =	vsub.f32 v15, v16;
	v28 =	vld [tilespmem:s24+$0x1040]  }
0xd6: {  	v16 =	vsub.f32 v17, v18;
	v8 =	vsub.f32 v21, v22;
	v34 =	vld [tilespmem:s24+$0x9040]  }
0xd7: {  	v17 =	vsub.f32 v39, v40;
	v7 =	vsub.f32 v23, v24;
	v31 =	vld [tilespmem:s24+$0x1050]  }
0xd8: {  	v18 =	vsub.f32 v36, v26;
	v10 =	vsub.f32 v27, v19;
	v35 =	vld [tilespmem:s24+$0x9050]  }
0xd9: {  	v9 =	vsub.f32 v20, v13;
	v21 =	vsub.f32 v14, v11;
	v24 =	vld [tilespmem:s24+$0x1060]  }
0xda: {  	v22 =	vsub.f32 v12, v25;
	v12 =	vsub.f32 v29, v32;
	v26 =	vld [tilespmem:s24+$0x9060]  }
0xdb: {  	v11 =	vsub.f32 v37, v41;
	v23 =	vsub.f32 v42, v43;
	v38 =	vld [tilespmem:s24+$0x1000]  }
.Ltmp0:
0xdc: {  	v25 =	vsub.f32 v44, v45;
	v14 =	vsub.f32 v46, v47;
	v40 =	vld [tilespmem:s24+$0x9000];
	(pc) =	sbr.rel @p0 .LBB2_3-.Ltmp0, $4  }
0xdd: {  	v13 =	vsub.f32 v48, v49;
	v29 =	vsub.f32 v50, v51;
	v39 =	vld [tilespmem:s24+$0x1010]  }
0xde: {  	v32 =	vsub.f32 v52, v53;
	v20 =	vsub.f32 v54, v55;
	v42 =	vld [tilespmem:s24+$0x9010]  }
0xdf: {  	v19 =	vsub.f32 v56, v57;
	v36 =	vsub.f32 v58, v59;
	v41 =	vld [tilespmem:s24+$0x1020]  }
0xe0: {  	s25 =	sadd.s32 $0x200, s25;
	v37 =	vsub.f32 v60, v61;
	v27 =	vsub.f32 v62, v63;
	v43 =	vld [tilespmem:s24+$0x9020]  }
0xe1: {  	v44 =	vld [tilespmem:s24+$0x1030]  }
0xe2: {  	p0 =	seq.s32 s21, $0x7;
	v45 =	vld [tilespmem:s24+$0x9030]  }
0xe3: {  	v46 =	vld [tilespmem:s24+$0x1070];
	s19 =	sadd.s32 @!p0 $0x4, s22  }
0xe4: {  	v47 =	vld [tilespmem:s24+$0x9070];
	s24 =	simm.s32 @!p0 $0x0;
	s23 =	sshll.u32 @!p0 s19, $0xA;
	s19 =	sshll.u32 @!p0 s19, $0x7  }
0xe5: {  	s25 =	simm.s32 @!p0 $0x1000;
	s23 =	sadd.s32 @!p0 s23, s4;
	s19 =	sand.u32 @!p0 $0x3FFFFF80, s19  }
0xe6: {  	[tilespmem:s25], [sflag:$0x1] =	stream.linear.gather @!p0 [hbm4b:s23+s24], $0x2000, $0x38;
	[tilespmem:$0x11080] =	vst v63  }
0xe7: {  	v48 =	vld @!p0 [tilespmem:s19+$0x0];
	_ =	sdelay $0x4  }
0xe8: {  	v49 =	vshll.u32 @!p0 v48, $0x2  }
0xe9: {  	v50 =	vlaneseq.u32 @!p0;
	v48 =	vand.u32 @!p0 $0x7, v48;
	v49 =	vand.u32 @!p0 $0xFFFFFFE0, v49  }
0xea: {  	v51 =	vshrl.u32 @!p0 v50, $0x3;
	v48 =	vor.u32 @!p0 v48, v49;
	v49 =	vand.u32 @!p0 $0x7, v50  }
0xeb: {  	v51 =	vmul.u32 @!p0 $0x8, v51;
	v49 =	vperm.xlane @!p0 v48, v49;
	_ =	sdelay $0x1  }
0xec: {  	v49 =	vadd.s32 @!p0 v51, v49  }
0xed: {  	v50 =	vor.u32 @!p0 $0x8, v50  }
0xee: {  	v48 =	vperm.xlane @!p0 v48, v50;
	_ =	sdelay $0x1  }
0xef: {  	vm1 =	vmmov @!p0 $0xffff;
	s19 =	simm.s32 @!p0 $0x9000;
	v48 =	vadd.s32 @!p0 v51, v48  }
0xf0: {  	[tilespmem:s19], [sflag:$0x5] =	stream.indirect_vreg.gather @!p0 [hbm4b:s2+s24], $0x80, v49, vm1, $0xb8;
	[tilespmem:$0x11080] =	vst v63  }
0xf1: {  	s19 =	simm.s32 @!p0 $0x9800  }
0xf2: {  	[tilespmem:s19], [sflag:$0x5] =	stream.indirect_vreg.gather @!p0 [hbm4b:s8+s24], $0x80, v49, vm1, $0xb8;
	[tilespmem:$0x11080] =	vst v63  }
0xf3: {  	s19 =	simm.s32 @!p0 $0xA000  }
0xf4: {  	[tilespmem:s19], [sflag:$0x5] =	stream.indirect_vreg.gather @!p0 [hbm4b:s2+s24], $0x80, v48, vm1, $0xb8;
	[tilespmem:$0x11080] =	vst v63  }
0xf5: {  	s19 =	simm.s32 @!p0 $0xA800  }
0xf6: {  	[tilespmem:s19], [sflag:$0x5] =	stream.indirect_vreg.gather @!p0 [hbm4b:s8+s24], $0x80, v48, vm1, $0xb8;
	[tilespmem:$0x11080] =	vst v63  }
0xf7: {  	_ =	swait.ge [sflag:s12], $0x2000  }
0xf8: {  	[sflag:s12] =	ssyncset.done $0x0  }
0xf9: {  	[sflag:s12] =	ssyncadd.s32 $0xFFFFE000  }
0xfa: {  	s24 =	simm.s32 $0x0;
	_ =	swait.ge [sflag:s13], $0x2000  }
0xfb: {  	s25 =	sand.u32 $0x1000, s24;
	s26 =	sand.u32 $0x380, s24;
	[sflag:s13] =	ssyncset.done $0x0  }
0xfc: {  	s23 =	sor.u32 s26, s25;
	[sflag:s13] =	ssyncadd.s32 $0xFFFFE000  }
0xfd: {  	v0 =	vld [tilespmem:s23+$0x3C40]  }
0xfe: {  	v62 =	vld [tilespmem:s23+$0x3C00]  }
0xff: {  	v57 =	vld [tilespmem:s23+$0xBC00]  }
0x100: {  	v60 =	vld [tilespmem:s23+$0x3C20]  }
0x101: {  	v61 =	vld [tilespmem:s23+$0xBC20]  }
0x102: {  	v63 =	vld [tilespmem:s23+$0xBC30]  }
0x103: {  	v55 =	vld [tilespmem:s23+$0x3840]  }
0x104: {  	v53 =	vld [tilespmem:s23+$0xB840]  }
0x105: {  	v59 =	vld [tilespmem:s23+$0x3850]  }
0x106: {  	v56 =	vld [tilespmem:s23+$0xB850]  }
0x107: {  	v54 =	vld [tilespmem:s23+$0x3860]  }
0x108: {  	v30 =	vsub.f32 v30, v33;
	v52 =	vld [tilespmem:s23+$0xB860]  }
0x109: {  	v40 =	vsub.f32 v38, v40;
	v28 =	vsub.f32 v28, v34;
	v20 =	vmul.f32 v20, v20;
	v58 =	vld [tilespmem:s23+$0x3870]  }
0x10a: {  	v31 =	vsub.f32 v31, v35;
	v23 =	vmul.f32 v23, v23;
	v19 =	vmul.f32 v19, v19;
	v51 =	vld [tilespmem:s23+$0xB870]  }
0x10b: {  	v14 =	vmul.f32 v14, v14;
	v13 =	vmul.f32 v13, v13;
	v35 =	vsub.f32 v41, v43;
	[tilespmem:$0x1FF20] =	vst v0;
	v0 =	vld [tilespmem:s23+$0xBC40]  }
0x10c: {  	v27 =	vmul.f32 v27, v27;
	v34 =	vsub.f32 v39, v42;
	v42 =	vsub.f32 v44, v45;
	v50 =	vld [tilespmem:s23+$0x3800]  }
0x10d: {  	v24 =	vsub.f32 v24, v26;
	v33 =	vmul.f32 v40, v40;
	v35 =	vmul.f32 v35, v35;
	v40 =	vld [tilespmem:s23+$0xB800]  }
0x10e: {  	v28 =	vmul.f32 v28, v28;
	v26 =	vsub.f32 v46, v47;
	v43 =	vmul.f32 v42, v42;
	v49 =	vld [tilespmem:s23+$0x3810]  }
0x10f: {  	v24 =	vmul.f32 v24, v24;
	v6 =	vadd.f32 v33, v6;
	v4 =	vadd.f32 v35, v4;
	v48 =	vld [tilespmem:s23+$0xB810]  }
0x110: {  	v34 =	vmul.f32 v34, v34;
	v26 =	vmul.f32 v26, v26;
	v3 =	vadd.f32 v43, v3;
	[tilespmem:$0x1FF30] =	vst v0;
	v0 =	vld [tilespmem:s23+$0x3C50]  }
0x111: {  	v6 =	vadd.f32 v28, v6;
	v28 =	vmul.f32 v36, v36;
	v4 =	vadd.f32 v24, v4;
	v39 =	vld [tilespmem:s23+$0x3820]  }
0x112: {  	v3 =	vadd.f32 v26, v3;
	v26 =	vmul.f32 v29, v29;
	v29 =	vmul.f32 v30, v30;
	v45 =	vld [tilespmem:s23+$0xB820]  }
0x113: {  	v31 =	vmul.f32 v31, v31;
	v5 =	vadd.f32 v34, v5;
	v6 =	vadd.f32 v28, v6;
	v46 =	vld [tilespmem:s23+$0x3830]  }
0x114: {  	v21 =	vmul.f32 v21, v21;
	v4 =	vadd.f32 v27, v4;
	v3 =	vadd.f32 v29, v3;
	v44 =	vld [tilespmem:s23+$0xB830]  }
0x115: {  	v5 =	vadd.f32 v31, v5;
	v24 =	vmul.f32 v37, v37;
	v6 =	vadd.f32 v26, v6;
	[tilespmem:$0x1FF40] =	vst v0;
	v0 =	vld [tilespmem:s23+$0xBC50]  }
0x116: {  	v12 =	vmul.f32 v12, v12;
	v4 =	vadd.f32 v20, v4;
	v3 =	vadd.f32 v19, v3;
	v42 =	vld [tilespmem:s23+$0x3440]  }
0x117: {  	v11 =	vmul.f32 v11, v11;
	v5 =	vadd.f32 v24, v5;
	v6 =	vadd.f32 v23, v6;
	v30 =	vld [tilespmem:s23+$0xB440]  }
0x118: {  	v10 =	vmul.f32 v10, v10;
	v4 =	vadd.f32 v14, v4;
	v3 =	vadd.f32 v13, v3;
	v41 =	vld [tilespmem:s23+$0x3450]  }
0x119: {  	v24 =	vmul.f32 v32, v32;
	v13 =	vmul.f32 v17, v17;
	v6 =	vadd.f32 v21, v6;
	v32 =	vld [tilespmem:s23+$0xB450]  }
0x11a: {  	v9 =	vmul.f32 v9, v9;
	v4 =	vadd.f32 v12, v4;
	v3 =	vadd.f32 v11, v3;
	[tilespmem:$0x1FF50] =	vst v0;
	v0 =	vld [tilespmem:s23+$0x3C60]  }
0x11b: {  	v8 =	vmul.f32 v8, v8;
	v6 =	vadd.f32 v13, v6;
	v47 =	vld [tilespmem:s23+$0x3460]  }
0x11c: {  	v13 =	vmul.f32 v7, v7;
	v4 =	vadd.f32 v10, v4;
	v3 =	vadd.f32 v9, v3;
	v20 =	vld [tilespmem:s23+$0xB460]  }
0x11d: {  	v43 =	vld [tilespmem:s23+$0x3470]  }
0x11e: {  	v7 =	vadd.f32 v8, v4;
	v8 =	vadd.f32 v13, v3;
	v3 =	vld [tilespmem:$0x1FF20]  }
0x11f: {  	[tilespmem:$0x1FF60] =	vst v0;
	v0 =	vld [tilespmem:s23+$0xBC60]  }
0x120: {  	v4 =	vld [tilespmem:$0x1FF30]  }
0x121: {  	v37 =	vld [tilespmem:s23+$0xB470]  }
0x122: {  	v36 =	vld [tilespmem:s23+$0x3400]  }
0x123: {  	v19 =	vld [tilespmem:s23+$0xB400]  }
0x124: {  	[tilespmem:$0x1FF70] =	vst v0;
	v0 =	vld [tilespmem:s23+$0x3C70]  }
0x125: {  	v11 =	vmul.f32 v15, v15;
	v15 =	vsub.f32 v3, v4;
	v3 =	vld [tilespmem:$0x1FF40]  }
0x126: {  	v4 =	vld [tilespmem:$0x1FF50]  }
0x127: {  	v27 =	vld [tilespmem:s23+$0x3410]  }
0x128: {  	v2 =	vld [tilespmem:s23+$0xB410]  }
0x129: {  	[tilespmem:$0x1FF80] =	vst v0;
	v0 =	vld [tilespmem:s23+$0xBC70]  }
0x12a: {  	v5 =	vadd.f32 v24, v5;
	v24 =	vmul.f32 v25, v25;
	v1 =	vld [tilespmem:s23+$0x3420]  }
0x12b: {  	v12 =	vmul.f32 v16, v16;
	v16 =	vsub.f32 v3, v4;
	v3 =	vld [tilespmem:$0x1FF60]  }
0x12c: {  	v5 =	vadd.f32 v24, v5;
	v14 =	vmul.f32 v22, v22;
	v4 =	vld [tilespmem:$0x1FF70]  }
0x12d: {  	v28 =	vld [tilespmem:s23+$0x3430]  }
0x12e: {  	v5 =	vadd.f32 v14, v5;
	v14 =	vmul.f32 v18, v18;
	[tilespmem:$0x1FF90] =	vst v0;
	v0 =	vld [tilespmem:s23+$0x3C10]  }
0x12f: {  	v33 =	vld [tilespmem:s23+$0xB430]  }
0x130: {  	v5 =	vadd.f32 v14, v5;
	v29 =	vld [tilespmem:s23+$0x3040]  }
0x131: {  	v4 =	vsub.f32 v3, v4;
	v3 =	vld [tilespmem:$0x1FF80]  }
0x132: {  	v9 =	vadd.f32 v12, v5;
	v5 =	vld [tilespmem:$0x1FF90]  }
0x133: {  	[tilespmem:$0x1FFA0] =	vst v0;
	v0 =	vld [tilespmem:s23+$0xBC10]  }
0x134: {  	v34 =	vld [tilespmem:s23+$0xB040]  }
0x135: {  	v31 =	vld [tilespmem:s23+$0x3050]  }
0x136: {  	v35 =	vld [tilespmem:s23+$0xB050]  }
0x137: {  	v3 =	vsub.f32 v3, v5;
	v5 =	vld [tilespmem:$0x1FFA0]  }
0x138: {  	[tilespmem:$0x1FFB0] =	vst v0;
	v0 =	vld [tilespmem:s23+$0x3C30]  }
0x139: {  	v10 =	vadd.f32 v11, v6;
	v6 =	vld [tilespmem:$0x1FFB0]  }
0x13a: {  	v24 =	vld [tilespmem:s23+$0x3060];
	v17 =	vsub.f32 v62, v57  }
0x13b: {  	v26 =	vld [tilespmem:s23+$0xB060];
	v21 =	vsub.f32 v55, v53;
	v22 =	vsub.f32 v59, v56  }
0x13c: {  	v38 =	vld [tilespmem:s23+$0x3000];
	v12 =	vsub.f32 v54, v52;
	v23 =	vsub.f32 v50, v40  }
0x13d: {  	v11 =	vsub.f32 v58, v51;
	v25 =	vsub.f32 v49, v48;
	[tilespmem:$0x1FFC0] =	vst v0;
	v0 =	vld [tilespmem:s23+$0xB420]  }
0x13e: {  	v14 =	vsub.f32 v39, v45;
	v18 =	vsub.f32 v5, v6;
	v5 =	vld [tilespmem:$0x1FFC0]  }
0x13f: {  	v40 =	vld [tilespmem:s23+$0xB000];
	v30 =	vsub.f32 v42, v30;
	v13 =	vsub.f32 v46, v44  }
0x140: {  	v39 =	vld [tilespmem:s23+$0x3010];
	v32 =	vsub.f32 v41, v32;
	v20 =	vsub.f32 v47, v20  }
0x141: {  	v42 =	vld [tilespmem:s23+$0xB010];
	v36 =	vsub.f32 v36, v19;
	v19 =	vsub.f32 v43, v37  }
0x142: {  	v41 =	vld [tilespmem:s23+$0x3020];
	v37 =	vsub.f32 v27, v2;
	v6 =	vsub.f32 v60, v61  }
0x143: {  	s25 =	simm.s32 $0x200;
	v43 =	vld [tilespmem:s23+$0xB020];
	v27 =	vsub.f32 v1, v0;
	v5 =	vsub.f32 v5, v63  }
.LBB2_5:
0x144: {  	p1 =	sne.s32 s25, $0x1E00;
	v0 =	vld [tilespmem:s23+$0x3030];
	v1 =	vsub.f32 v28, v33;
	v2 =	vmul.f32 v15, v15;
	v28 =	vmul.f32 v16, v16  }
0x145: {  	v29 =	vsub.f32 v29, v34;
	v34 =	vmul.f32 v17, v17;
	v44 =	vmul.f32 v18, v18;
	s24 =	sadd.s32 $0x80, s24;
	v33 =	vld [tilespmem:s23+$0xB030]  }
0x146: {  	s19 =	sand.u32 $0x1000, s25;
	v18 =	vsub.f32 v31, v35;
	v35 =	vmul.f32 v21, v21;
	v45 =	vmul.f32 v22, v22;
	s26 =	sand.u32 $0x380, s24;
	v31 =	vld [tilespmem:s23+$0x3070]  }
0x147: {  	v21 =	vsub.f32 v38, v40;
	v38 =	vmul.f32 v23, v23;
	v25 =	vmul.f32 v25, v25;
	v22 =	vld [tilespmem:s23+$0xB070];
	s23 =	sor.u32 s26, s19  }
0x148: {  	v30 =	vmul.f32 v30, v30;
	v32 =	vmul.f32 v32, v32;
	v23 =	vsub.f32 v39, v42;
	v15 =	vld [tilespmem:s23+$0x3C40]  }
0x149: {  	v36 =	vmul.f32 v36, v36;
	v37 =	vmul.f32 v37, v37;
	v39 =	vsub.f32 v41, v43;
	v16 =	vld [tilespmem:s23+$0xBC40]  }
0x14a: {  	v29 =	vmul.f32 v29, v29;
	v17 =	vld [tilespmem:s23+$0x3C50];
	v0 =	vsub.f32 v0, v33;
	v33 =	vmul.f32 v18, v18  }
0x14b: {  	v24 =	vsub.f32 v24, v26;
	v40 =	vmul.f32 v21, v21;
	v23 =	vmul.f32 v23, v23;
	v18 =	vld [tilespmem:s23+$0xBC50]  }
0x14c: {  	v26 =	vmul.f32 v39, v39;
	v21 =	vld [tilespmem:s23+$0x3C60];
	v0 =	vmul.f32 v0, v0;
	v31 =	vsub.f32 v31, v22  }
0x14d: {  	v10 =	vadd.f32 v40, v10;
	v9 =	vadd.f32 v23, v9;
	v39 =	vmul.f32 v24, v24;
	v22 =	vld [tilespmem:s23+$0xBC60]  }
0x14e: {  	v7 =	vadd.f32 v26, v7;
	v23 =	vld [tilespmem:s23+$0x3C70];
	v0 =	vadd.f32 v0, v8;
	v8 =	vmul.f32 v31, v31  }
0x14f: {  	v10 =	vadd.f32 v29, v10;
	v9 =	vadd.f32 v33, v9;
	v26 =	vmul.f32 v27, v27;
	v24 =	vld [tilespmem:s23+$0xBC70]  }
0x150: {  	v1 =	vmul.f32 v1, v1;
	v7 =	vadd.f32 v39, v7;
	v27 =	vld [tilespmem:s23+$0x3C00];
	v0 =	vadd.f32 v8, v0  }
0x151: {  	v9 =	vadd.f32 v37, v9;
	v8 =	vadd.f32 v36, v10;
	v10 =	vmul.f32 v20, v20;
	v39 =	vld [tilespmem:s23+$0xBC00]  }
0x152: {  	v7 =	vadd.f32 v26, v7;
	v20 =	vld [tilespmem:s23+$0x3C10];
	v0 =	vadd.f32 v1, v0;
	v1 =	vmul.f32 v19, v19  }
0x153: {  	v14 =	vmul.f32 v14, v14;
	v9 =	vadd.f32 v32, v9;
	v8 =	vadd.f32 v30, v8;
	v19 =	vld [tilespmem:s23+$0xBC10]  }
0x154: {  	v7 =	vadd.f32 v10, v7;
	v26 =	vld [tilespmem:s23+$0x3C20];
	v0 =	vadd.f32 v1, v0;
	v1 =	vmul.f32 v13, v13  }
0x155: {  	v9 =	vadd.f32 v25, v9;
	v10 =	vmul.f32 v12, v12;
	v8 =	vadd.f32 v38, v8;
	v13 =	vld [tilespmem:s23+$0xBC20]  }
0x156: {  	v7 =	vadd.f32 v14, v7;
	v12 =	vld [tilespmem:s23+$0x3C30];
	v0 =	vadd.f32 v1, v0;
	v1 =	vmul.f32 v11, v11  }
0x157: {  	v6 =	vmul.f32 v6, v6;
	v9 =	vadd.f32 v45, v9;
	v8 =	vadd.f32 v35, v8;
	v11 =	vld [tilespmem:s23+$0xBC30]  }
0x158: {  	v7 =	vadd.f32 v10, v7;
	v14 =	vld [tilespmem:s23+$0x3840];
	v0 =	vadd.f32 v1, v0;
	v1 =	vmul.f32 v5, v5  }
0x159: {  	v4 =	vmul.f32 v4, v4;
	v9 =	vadd.f32 v44, v9;
	v8 =	vadd.f32 v34, v8;
	v5 =	vld [tilespmem:s23+$0xB840]  }
0x15a: {  	v6 =	vadd.f32 v6, v7;
	v25 =	vld [tilespmem:s23+$0x3850];
	v0 =	vadd.f32 v1, v0;
	v1 =	vmul.f32 v3, v3  }
0x15b: {  	v9 =	vadd.f32 v28, v9;
	v10 =	vadd.f32 v2, v8;
	v30 =	vld [tilespmem:s23+$0xB850]  }
0x15c: {  	v7 =	vadd.f32 v4, v6;
	v2 =	vld [tilespmem:s23+$0x3860];
	v8 =	vadd.f32 v1, v0  }
0x15d: {  	v0 =	vld [tilespmem:s23+$0xB860]  }
0x15e: {  	v1 =	vld [tilespmem:s23+$0x3870]  }
0x15f: {  	v32 =	vld [tilespmem:s23+$0xB870]  }
0x160: {  	v36 =	vld [tilespmem:s23+$0x3800]  }
0x161: {  	v37 =	vld [tilespmem:s23+$0xB800]  }
0x162: {  	v41 =	vld [tilespmem:s23+$0x3810]  }
0x163: {  	v42 =	vld [tilespmem:s23+$0xB810]  }
0x164: {  	v43 =	vld [tilespmem:s23+$0x3820]  }
0x165: {  	v44 =	vld [tilespmem:s23+$0xB820]  }
0x166: {  	v45 =	vld [tilespmem:s23+$0x3830]  }
0x167: {  	v46 =	vld [tilespmem:s23+$0xB830]  }
0x168: {  	v47 =	vld [tilespmem:s23+$0x3440]  }
0x169: {  	v48 =	vld [tilespmem:s23+$0xB440]  }
0x16a: {  	v49 =	vld [tilespmem:s23+$0x3450]  }
0x16b: {  	v50 =	vld [tilespmem:s23+$0xB450]  }
0x16c: {  	v51 =	vld [tilespmem:s23+$0x3460]  }
0x16d: {  	v52 =	vld [tilespmem:s23+$0xB460]  }
0x16e: {  	v53 =	vld [tilespmem:s23+$0x3470]  }
0x16f: {  	v54 =	vld [tilespmem:s23+$0xB470]  }
0x170: {  	v55 =	vld [tilespmem:s23+$0x3400]  }
0x171: {  	v56 =	vld [tilespmem:s23+$0xB400]  }
0x172: {  	v57 =	vld [tilespmem:s23+$0x3410]  }
0x173: {  	v58 =	vld [tilespmem:s23+$0xB410]  }
0x174: {  	v59 =	vld [tilespmem:s23+$0x3420]  }
0x175: {  	v60 =	vld [tilespmem:s23+$0xB420]  }
0x176: {  	v28 =	vld [tilespmem:s23+$0x3430]  }
0x177: {  	v33 =	vld [tilespmem:s23+$0xB430]  }
0x178: {  	v15 =	vsub.f32 v15, v16;
	v29 =	vld [tilespmem:s23+$0x3040]  }
0x179: {  	v16 =	vsub.f32 v17, v18;
	v4 =	vsub.f32 v21, v22;
	v34 =	vld [tilespmem:s23+$0xB040]  }
0x17a: {  	v17 =	vsub.f32 v27, v39;
	v3 =	vsub.f32 v23, v24;
	v31 =	vld [tilespmem:s23+$0x3050]  }
0x17b: {  	v18 =	vsub.f32 v20, v19;
	v6 =	vsub.f32 v26, v13;
	v35 =	vld [tilespmem:s23+$0xB050]  }
0x17c: {  	v21 =	vsub.f32 v14, v5;
	v5 =	vsub.f32 v12, v11;
	v24 =	vld [tilespmem:s23+$0x3060]  }
0x17d: {  	v22 =	vsub.f32 v25, v30;
	v12 =	vsub.f32 v2, v0;
	v26 =	vld [tilespmem:s23+$0xB060]  }
0x17e: {  	v11 =	vsub.f32 v1, v32;
	v23 =	vsub.f32 v36, v37;
	v38 =	vld [tilespmem:s23+$0x3000]  }
.Ltmp1:
0x17f: {  	v25 =	vsub.f32 v41, v42;
	v14 =	vsub.f32 v43, v44;
	v40 =	vld [tilespmem:s23+$0xB000];
	(pc) =	sbr.rel @p1 .LBB2_5-.Ltmp1, $4  }
0x180: {  	v13 =	vsub.f32 v45, v46;
	v30 =	vsub.f32 v47, v48;
	v39 =	vld [tilespmem:s23+$0x3010]  }
0x181: {  	v32 =	vsub.f32 v49, v50;
	v20 =	vsub.f32 v51, v52;
	v42 =	vld [tilespmem:s23+$0xB010]  }
0x182: {  	v19 =	vsub.f32 v53, v54;
	v36 =	vsub.f32 v55, v56;
	v41 =	vld [tilespmem:s23+$0x3020]  }
0x183: {  	s25 =	sadd.s32 $0x200, s25;
	v37 =	vsub.f32 v57, v58;
	v27 =	vsub.f32 v59, v60;
	v43 =	vld [tilespmem:s23+$0xB020]  }
0x184: {  	v0 =	vld [tilespmem:s23+$0x3030]  }
0x185: {  	v1 =	vld [tilespmem:s23+$0xB030];
	s19 =	sadd.s32 @!p0 $0x5, s22  }
0x186: {  	v2 =	vld [tilespmem:s23+$0x3070];
	s25 =	simm.s32 @!p0 $0x3000;
	s24 =	sshll.u32 @!p0 s19, $0xA;
	s19 =	sshll.u32 @!p0 s19, $0x7  }
0x187: {  	v44 =	vld [tilespmem:s23+$0xB070];
	s23 =	sadd.s32 @!p0 s24, s4;
	s24 =	simm.s32 @!p0 $0x0;
	s19 =	sand.u32 @!p0 $0x3FFFFF80, s19  }
0x188: {  	[tilespmem:s25], [sflag:$0x2] =	stream.linear.gather @!p0 [hbm4b:s23+s24], $0x2000, $0x38;
	[tilespmem:$0x11080] =	vst v63  }
0x189: {  	v45 =	vld @!p0 [tilespmem:s19+$0x0];
	_ =	sdelay $0x4  }
0x18a: {  	v46 =	vshll.u32 @!p0 v45, $0x2  }
0x18b: {  	v47 =	vlaneseq.u32 @!p0;
	v45 =	vand.u32 @!p0 $0x7, v45;
	v46 =	vand.u32 @!p0 $0xFFFFFFE0, v46  }
0x18c: {  	v48 =	vshrl.u32 @!p0 v47, $0x3;
	v45 =	vor.u32 @!p0 v45, v46;
	v46 =	vand.u32 @!p0 $0x7, v47  }
0x18d: {  	v48 =	vmul.u32 @!p0 $0x8, v48;
	v46 =	vperm.xlane @!p0 v45, v46;
	_ =	sdelay $0x1  }
0x18e: {  	v46 =	vadd.s32 @!p0 v48, v46  }
0x18f: {  	v47 =	vor.u32 @!p0 $0x8, v47  }
0x190: {  	v45 =	vperm.xlane @!p0 v45, v47;
	_ =	sdelay $0x1  }
0x191: {  	s19 =	simm.s32 @!p0 $0xB000;
	v45 =	vadd.s32 @!p0 v48, v45  }
0x192: {  	[tilespmem:s19], [sflag:$0x6] =	stream.indirect_vreg.gather @!p0 [hbm4b:s2+s24], $0x80, v46, vm1, $0xb8;
	[tilespmem:$0x11080] =	vst v63  }
0x193: {  	s19 =	simm.s32 @!p0 $0xB800  }
0x194: {  	[tilespmem:s19], [sflag:$0x6] =	stream.indirect_vreg.gather @!p0 [hbm4b:s8+s24], $0x80, v46, vm1, $0xb8;
	[tilespmem:$0x11080] =	vst v63  }
0x195: {  	s19 =	simm.s32 @!p0 $0xC000  }
0x196: {  	[tilespmem:s19], [sflag:$0x6] =	stream.indirect_vreg.gather @!p0 [hbm4b:s2+s24], $0x80, v45, vm1, $0xb8;
	[tilespmem:$0x11080] =	vst v63  }
0x197: {  	s19 =	simm.s32 @!p0 $0xC800  }
0x198: {  	[tilespmem:s19], [sflag:$0x6] =	stream.indirect_vreg.gather @!p0 [hbm4b:s8+s24], $0x80, v45, vm1, $0xb8;
	[tilespmem:$0x11080] =	vst v63  }
0x199: {  	_ =	swait.ge [sflag:s15], $0x2000  }
0x19a: {  	[sflag:s15] =	ssyncset.done $0x0  }
0x19b: {  	[sflag:s15] =	ssyncadd.s32 $0xFFFFE000  }
0x19c: {  	s24 =	simm.s32 $0x0;
	_ =	swait.ge [sflag:s16], $0x2000  }
0x19d: {  	s25 =	sand.u32 $0x1000, s24;
	s26 =	sand.u32 $0x380, s24;
	[sflag:s16] =	ssyncset.done $0x0  }
0x19e: {  	s23 =	sor.u32 s26, s25;
	[sflag:s16] =	ssyncadd.s32 $0xFFFFE000  }
0x19f: {  	v51 =	vld [tilespmem:s23+$0x5C40]  }
0x1a0: {  	v52 =	vld [tilespmem:s23+$0xDC40]  }
0x1a1: {  	v53 =	vld [tilespmem:s23+$0x5C50]  }
0x1a2: {  	v54 =	vld [tilespmem:s23+$0xDC50]  }
0x1a3: {  	v55 =	vld [tilespmem:s23+$0x5C60]  }
0x1a4: {  	v28 =	vsub.f32 v28, v33;
	v56 =	vld [tilespmem:s23+$0xDC60]  }
0x1a5: {  	v29 =	vsub.f32 v29, v34;
	v0 =	vsub.f32 v0, v1;
	v57 =	vld [tilespmem:s23+$0x5C70]  }
0x1a6: {  	v31 =	vsub.f32 v31, v35;
	v47 =	vsub.f32 v41, v43;
	v58 =	vld [tilespmem:s23+$0xDC70]  }
0x1a7: {  	v2 =	vsub.f32 v2, v44;
	v0 =	vmul.f32 v0, v0;
	v46 =	vsub.f32 v39, v42;
	v59 =	vld [tilespmem:s23+$0x5C00]  }
0x1a8: {  	v24 =	vsub.f32 v24, v26;
	v26 =	vmul.f32 v47, v47;
	v45 =	vsub.f32 v38, v40;
	v60 =	vld [tilespmem:s23+$0x5C10]  }
0x1a9: {  	v2 =	vmul.f32 v2, v2;
	v0 =	vadd.f32 v0, v8;
	v1 =	vmul.f32 v46, v46;
	v61 =	vld [tilespmem:s23+$0xDC10]  }
0x1aa: {  	v24 =	vmul.f32 v24, v24;
	v7 =	vadd.f32 v26, v7;
	v33 =	vmul.f32 v45, v45;
	v62 =	vld [tilespmem:s23+$0x5C20]  }
0x1ab: {  	v0 =	vadd.f32 v2, v0;
	v1 =	vadd.f32 v1, v9;
	v9 =	vmul.f32 v31, v31;
	v63 =	vld [tilespmem:s23+$0x5C30]  }
0x1ac: {  	v29 =	vmul.f32 v29, v29;
	v7 =	vadd.f32 v24, v7;
	v10 =	vadd.f32 v33, v10;
	v40 =	vld [tilespmem:s23+$0xD800]  }
0x1ad: {  	v24 =	vmul.f32 v27, v27;
	v27 =	vmul.f32 v28, v28;
	v1 =	vadd.f32 v9, v1;
	v50 =	vld [tilespmem:s23+$0xD810]  }
0x1ae: {  	v9 =	vmul.f32 v36, v36;
	v8 =	vadd.f32 v29, v10;
	v10 =	vmul.f32 v37, v37;
	v49 =	vld [tilespmem:s23+$0x5820]  }
0x1af: {  	v19 =	vmul.f32 v19, v19;
	v26 =	vmul.f32 v30, v30;
	v0 =	vadd.f32 v27, v0;
	v39 =	vld [tilespmem:s23+$0xD820]  }
0x1b0: {  	v48 =	vld [tilespmem:s23+$0x5830];
	v8 =	vadd.f32 v9, v8;
	v1 =	vadd.f32 v10, v1;
	v9 =	vmul.f32 v32, v32  }
0x1b1: {  	v7 =	vadd.f32 v24, v7;
	v0 =	vadd.f32 v19, v0;
	v47 =	vld [tilespmem:s23+$0xD830];
	v10 =	vmul.f32 v20, v20  }
0x1b2: {  	v23 =	vmul.f32 v23, v23;
	v42 =	vld [tilespmem:s23+$0x5440];
	v8 =	vadd.f32 v26, v8;
	v1 =	vadd.f32 v9, v1  }
0x1b3: {  	v30 =	vld [tilespmem:s23+$0xD440];
	v9 =	vmul.f32 v25, v25;
	v7 =	vadd.f32 v10, v7;
	v10 =	vmul.f32 v13, v13  }
0x1b4: {  	v11 =	vmul.f32 v11, v11;
	v46 =	vld [tilespmem:s23+$0x5450];
	v8 =	vadd.f32 v23, v8  }
0x1b5: {  	v41 =	vld [tilespmem:s23+$0x5460];
	v1 =	vadd.f32 v9, v1;
	v9 =	vmul.f32 v21, v21;
	v0 =	vadd.f32 v10, v0  }
0x1b6: {  	v5 =	vmul.f32 v5, v5;
	v45 =	vld [tilespmem:s23+$0x5470];
	v13 =	vmul.f32 v22, v22  }
0x1b7: {  	v43 =	vld [tilespmem:s23+$0xD470];
	v10 =	vmul.f32 v17, v17;
	v8 =	vadd.f32 v9, v8;
	v0 =	vadd.f32 v11, v0  }
0x1b8: {  	v3 =	vmul.f32 v3, v3;
	v36 =	vld [tilespmem:s23+$0x5400];
	v1 =	vadd.f32 v13, v1;
	v9 =	vmul.f32 v18, v18  }
0x1b9: {  	v19 =	vld [tilespmem:s23+$0xD400];
	v8 =	vadd.f32 v10, v8;
	v10 =	vmul.f32 v15, v15;
	v0 =	vadd.f32 v5, v0  }
0x1ba: {  	v44 =	vld [tilespmem:s23+$0x5410];
	[tilespmem:$0x1FE50] =	vst v51;
	v1 =	vadd.f32 v9, v1;
	v9 =	vmul.f32 v16, v16  }
0x1bb: {  	[tilespmem:$0x1FE60] =	vst v52;
	v10 =	vadd.f32 v10, v8;
	v8 =	vadd.f32 v3, v0;
	v0 =	vld [tilespmem:$0x1FE50]  }
0x1bc: {  	v9 =	vadd.f32 v9, v1;
	v1 =	vld [tilespmem:$0x1FE60]  }
0x1bd: {  	v37 =	vld [tilespmem:s23+$0xD410]  }
0x1be: {  	v27 =	vld [tilespmem:s23+$0x5420]  }
0x1bf: {  	v2 =	vld [tilespmem:s23+$0xD420]  }
0x1c0: {  	v28 =	vld [tilespmem:s23+$0x5430];
	[tilespmem:$0x1FE70] =	vst v53  }
0x1c1: {  	[tilespmem:$0x1FE80] =	vst v54;
	v15 =	vsub.f32 v0, v1;
	v0 =	vld [tilespmem:$0x1FE70]  }
0x1c2: {  	v1 =	vld [tilespmem:$0x1FE80]  }
0x1c3: {  	v33 =	vld [tilespmem:s23+$0xD430]  }
0x1c4: {  	v29 =	vld [tilespmem:s23+$0x5040]  }
0x1c5: {  	v14 =	vmul.f32 v14, v14;
	v34 =	vld [tilespmem:s23+$0xD040]  }
0x1c6: {  	v31 =	vld [tilespmem:s23+$0x5050];
	[tilespmem:$0x1FE90] =	vst v55  }
0x1c7: {  	v12 =	vmul.f32 v12, v12;
	[tilespmem:$0x1FEA0] =	vst v56;
	v7 =	vadd.f32 v14, v7;
	v16 =	vsub.f32 v0, v1;
	v0 =	vld [tilespmem:$0x1FE90]  }
0x1c8: {  	v1 =	vld [tilespmem:$0x1FEA0]  }
0x1c9: {  	v6 =	vmul.f32 v6, v6;
	v35 =	vld [tilespmem:s23+$0xD050];
	v7 =	vadd.f32 v12, v7  }
0x1ca: {  	v24 =	vld [tilespmem:s23+$0x5060]  }
0x1cb: {  	v4 =	vmul.f32 v4, v4;
	v38 =	vld [tilespmem:s23+$0x5000];
	v6 =	vadd.f32 v6, v7  }
0x1cc: {  	[tilespmem:$0x1FEB0] =	vst v59;
	v59 =	vld [tilespmem:s23+$0xDC00]  }
0x1cd: {  	v7 =	vadd.f32 v4, v6;
	v4 =	vsub.f32 v0, v1;
	v0 =	vld [tilespmem:$0x1FEB0]  }
0x1ce: {  	v32 =	vld [tilespmem:s23+$0xD450]  }
0x1cf: {  	v20 =	vld [tilespmem:s23+$0xD460]  }
0x1d0: {  	v26 =	vld [tilespmem:s23+$0xD060];
	[tilespmem:$0x1FED0] =	vst v58  }
0x1d1: {  	[tilespmem:$0x1FEC0] =	vst v57;
	v1 =	vld [tilespmem:$0x1FED0]  }
0x1d2: {  	v17 =	vsub.f32 v0, v59;
	v0 =	vld [tilespmem:$0x1FEC0]  }
0x1d3: {  	v58 =	vld [tilespmem:s23+$0xDC20]  }
0x1d4: {  	[tilespmem:$0x1FEE0] =	vst v60;
	v60 =	vld [tilespmem:s23+$0xDC30]  }
0x1d5: {  	[tilespmem:$0x1FEF0] =	vst v61;
	v61 =	vld [tilespmem:s23+$0x5840]  }
0x1d6: {  	[tilespmem:$0x1FF00] =	vst v62;
	v62 =	vld [tilespmem:s23+$0xD840]  }
0x1d7: {  	v3 =	vsub.f32 v0, v1;
	v0 =	vld [tilespmem:$0x1FEE0]  }
0x1d8: {  	v1 =	vld [tilespmem:$0x1FEF0]  }
0x1d9: {  	[tilespmem:$0x1FF10] =	vst v63;
	v63 =	vld [tilespmem:s23+$0x5850]  }
0x1da: {  	v55 =	vld [tilespmem:s23+$0xD850]  }
0x1db: {  	v56 =	vld [tilespmem:s23+$0x5860]  }
0x1dc: {  	v54 =	vld [tilespmem:s23+$0xD860]  }
0x1dd: {  	v18 =	vsub.f32 v0, v1;
	v0 =	vld [tilespmem:$0x1FF00]  }
0x1de: {  	v57 =	vld [tilespmem:s23+$0x5870]  }
0x1df: {  	v53 =	vld [tilespmem:s23+$0xD870];
	v14 =	vsub.f32 v49, v39  }
0x1e0: {  	v52 =	vld [tilespmem:s23+$0x5800];
	v30 =	vsub.f32 v42, v30;
	v36 =	vsub.f32 v36, v19  }
0x1e1: {  	v51 =	vld [tilespmem:s23+$0x5810];
	v19 =	vsub.f32 v45, v43;
	v37 =	vsub.f32 v44, v37  }
0x1e2: {  	v27 =	vsub.f32 v27, v2;
	v6 =	vsub.f32 v0, v58;
	v0 =	vld [tilespmem:$0x1FF10]  }
0x1e3: {  	v39 =	vld [tilespmem:s23+$0x5010];
	v32 =	vsub.f32 v46, v32;
	v20 =	vsub.f32 v41, v20  }
0x1e4: {  	v42 =	vld [tilespmem:s23+$0xD010];
	v13 =	vsub.f32 v48, v47;
	v21 =	vsub.f32 v61, v62  }
0x1e5: {  	v43 =	vld [tilespmem:s23+$0xD020];
	v22 =	vsub.f32 v63, v55;
	v12 =	vsub.f32 v56, v54  }
0x1e6: {  	v23 =	vsub.f32 v52, v40;
	v11 =	vsub.f32 v57, v53;
	v40 =	vld [tilespmem:s23+$0xD000]  }
0x1e7: {  	s25 =	simm.s32 $0x200;
	v41 =	vld [tilespmem:s23+$0x5020];
	v25 =	vsub.f32 v51, v50;
	v5 =	vsub.f32 v0, v60  }
.LBB2_7:
0x1e8: {  	p1 =	sne.s32 s25, $0x1E00;
	v0 =	vld [tilespmem:s23+$0x5030];
	v1 =	vsub.f32 v28, v33;
	v2 =	vmul.f32 v15, v15;
	v28 =	vmul.f32 v16, v16  }
0x1e9: {  	v29 =	vsub.f32 v29, v34;
	v34 =	vmul.f32 v17, v17;
	v44 =	vmul.f32 v18, v18;
	s24 =	sadd.s32 $0x80, s24;
	v33 =	vld [tilespmem:s23+$0xD030]  }
0x1ea: {  	s19 =	sand.u32 $0x1000, s25;
	v18 =	vsub.f32 v31, v35;
	v35 =	vmul.f32 v21, v21;
	v45 =	vmul.f32 v22, v22;
	s26 =	sand.u32 $0x380, s24;
	v31 =	vld [tilespmem:s23+$0x5070]  }
0x1eb: {  	v21 =	vsub.f32 v38, v40;
	v38 =	vmul.f32 v23, v23;
	v25 =	vmul.f32 v25, v25;
	v22 =	vld [tilespmem:s23+$0xD070];
	s23 =	sor.u32 s26, s19  }
0x1ec: {  	v30 =	vmul.f32 v30, v30;
	v32 =	vmul.f32 v32, v32;
	v23 =	vsub.f32 v39, v42;
	v15 =	vld [tilespmem:s23+$0x5C40]  }
0x1ed: {  	v36 =	vmul.f32 v36, v36;
	v37 =	vmul.f32 v37, v37;
	v39 =	vsub.f32 v41, v43;
	v16 =	vld [tilespmem:s23+$0xDC40]  }
0x1ee: {  	v29 =	vmul.f32 v29, v29;
	v17 =	vld [tilespmem:s23+$0x5C50];
	v0 =	vsub.f32 v0, v33;
	v33 =	vmul.f32 v18, v18  }
0x1ef: {  	v24 =	vsub.f32 v24, v26;
	v40 =	vmul.f32 v21, v21;
	v23 =	vmul.f32 v23, v23;
	v18 =	vld [tilespmem:s23+$0xDC50]  }
0x1f0: {  	v26 =	vmul.f32 v39, v39;
	v21 =	vld [tilespmem:s23+$0x5C60];
	v0 =	vmul.f32 v0, v0;
	v31 =	vsub.f32 v31, v22  }
0x1f1: {  	v10 =	vadd.f32 v40, v10;
	v9 =	vadd.f32 v23, v9;
	v39 =	vmul.f32 v24, v24;
	v22 =	vld [tilespmem:s23+$0xDC60]  }
0x1f2: {  	v7 =	vadd.f32 v26, v7;
	v23 =	vld [tilespmem:s23+$0x5C70];
	v0 =	vadd.f32 v0, v8;
	v8 =	vmul.f32 v31, v31  }
0x1f3: {  	v10 =	vadd.f32 v29, v10;
	v9 =	vadd.f32 v33, v9;
	v26 =	vmul.f32 v27, v27;
	v24 =	vld [tilespmem:s23+$0xDC70]  }
0x1f4: {  	v1 =	vmul.f32 v1, v1;
	v7 =	vadd.f32 v39, v7;
	v27 =	vld [tilespmem:s23+$0x5C00];
	v0 =	vadd.f32 v8, v0  }
0x1f5: {  	v9 =	vadd.f32 v37, v9;
	v8 =	vadd.f32 v36, v10;
	v10 =	vmul.f32 v20, v20;
	v39 =	vld [tilespmem:s23+$0xDC00]  }
0x1f6: {  	v7 =	vadd.f32 v26, v7;
	v20 =	vld [tilespmem:s23+$0x5C10];
	v0 =	vadd.f32 v1, v0;
	v1 =	vmul.f32 v19, v19  }
0x1f7: {  	v14 =	vmul.f32 v14, v14;
	v9 =	vadd.f32 v32, v9;
	v8 =	vadd.f32 v30, v8;
	v19 =	vld [tilespmem:s23+$0xDC10]  }
0x1f8: {  	v7 =	vadd.f32 v10, v7;
	v26 =	vld [tilespmem:s23+$0x5C20];
	v0 =	vadd.f32 v1, v0;
	v1 =	vmul.f32 v13, v13  }
0x1f9: {  	v9 =	vadd.f32 v25, v9;
	v10 =	vmul.f32 v12, v12;
	v8 =	vadd.f32 v38, v8;
	v13 =	vld [tilespmem:s23+$0xDC20]  }
0x1fa: {  	v7 =	vadd.f32 v14, v7;
	v12 =	vld [tilespmem:s23+$0x5C30];
	v0 =	vadd.f32 v1, v0;
	v1 =	vmul.f32 v11, v11  }
0x1fb: {  	v6 =	vmul.f32 v6, v6;
	v9 =	vadd.f32 v45, v9;
	v8 =	vadd.f32 v35, v8;
	v11 =	vld [tilespmem:s23+$0xDC30]  }
0x1fc: {  	v7 =	vadd.f32 v10, v7;
	v14 =	vld [tilespmem:s23+$0x5840];
	v0 =	vadd.f32 v1, v0;
	v1 =	vmul.f32 v5, v5  }
0x1fd: {  	v4 =	vmul.f32 v4, v4;
	v9 =	vadd.f32 v44, v9;
	v8 =	vadd.f32 v34, v8;
	v5 =	vld [tilespmem:s23+$0xD840]  }
0x1fe: {  	v6 =	vadd.f32 v6, v7;
	v25 =	vld [tilespmem:s23+$0x5850];
	v0 =	vadd.f32 v1, v0;
	v1 =	vmul.f32 v3, v3  }
0x1ff: {  	v9 =	vadd.f32 v28, v9;
	v10 =	vadd.f32 v2, v8;
	v30 =	vld [tilespmem:s23+$0xD850]  }
0x200: {  	v7 =	vadd.f32 v4, v6;
	v2 =	vld [tilespmem:s23+$0x5860];
	v8 =	vadd.f32 v1, v0  }
0x201: {  	v0 =	vld [tilespmem:s23+$0xD860]  }
0x202: {  	v1 =	vld [tilespmem:s23+$0x5870]  }
0x203: {  	v32 =	vld [tilespmem:s23+$0xD870]  }
0x204: {  	v36 =	vld [tilespmem:s23+$0x5800]  }
0x205: {  	v37 =	vld [tilespmem:s23+$0xD800]  }
0x206: {  	v41 =	vld [tilespmem:s23+$0x5810]  }
0x207: {  	v42 =	vld [tilespmem:s23+$0xD810]  }
0x208: {  	v43 =	vld [tilespmem:s23+$0x5820]  }
0x209: {  	v44 =	vld [tilespmem:s23+$0xD820]  }
0x20a: {  	v45 =	vld [tilespmem:s23+$0x5830]  }
0x20b: {  	v46 =	vld [tilespmem:s23+$0xD830]  }
0x20c: {  	v47 =	vld [tilespmem:s23+$0x5440]  }
0x20d: {  	v48 =	vld [tilespmem:s23+$0xD440]  }
0x20e: {  	v49 =	vld [tilespmem:s23+$0x5450]  }
0x20f: {  	v50 =	vld [tilespmem:s23+$0xD450]  }
0x210: {  	v51 =	vld [tilespmem:s23+$0x5460]  }
0x211: {  	v52 =	vld [tilespmem:s23+$0xD460]  }
0x212: {  	v53 =	vld [tilespmem:s23+$0x5470]  }
0x213: {  	v54 =	vld [tilespmem:s23+$0xD470]  }
0x214: {  	v55 =	vld [tilespmem:s23+$0x5400]  }
0x215: {  	v56 =	vld [tilespmem:s23+$0xD400]  }
0x216: {  	v57 =	vld [tilespmem:s23+$0x5410]  }
0x217: {  	v58 =	vld [tilespmem:s23+$0xD410]  }
0x218: {  	v59 =	vld [tilespmem:s23+$0x5420]  }
0x219: {  	v60 =	vld [tilespmem:s23+$0xD420]  }
0x21a: {  	v28 =	vld [tilespmem:s23+$0x5430]  }
0x21b: {  	v33 =	vld [tilespmem:s23+$0xD430]  }
0x21c: {  	v15 =	vsub.f32 v15, v16;
	v29 =	vld [tilespmem:s23+$0x5040]  }
0x21d: {  	v16 =	vsub.f32 v17, v18;
	v4 =	vsub.f32 v21, v22;
	v34 =	vld [tilespmem:s23+$0xD040]  }
0x21e: {  	v17 =	vsub.f32 v27, v39;
	v3 =	vsub.f32 v23, v24;
	v31 =	vld [tilespmem:s23+$0x5050]  }
0x21f: {  	v18 =	vsub.f32 v20, v19;
	v6 =	vsub.f32 v26, v13;
	v35 =	vld [tilespmem:s23+$0xD050]  }
0x220: {  	v21 =	vsub.f32 v14, v5;
	v5 =	vsub.f32 v12, v11;
	v24 =	vld [tilespmem:s23+$0x5060]  }
0x221: {  	v22 =	vsub.f32 v25, v30;
	v12 =	vsub.f32 v2, v0;
	v26 =	vld [tilespmem:s23+$0xD060]  }
0x222: {  	v11 =	vsub.f32 v1, v32;
	v23 =	vsub.f32 v36, v37;
	v38 =	vld [tilespmem:s23+$0x5000]  }
.Ltmp2:
0x223: {  	v25 =	vsub.f32 v41, v42;
	v14 =	vsub.f32 v43, v44;
	v40 =	vld [tilespmem:s23+$0xD000];
	(pc) =	sbr.rel @p1 .LBB2_7-.Ltmp2, $4  }
0x224: {  	v13 =	vsub.f32 v45, v46;
	v30 =	vsub.f32 v47, v48;
	v39 =	vld [tilespmem:s23+$0x5010]  }
0x225: {  	v32 =	vsub.f32 v49, v50;
	v20 =	vsub.f32 v51, v52;
	v42 =	vld [tilespmem:s23+$0xD010]  }
0x226: {  	v19 =	vsub.f32 v53, v54;
	v36 =	vsub.f32 v55, v56;
	v41 =	vld [tilespmem:s23+$0x5020]  }
0x227: {  	s25 =	sadd.s32 $0x200, s25;
	v37 =	vsub.f32 v57, v58;
	v27 =	vsub.f32 v59, v60;
	v43 =	vld [tilespmem:s23+$0xD020]  }
0x228: {  	v0 =	vld [tilespmem:s23+$0x5030]  }
0x229: {  	v1 =	vld [tilespmem:s23+$0xD030]  }
0x22a: {  	s19 =	sadd.s32 @!p0 $0x6, s22;
	v2 =	vld [tilespmem:s23+$0x5070]  }
0x22b: {  	v44 =	vld [tilespmem:s23+$0xD070];
	s23 =	simm.s32 @!p0 $0x0;
	s22 =	sshll.u32 @!p0 s19, $0xA;
	s19 =	sshll.u32 @!p0 s19, $0x7  }
0x22c: {  	s24 =	simm.s32 @!p0 $0x5000;
	s22 =	sadd.s32 @!p0 s22, s4;
	s19 =	sand.u32 @!p0 $0x3FFFFF80, s19  }
0x22d: {  	[tilespmem:s24], [sflag:$0x3] =	stream.linear.gather @!p0 [hbm4b:s22+s23], $0x2000, $0x38;
	[tilespmem:$0x11080] =	vst v63  }
0x22e: {  	v45 =	vld @!p0 [tilespmem:s19+$0x0];
	_ =	sdelay $0x4  }
0x22f: {  	v46 =	vshll.u32 @!p0 v45, $0x2  }
0x230: {  	v47 =	vlaneseq.u32 @!p0;
	v45 =	vand.u32 @!p0 $0x7, v45;
	v46 =	vand.u32 @!p0 $0xFFFFFFE0, v46  }
0x231: {  	v48 =	vshrl.u32 @!p0 v47, $0x3;
	v45 =	vor.u32 @!p0 v45, v46;
	v46 =	vand.u32 @!p0 $0x7, v47  }
0x232: {  	v48 =	vmul.u32 @!p0 $0x8, v48;
	v46 =	vperm.xlane @!p0 v45, v46;
	_ =	sdelay $0x1  }
0x233: {  	v46 =	vadd.s32 @!p0 v48, v46  }
0x234: {  	v47 =	vor.u32 @!p0 $0x8, v47  }
0x235: {  	v45 =	vperm.xlane @!p0 v45, v47;
	_ =	sdelay $0x1  }
0x236: {  	s19 =	simm.s32 @!p0 $0xD000;
	v45 =	vadd.s32 @!p0 v48, v45  }
0x237: {  	[tilespmem:s19], [sflag:$0x7] =	stream.indirect_vreg.gather @!p0 [hbm4b:s2+s23], $0x80, v46, vm1, $0xb8;
	[tilespmem:$0x11080] =	vst v63  }
0x238: {  	s19 =	simm.s32 @!p0 $0xD800  }
0x239: {  	[tilespmem:s19], [sflag:$0x7] =	stream.indirect_vreg.gather @!p0 [hbm4b:s8+s23], $0x80, v46, vm1, $0xb8;
	[tilespmem:$0x11080] =	vst v63  }
0x23a: {  	s19 =	simm.s32 @!p0 $0xE000  }
0x23b: {  	[tilespmem:s19], [sflag:$0x7] =	stream.indirect_vreg.gather @!p0 [hbm4b:s2+s23], $0x80, v45, vm1, $0xb8;
	[tilespmem:$0x11080] =	vst v63  }
0x23c: {  	s19 =	simm.s32 @!p0 $0xE800  }
0x23d: {  	[tilespmem:s19], [sflag:$0x7] =	stream.indirect_vreg.gather @!p0 [hbm4b:s8+s23], $0x80, v45, vm1, $0xb8;
	[tilespmem:$0x11080] =	vst v63  }
0x23e: {  	_ =	swait.ge [sflag:s17], $0x2000  }
0x23f: {  	[sflag:s17] =	ssyncset.done $0x0  }
0x240: {  	[sflag:s17] =	ssyncadd.s32 $0xFFFFE000  }
0x241: {  	s23 =	simm.s32 $0x0;
	_ =	swait.ge [sflag:s18], $0x2000  }
0x242: {  	s25 =	sand.u32 $0x1000, s23;
	s26 =	sand.u32 $0x380, s23;
	[sflag:s18] =	ssyncset.done $0x0  }
0x243: {  	s22 =	sor.u32 s26, s25;
	[sflag:s18] =	ssyncadd.s32 $0xFFFFE000  }
0x244: {  	v49 =	vld [tilespmem:s22+$0x7C40]  }
0x245: {  	v50 =	vld [tilespmem:s22+$0xFC40]  }
0x246: {  	v51 =	vld [tilespmem:s22+$0x7C50]  }
0x247: {  	v52 =	vld [tilespmem:s22+$0xFC50]  }
0x248: {  	v53 =	vld [tilespmem:s22+$0x7C60]  }
0x249: {  	v28 =	vsub.f32 v28, v33;
	v54 =	vld [tilespmem:s22+$0xFC60]  }
0x24a: {  	v29 =	vsub.f32 v29, v34;
	v31 =	vsub.f32 v31, v35;
	v55 =	vld [tilespmem:s22+$0x7C70]  }
0x24b: {  	v24 =	vsub.f32 v24, v26;
	v23 =	vmul.f32 v23, v23;
	v19 =	vmul.f32 v19, v19;
	v56 =	vld [tilespmem:s22+$0xFC70]  }
0x24c: {  	v14 =	vmul.f32 v14, v14;
	v12 =	vmul.f32 v12, v12;
	v0 =	vsub.f32 v0, v1;
	v57 =	vld [tilespmem:s22+$0x7C00]  }
0x24d: {  	v11 =	vmul.f32 v11, v11;
	v6 =	vmul.f32 v6, v6;
	v46 =	vsub.f32 v39, v42;
	v59 =	vld [tilespmem:s22+$0xFC00]  }
0x24e: {  	v2 =	vsub.f32 v2, v44;
	v0 =	vmul.f32 v0, v0;
	v45 =	vsub.f32 v38, v40;
	v58 =	vld [tilespmem:s22+$0x7C10]  }
0x24f: {  	v29 =	vmul.f32 v29, v29;
	v47 =	vsub.f32 v41, v43;
	v1 =	vmul.f32 v46, v46;
	v60 =	vld [tilespmem:s22+$0xFC10]  }
0x250: {  	v2 =	vmul.f32 v2, v2;
	v0 =	vadd.f32 v0, v8;
	v33 =	vmul.f32 v45, v45;
	v61 =	vld [tilespmem:s22+$0x7C20]  }
0x251: {  	v26 =	vmul.f32 v47, v47;
	v1 =	vadd.f32 v1, v9;
	v9 =	vmul.f32 v31, v31;
	v62 =	vld [tilespmem:s22+$0x7C30]  }
0x252: {  	v24 =	vmul.f32 v24, v24;
	v0 =	vadd.f32 v2, v0;
	v10 =	vadd.f32 v33, v10;
	v63 =	vld [tilespmem:s22+$0xFC30]  }
0x253: {  	v7 =	vadd.f32 v26, v7;
	v26 =	vmul.f32 v30, v30;
	v1 =	vadd.f32 v9, v1;
	v34 =	vld [tilespmem:s22+$0xF810]  }
0x254: {  	v9 =	vmul.f32 v36, v36;
	v8 =	vadd.f32 v29, v10;
	v10 =	vmul.f32 v37, v37;
	v35 =	vld [tilespmem:s22+$0xF820]  }
0x255: {  	v7 =	vadd.f32 v24, v7;
	v24 =	vmul.f32 v27, v27;
	v27 =	vmul.f32 v28, v28;
	v48 =	vld [tilespmem:s22+$0xF830]  }
0x256: {  	v41 =	vld [tilespmem:s22+$0x7440];
	v8 =	vadd.f32 v9, v8;
	v1 =	vadd.f32 v10, v1;
	v9 =	vmul.f32 v32, v32  }
0x257: {  	v7 =	vadd.f32 v24, v7;
	v0 =	vadd.f32 v27, v0;
	v36 =	vld [tilespmem:s22+$0xF440];
	v10 =	vmul.f32 v20, v20  }
0x258: {  	v47 =	vld [tilespmem:s22+$0x7450];
	v8 =	vadd.f32 v26, v8;
	v1 =	vadd.f32 v9, v1;
	v9 =	vmul.f32 v25, v25  }
0x259: {  	v0 =	vadd.f32 v19, v0;
	v38 =	vld [tilespmem:s22+$0xF450];
	v7 =	vadd.f32 v10, v7;
	v10 =	vmul.f32 v13, v13  }
0x25a: {  	v46 =	vld [tilespmem:s22+$0x7460];
	v8 =	vadd.f32 v23, v8;
	v1 =	vadd.f32 v9, v1;
	v9 =	vmul.f32 v21, v21  }
0x25b: {  	v5 =	vmul.f32 v5, v5;
	v39 =	vld [tilespmem:s22+$0xF460];
	v7 =	vadd.f32 v14, v7;
	v0 =	vadd.f32 v10, v0  }
0x25c: {  	v45 =	vld [tilespmem:s22+$0x7470];
	v13 =	vmul.f32 v22, v22;
	v10 =	vmul.f32 v17, v17;
	v8 =	vadd.f32 v9, v8  }
0x25d: {  	v4 =	vmul.f32 v4, v4;
	v43 =	vld [tilespmem:s22+$0xF470];
	v7 =	vadd.f32 v12, v7;
	v0 =	vadd.f32 v11, v0  }
0x25e: {  	v40 =	vld [tilespmem:s22+$0x7400];
	v1 =	vadd.f32 v13, v1;
	v9 =	vmul.f32 v18, v18;
	v8 =	vadd.f32 v10, v8  }
0x25f: {  	v3 =	vmul.f32 v3, v3;
	v44 =	vld [tilespmem:s22+$0x7410];
	v7 =	vadd.f32 v6, v7;
	v0 =	vadd.f32 v5, v0  }
0x260: {  	v42 =	vld [tilespmem:s22+$0xF410];
	[tilespmem:$0x1FD70] =	vst v49;
	v10 =	vmul.f32 v15, v15;
	v1 =	vadd.f32 v9, v1;
	v9 =	vmul.f32 v16, v16  }
0x261: {  	[tilespmem:$0x1FD80] =	vst v50;
	v5 =	vadd.f32 v4, v7;
	v7 =	vadd.f32 v3, v0;
	v0 =	vld [tilespmem:$0x1FD70]  }
0x262: {  	v6 =	vadd.f32 v10, v8;
	v8 =	vadd.f32 v9, v1;
	v1 =	vld [tilespmem:$0x1FD80]  }
0x263: {  	v2 =	vld [tilespmem:s22+$0xF420]  }
0x264: {  	v28 =	vld [tilespmem:s22+$0xF430]  }
0x265: {  	v27 =	vld [tilespmem:s22+$0x7040]  }
0x266: {  	v19 =	vld [tilespmem:s22+$0x7060];
	[tilespmem:$0x1FD90] =	vst v51  }
0x267: {  	[tilespmem:$0x1FDA0] =	vst v52;
	v29 =	vsub.f32 v0, v1;
	v0 =	vld [tilespmem:$0x1FD90]  }
0x268: {  	v1 =	vld [tilespmem:$0x1FDA0]  }
0x269: {  	v33 =	vld [tilespmem:s22+$0x7000]  }
0x26a: {  	v37 =	vld [tilespmem:s22+$0xF000]  }
0x26b: {  	v20 =	vld [tilespmem:s22+$0xF400]  }
0x26c: {  	v25 =	vld [tilespmem:s22+$0x7420];
	[tilespmem:$0x1FDB0] =	vst v53  }
0x26d: {  	[tilespmem:$0x1FDC0] =	vst v54;
	v18 =	vsub.f32 v0, v1;
	v0 =	vld [tilespmem:$0x1FDB0]  }
0x26e: {  	v1 =	vld [tilespmem:$0x1FDC0]  }
0x26f: {  	v26 =	vld [tilespmem:s22+$0x7430]  }
0x270: {  	v22 =	vld [tilespmem:s22+$0xF060];
	[tilespmem:$0x1FDD0] =	vst v57  }
0x271: {  	[tilespmem:$0x1FE00] =	vst v58;
	v58 =	vld [tilespmem:s22+$0xFC20]  }
0x272: {  	[tilespmem:$0x1FE20] =	vst v61;
	v61 =	vld [tilespmem:s22+$0x7840]  }
0x273: {  	v4 =	vsub.f32 v0, v1;
	v0 =	vld [tilespmem:$0x1FDD0]  }
0x274: {  	[tilespmem:$0x1FE30] =	vst v62;
	v62 =	vld [tilespmem:s22+$0xF840]  }
0x275: {  	[tilespmem:$0x1FE40] =	vst v63;
	v63 =	vld [tilespmem:s22+$0x7850]  }
0x276: {  	[tilespmem:$0x1FDF0] =	vst v56;
	v57 =	vld [tilespmem:s22+$0xF850]  }
0x277: {  	[tilespmem:$0x1FDE0] =	vst v55;
	v1 =	vld [tilespmem:$0x1FDF0]  }
0x278: {  	v30 =	vsub.f32 v0, v59;
	v0 =	vld [tilespmem:$0x1FDE0]  }
0x279: {  	v56 =	vld [tilespmem:s22+$0x7860]  }
0x27a: {  	v55 =	vld [tilespmem:s22+$0xF860]  }
0x27b: {  	[tilespmem:$0x1FE10] =	vst v60;
	v60 =	vld [tilespmem:s22+$0x7870]  }
0x27c: {  	v54 =	vld [tilespmem:s22+$0xF870]  }
0x27d: {  	v3 =	vsub.f32 v0, v1;
	v0 =	vld [tilespmem:$0x1FE00]  }
0x27e: {  	v1 =	vld [tilespmem:$0x1FE10]  }
0x27f: {  	v53 =	vld [tilespmem:s22+$0x7800]  }
0x280: {  	v52 =	vld [tilespmem:s22+$0xF800]  }
0x281: {  	v51 =	vld [tilespmem:s22+$0x7810]  }
0x282: {  	v50 =	vld [tilespmem:s22+$0x7820]  }
0x283: {  	v24 =	vsub.f32 v0, v1;
	v0 =	vld [tilespmem:$0x1FE20]  }
0x284: {  	v49 =	vld [tilespmem:s22+$0x7830]  }
0x285: {  	v17 =	vld [tilespmem:s22+$0xF050];
	v36 =	vsub.f32 v41, v36  }
0x286: {  	v41 =	vld [tilespmem:s22+$0xF010];
	v38 =	vsub.f32 v47, v38;
	v21 =	vsub.f32 v46, v39  }
0x287: {  	v42 =	vsub.f32 v44, v42;
	v40 =	vsub.f32 v40, v20;
	v1 =	vld [tilespmem:$0x1FE40]  }
0x288: {  	v20 =	vsub.f32 v45, v43;
	v10 =	vsub.f32 v0, v58;
	v0 =	vld [tilespmem:$0x1FE30]  }
0x289: {  	v39 =	vld [tilespmem:s22+$0x7020];
	v25 =	vsub.f32 v25, v2;
	v23 =	vsub.f32 v61, v62  }
0x28a: {  	v16 =	vld [tilespmem:s22+$0xF040];
	v32 =	vsub.f32 v63, v57;
	v12 =	vsub.f32 v56, v55  }
0x28b: {  	v15 =	vld [tilespmem:s22+$0x7050];
	v31 =	vsub.f32 v53, v52;
	v11 =	vsub.f32 v60, v54  }
0x28c: {  	v43 =	vld [tilespmem:s22+$0xF020];
	v34 =	vsub.f32 v51, v34;
	v14 =	vsub.f32 v50, v35  }
0x28d: {  	s24 =	simm.s32 $0x200;
	v35 =	vld [tilespmem:s22+$0x7010];
	v13 =	vsub.f32 v49, v48;
	v9 =	vsub.f32 v0, v1  }
.LBB2_9:
0x28e: {  	p0 =	sne.s32 s24, $0x1E00;
	v0 =	vld [tilespmem:s22+$0x7030];
	v1 =	vsub.f32 v26, v28;
	v2 =	vmul.f32 v29, v29;
	v26 =	vmul.f32 v18, v18  }
0x28f: {  	v27 =	vsub.f32 v27, v16;
	v28 =	vmul.f32 v30, v30;
	v29 =	vmul.f32 v24, v24;
	s23 =	sadd.s32 $0x80, s23;
	v18 =	vld [tilespmem:s22+$0xF030]  }
0x290: {  	s19 =	sand.u32 $0x1000, s24;
	v24 =	vsub.f32 v15, v17;
	v44 =	vmul.f32 v23, v23;
	v32 =	vmul.f32 v32, v32;
	s25 =	sand.u32 $0x380, s23;
	v30 =	vld [tilespmem:s22+$0x7070]  }
0x291: {  	v23 =	vsub.f32 v33, v37;
	v31 =	vmul.f32 v31, v31;
	v34 =	vmul.f32 v34, v34;
	v33 =	vld [tilespmem:s22+$0xF070];
	s22 =	sor.u32 s25, s19  }
0x292: {  	v36 =	vmul.f32 v36, v36;
	v37 =	vmul.f32 v38, v38;
	v35 =	vsub.f32 v35, v41;
	v15 =	vld [tilespmem:s22+$0x7C40]  }
0x293: {  	v38 =	vsub.f32 v39, v43;
	v39 =	vmul.f32 v40, v40;
	v40 =	vmul.f32 v42, v42;
	v16 =	vld [tilespmem:s22+$0xFC40]  }
0x294: {  	v27 =	vmul.f32 v27, v27;
	v41 =	vmul.f32 v24, v24;
	v17 =	vld [tilespmem:s22+$0x7C50];
	v0 =	vsub.f32 v0, v18  }
0x295: {  	v23 =	vmul.f32 v23, v23;
	v24 =	vmul.f32 v35, v35;
	v35 =	vsub.f32 v19, v22;
	v18 =	vld [tilespmem:s22+$0xFC50]  }
0x296: {  	v38 =	vmul.f32 v38, v38;
	v19 =	vld [tilespmem:s22+$0x7C60];
	v0 =	vmul.f32 v0, v0;
	v30 =	vsub.f32 v30, v33  }
0x297: {  	v6 =	vadd.f32 v23, v6;
	v8 =	vadd.f32 v24, v8;
	v33 =	vmul.f32 v35, v35;
	v22 =	vld [tilespmem:s22+$0xFC60]  }
0x298: {  	v5 =	vadd.f32 v38, v5;
	v23 =	vld [tilespmem:s22+$0x7C70];
	v0 =	vadd.f32 v0, v7;
	v7 =	vmul.f32 v30, v30  }
0x299: {  	v25 =	vmul.f32 v25, v25;
	v6 =	vadd.f32 v27, v6;
	v8 =	vadd.f32 v41, v8;
	v24 =	vld [tilespmem:s22+$0xFC70]  }
0x29a: {  	v1 =	vmul.f32 v1, v1;
	v5 =	vadd.f32 v33, v5;
	v30 =	vld [tilespmem:s22+$0x7C00];
	v0 =	vadd.f32 v7, v0  }
0x29b: {  	v6 =	vadd.f32 v39, v6;
	v7 =	vadd.f32 v40, v8;
	v8 =	vmul.f32 v21, v21;
	v33 =	vld [tilespmem:s22+$0xFC00]  }
0x29c: {  	v5 =	vadd.f32 v25, v5;
	v21 =	vld [tilespmem:s22+$0x7C10];
	v0 =	vadd.f32 v1, v0;
	v1 =	vmul.f32 v20, v20  }
0x29d: {  	v14 =	vmul.f32 v14, v14;
	v6 =	vadd.f32 v36, v6;
	v7 =	vadd.f32 v37, v7;
	v20 =	vld [tilespmem:s22+$0xFC10]  }
0x29e: {  	v5 =	vadd.f32 v8, v5;
	v25 =	vld [tilespmem:s22+$0x7C20];
	v0 =	vadd.f32 v1, v0;
	v1 =	vmul.f32 v13, v13  }
0x29f: {  	v6 =	vadd.f32 v31, v6;
	v8 =	vmul.f32 v12, v12;
	v7 =	vadd.f32 v34, v7;
	v13 =	vld [tilespmem:s22+$0xFC20]  }
0x2a0: {  	v5 =	vadd.f32 v14, v5;
	v12 =	vld [tilespmem:s22+$0x7C30];
	v0 =	vadd.f32 v1, v0;
	v1 =	vmul.f32 v11, v11  }
0x2a1: {  	v10 =	vmul.f32 v10, v10;
	v6 =	vadd.f32 v44, v6;
	v7 =	vadd.f32 v32, v7;
	v11 =	vld [tilespmem:s22+$0xFC30]  }
0x2a2: {  	v5 =	vadd.f32 v8, v5;
	v14 =	vld [tilespmem:s22+$0x7840];
	v0 =	vadd.f32 v1, v0;
	v1 =	vmul.f32 v9, v9  }
0x2a3: {  	v4 =	vmul.f32 v4, v4;
	v6 =	vadd.f32 v28, v6;
	v7 =	vadd.f32 v29, v7;
	v9 =	vld [tilespmem:s22+$0xF840]  }
0x2a4: {  	v5 =	vadd.f32 v10, v5;
	v31 =	vld [tilespmem:s22+$0x7850];
	v0 =	vadd.f32 v1, v0;
	v1 =	vmul.f32 v3, v3  }
0x2a5: {  	v6 =	vadd.f32 v2, v6;
	v8 =	vadd.f32 v26, v7;
	v32 =	vld [tilespmem:s22+$0xF850]  }
0x2a6: {  	v5 =	vadd.f32 v4, v5;
	v2 =	vld [tilespmem:s22+$0x7860];
	v7 =	vadd.f32 v1, v0  }
0x2a7: {  	v0 =	vld [tilespmem:s22+$0xF860]  }
0x2a8: {  	v1 =	vld [tilespmem:s22+$0x7870]  }
0x2a9: {  	v34 =	vld [tilespmem:s22+$0xF870]  }
0x2aa: {  	v35 =	vld [tilespmem:s22+$0x7800]  }
0x2ab: {  	v36 =	vld [tilespmem:s22+$0xF800]  }
0x2ac: {  	v38 =	vld [tilespmem:s22+$0x7810]  }
0x2ad: {  	v39 =	vld [tilespmem:s22+$0xF810]  }
0x2ae: {  	v40 =	vld [tilespmem:s22+$0x7820]  }
0x2af: {  	v41 =	vld [tilespmem:s22+$0xF820]  }
0x2b0: {  	v42 =	vld [tilespmem:s22+$0x7830]  }
0x2b1: {  	v43 =	vld [tilespmem:s22+$0xF830]  }
0x2b2: {  	v44 =	vld [tilespmem:s22+$0x7440]  }
0x2b3: {  	v45 =	vld [tilespmem:s22+$0xF440]  }
0x2b4: {  	v46 =	vld [tilespmem:s22+$0x7450]  }
0x2b5: {  	v47 =	vld [tilespmem:s22+$0xF450]  }
0x2b6: {  	v48 =	vld [tilespmem:s22+$0x7460]  }
0x2b7: {  	v49 =	vld [tilespmem:s22+$0xF460]  }
0x2b8: {  	v50 =	vld [tilespmem:s22+$0x7470]  }
0x2b9: {  	v51 =	vld [tilespmem:s22+$0xF470]  }
0x2ba: {  	v52 =	vld [tilespmem:s22+$0x7400]  }
0x2bb: {  	v53 =	vld [tilespmem:s22+$0xF400]  }
0x2bc: {  	v54 =	vld [tilespmem:s22+$0x7410]  }
0x2bd: {  	v55 =	vld [tilespmem:s22+$0xF410]  }
0x2be: {  	v56 =	vld [tilespmem:s22+$0x7420]  }
0x2bf: {  	v57 =	vld [tilespmem:s22+$0xF420]  }
0x2c0: {  	v26 =	vld [tilespmem:s22+$0x7430]  }
0x2c1: {  	v28 =	vld [tilespmem:s22+$0xF430]  }
0x2c2: {  	v29 =	vsub.f32 v15, v16;
	v27 =	vld [tilespmem:s22+$0x7040]  }
0x2c3: {  	v18 =	vsub.f32 v17, v18;
	v4 =	vsub.f32 v19, v22;
	v16 =	vld [tilespmem:s22+$0xF040]  }
0x2c4: {  	v30 =	vsub.f32 v30, v33;
	v3 =	vsub.f32 v23, v24;
	v15 =	vld [tilespmem:s22+$0x7050]  }
0x2c5: {  	v24 =	vsub.f32 v21, v20;
	v10 =	vsub.f32 v25, v13;
	v17 =	vld [tilespmem:s22+$0xF050]  }
0x2c6: {  	v23 =	vsub.f32 v14, v9;
	v9 =	vsub.f32 v12, v11;
	v19 =	vld [tilespmem:s22+$0x7060]  }
0x2c7: {  	v32 =	vsub.f32 v31, v32;
	v12 =	vsub.f32 v2, v0;
	v22 =	vld [tilespmem:s22+$0xF060]  }
0x2c8: {  	v11 =	vsub.f32 v1, v34;
	v31 =	vsub.f32 v35, v36;
	v33 =	vld [tilespmem:s22+$0x7000]  }
.Ltmp3:
0x2c9: {  	v34 =	vsub.f32 v38, v39;
	v14 =	vsub.f32 v40, v41;
	v37 =	vld [tilespmem:s22+$0xF000];
	(pc) =	sbr.rel @p0 .LBB2_9-.Ltmp3, $4  }
0x2ca: {  	v13 =	vsub.f32 v42, v43;
	v36 =	vsub.f32 v44, v45;
	v35 =	vld [tilespmem:s22+$0x7010]  }
0x2cb: {  	v38 =	vsub.f32 v46, v47;
	v21 =	vsub.f32 v48, v49;
	v41 =	vld [tilespmem:s22+$0xF010]  }
0x2cc: {  	v20 =	vsub.f32 v50, v51;
	v40 =	vsub.f32 v52, v53;
	v39 =	vld [tilespmem:s22+$0x7020]  }
0x2cd: {  	s24 =	sadd.s32 $0x200, s24;
	v42 =	vsub.f32 v54, v55;
	v25 =	vsub.f32 v56, v57;
	v43 =	vld [tilespmem:s22+$0xF020]  }
0x2ce: {  	v2 =	vmul.f32 v29, v29  }
0x2cf: {  	v0 =	vld [tilespmem:s22+$0x7030];
	v18 =	vmul.f32 v18, v18;
	v48 =	vmul.f32 v30, v30  }
0x2d0: {  	v1 =	vsub.f32 v26, v28;
	v47 =	vld [tilespmem:s22+$0xF030];
	v24 =	vmul.f32 v24, v24;
	v23 =	vmul.f32 v23, v23  }
0x2d1: {  	v16 =	vsub.f32 v27, v16;
	v49 =	vld [tilespmem:s22+$0x7070];
	v50 =	vmul.f32 v32, v32;
	v31 =	vmul.f32 v31, v31  }
0x2d2: {  	v15 =	vsub.f32 v15, v17;
	v52 =	vld [tilespmem:s22+$0xF070];
	v53 =	vmul.f32 v34, v34;
	v55 =	vmul.f32 v36, v36  }
0x2d3: {  	v51 =	vsub.f32 v33, v37;
	v56 =	vmul.f32 v38, v38;
	v58 =	vmul.f32 v40, v40  }
0x2d4: {  	v59 =	vmul.f32 v42, v42;
	v54 =	vsub.f32 v35, v41;
	v16 =	vmul.f32 v16, v16  }
0x2d5: {  	v15 =	vmul.f32 v15, v15;
	v57 =	vsub.f32 v39, v43;
	v0 =	vsub.f32 v0, v47  }
0x2d6: {  	v19 =	vsub.f32 v19, v22;
	v60 =	vmul.f32 v51, v51;
	v61 =	vmul.f32 v54, v54  }
0x2d7: {  	v17 =	vsub.f32 v49, v52;
	v62 =	vmul.f32 v57, v57;
	v0 =	vmul.f32 v0, v0  }
0x2d8: {  	v19 =	vmul.f32 v19, v19;
	v6 =	vadd.f32 v60, v6;
	v8 =	vadd.f32 v61, v8  }
0x2d9: {  	v5 =	vadd.f32 v62, v5;
	v0 =	vadd.f32 v0, v7;
	v7 =	vmul.f32 v17, v17  }
0x2da: {  	v63 =	vmul.f32 v25, v25;
	v6 =	vadd.f32 v16, v6;
	v8 =	vadd.f32 v15, v8  }
0x2db: {  	v1 =	vmul.f32 v1, v1;
	v5 =	vadd.f32 v19, v5;
	v0 =	vadd.f32 v7, v0  }
0x2dc: {  	v6 =	vadd.f32 v58, v6;
	v7 =	vadd.f32 v59, v8;
	v8 =	vmul.f32 v21, v21  }
0x2dd: {  	v5 =	vadd.f32 v63, v5;
	v0 =	vadd.f32 v1, v0;
	v1 =	vmul.f32 v20, v20  }
0x2de: {  	v14 =	vmul.f32 v14, v14;
	v6 =	vadd.f32 v55, v6;
	v7 =	vadd.f32 v56, v7  }
0x2df: {  	v5 =	vadd.f32 v8, v5;
	v0 =	vadd.f32 v1, v0;
	v1 =	vmul.f32 v13, v13  }
0x2e0: {  	v6 =	vadd.f32 v31, v6;
	v8 =	vmul.f32 v12, v12;
	v7 =	vadd.f32 v53, v7  }
0x2e1: {  	s21 =	sadd.s32 $0x1, s21;
	v5 =	vadd.f32 v14, v5;
	v0 =	vadd.f32 v1, v0;
	v1 =	vmul.f32 v11, v11  }
0x2e2: {  	v10 =	vmul.f32 v10, v10;
	p0 =	sne.s32 s21, $0x8;
	v6 =	vadd.f32 v23, v6;
	v7 =	vadd.f32 v50, v7  }
.Ltmp4:
0x2e3: {  	v5 =	vadd.f32 v8, v5;
	v0 =	vadd.f32 v1, v0;
	v1 =	vmul.f32 v9, v9;
	(pc) =	sbr.rel @p0 .LBB2_2-.Ltmp4, $4  }
0x2e4: {  	v4 =	vmul.f32 v4, v4;
	v6 =	vadd.f32 v48, v6;
	v7 =	vadd.f32 v24, v7  }
0x2e5: {  	v8 =	vadd.f32 v10, v5;
	v0 =	vadd.f32 v1, v0;
	v1 =	vmul.f32 v3, v3  }
0x2e6: {  	v6 =	vadd.f32 v2, v6;
	v5 =	vadd.f32 v18, v7  }
0x2e7: {  	v4 =	vadd.f32 v4, v8;
	v3 =	vadd.f32 v1, v0  }
0x2e8: {  	_ = 	snop  }
0x2e9: {  	v0 =	vadd.f32 v5, v6;
	v1 =	vadd.f32 v3, v4;
	_ =	sdelay $0x1  }
0x2ea: {  	s20 =	sadd.s32 $0x1, s20;
	v0 =	vadd.f32 v1, v0  }
0x2eb: {  	p0 =	sne.s32 s20, s10  }
.Ltmp5:
0x2ec: {  	s19 =	simm.s32 $0x11000;
	[tilespmem:$0x11000] =	vst v0;
	(pc) =	sbr.rel @p0 .LBB2_1-.Ltmp5, $4  }
0x2ed: {  	[hbm4b:s9+s3] =	stream.linear.scatter [tilespmem:s19], [sflag:$0x9], $0x80, $0x38;
	[tilespmem:$0x11080] =	vst v63  }
0x2ee: {  	_ =	swait.ge [sflag:s14], $0x80  }
0x2ef: {  	[sflag:s14] =	ssyncset.done $0x0  }
0x2f0: {  	[sflag:s14] =	ssyncadd.s32 $0xFFFFFF80  }
0x2f1: {  	_ =	sfence.sel $0x180000  }
0x2f2: {  	[bflag:$0x0] =	sbarrier.arrive $0xFFFF  }
0x2f3: {  	_ =	strace $0x90000047  }
0x2f4: {  	s0 =	stileid.u32;
	[bflag:$0x2] =	sbarrier.arrive $0xFFFF  }
0x2f5: {  	p0 =	sne.s32 s0, $0x0;
	s0 =	rddreg [dreg:$0x3]  }
0x2f6: {  	s0 =	sadd.s32 @!p0 $0x100000, s0  }
0x2f7: {  	[sflag:s0] =	ssyncadd.tile.s32 @!p0 $0x1;
	_ =	shalt  }
.Lfunc_end2:
_tile_overlayer_lowered:
.L_overlay_start_2:
0x2f8: {  	(tag) =	ssettag $0x2  }
0x2f9: {  	s0 =	rddreg [dreg:$0x0];
	s2 =	stileid.u32  }
0x2fa: {  	s1 =	rddreg [dreg:$0x1];
	p0 =	sne.s32 s2, $0x0  }
0x2fb: {  	s3 =	rddreg [dreg:$0x2];
	[bflag:$0x3] =	sbarrier.arrive $0xFFFF;
	s2 =	simm.s32 @!p0 $0x1C09  }
0x2fc: {  	[timem:s3], [sflag:s2] =	dma.local @!p0 [hbm:s0], s1  }
0x2fd: {  	s0 =	simm.s32 @!p0 $0x9  }
0x2fe: {  	_ =	swait.ge @!p0 [sflag:s0], s1  }
0x2ff: {  	s1 =	ssub.s32 @!p0 $0x0, s1;
	[sflag:s0] =	ssyncset.done @!p0 $0x0  }
0x300: {  	[sflag:s0] =	ssyncadd.s32 @!p0 s1  }
0x301: {  	[bflag:$0x3] =	sbarrier.arrive $0xFFFF  }
0x302: {  	_ =	shalt  }

</sc_bundles>
